<compile_context>
chip_gen: v7x
topology: tpu7x:2x2x1
jax: 0.10.2.dev20260603
libtpu: 0.0.44.dev20260713+nightly
codegen_flags: <defaults>
</compile_context>

<pallas_src>
import functools

import jax
import jax.numpy as jnp
from jax import lax
from jax.experimental import pallas as pl
from jax.experimental.pallas import tpu as pltpu
from jax.experimental.pallas import tpu_sc as plsc

N_NODES = 10000
D = 128
DH = D // 2
N_EDGES = 320000

NC = 2
NS = 16

CHUNK = 128
CHUNKS_PER_W = 157
LOOP_CHUNKS = 156
EDGES_PER_W = CHUNK * CHUNKS_PER_W
E_PAD = EDGES_PER_W * NS
ROWS_PER_TILE = 640
N_PAD = ROWS_PER_TILE * NS

NBUF = 6

_mesh = plsc.VectorSubcoreMesh(core_axis_name="c", subcore_axis_name="s")


@functools.partial(
    pl.kernel,
    out_type=jax.ShapeDtypeStruct((NC, N_PAD, DH), jnp.float32),
    mesh=_mesh,
    scratch_types=[
        pltpu.VMEM((CHUNKS_PER_W, CHUNK), jnp.int32),
        pltpu.VMEM((CHUNKS_PER_W, CHUNK), jnp.int32),
        [pltpu.VMEM((CHUNK, DH), jnp.float32) for _ in range(NBUF)],
        pltpu.VMEM_SHARED((N_PAD, DH), jnp.float32),
        [pltpu.SemaphoreType.DMA for _ in range(NBUF)],
        [pltpu.SemaphoreType.DMA for _ in range(NBUF)],
        pltpu.SemaphoreType.DMA,
    ],
    compiler_params=pltpu.CompilerParams(use_tc_tiling_on_sc=False),
)
def _sc_message_pass(x_hbm, src_hbm, dst_hbm, zeros_hbm, out_hbm,
                     src_v, dst_v, bufs, acc, gsem, ssem, zsem):
    c = lax.axis_index("c")
    s = lax.axis_index("s")

    rows = acc.at[pl.ds(s * ROWS_PER_TILE, ROWS_PER_TILE)]
    pltpu.async_copy(zeros_hbm, rows, zsem)
    pltpu.sync_copy(src_hbm.at[s], src_v)
    pltpu.sync_copy(dst_hbm.at[s], dst_v)

    xc = x_hbm.at[c]

    def gather(j, b):
        return pltpu.async_copy(xc.at[src_v.at[j]], bufs[b], gsem[b])

    def gwait(j, b):
        pltpu.make_async_copy(xc.at[src_v.at[j]], bufs[b], gsem[b]).wait()

    def scatter(j, b):
        return pltpu.async_copy(bufs[b], acc.at[dst_v.at[j]], ssem[b],
                                add=True)

    def swait(j, b):
        pltpu.make_async_copy(bufs[b], acc.at[dst_v.at[j]], ssem[b]).wait()

    for j in range(4):
        gather(j, j)
    pltpu.make_async_copy(zeros_hbm, rows, zsem).wait()
    plsc.subcore_barrier()

    @pl.loop(0, LOOP_CHUNKS, step=NBUF)
    def _(j0):
        for b in range(NBUF):
            j = j0 + b
            gwait(j, b)
            scatter(j, b)
            b2 = (b + 4) % NBUF

            @pl.when(j >= 2)
            def _():
                swait(j, b2)

            @pl.when(j + 4 < CHUNKS_PER_W)
            def _():
                gather(j + 4, b2)

    b_last = LOOP_CHUNKS % NBUF
    gwait(LOOP_CHUNKS, b_last)
    scatter(LOOP_CHUNKS, b_last)

    for j in range(LOOP_CHUNKS - 2, CHUNKS_PER_W):
        swait(0, j % NBUF)

    plsc.subcore_barrier()
    pltpu.sync_copy(acc.at[pl.ds(s * ROWS_PER_TILE, ROWS_PER_TILE)],
                    out_hbm.at[c, pl.ds(s * ROWS_PER_TILE, ROWS_PER_TILE)])


def _tc_body(relu, split_out, p_ref, g_ref, b_ref, w_ref, bias_ref, o_ref):
    h = jnp.concatenate([p_ref[0], p_ref[1]], axis=-1)
    mu = jnp.mean(h, axis=-1, keepdims=True)
    var = jnp.mean((h - mu) ** 2, axis=-1, keepdims=True)
    hn = (h - mu) * lax.rsqrt(var + 1e-5) * g_ref[...] + b_ref[...]
    y = lax.dot_general(hn, w_ref[...], (((1,), (1,)), ((), ())),
                        preferred_element_type=jnp.float32) + bias_ref[...]
    if relu:
        y = jnp.maximum(y, 0.0)
    if split_out:
        o_ref[0] = y[:, :DH]
        o_ref[1] = y[:, DH:]
    else:
        o_ref[...] = y


_TC_BLK = 2000


def _tc_norm_linear(partials, g, b, w, bias, relu, split_out):
    body = functools.partial(_tc_body, relu, split_out)
    if split_out:
        out_shape = jax.ShapeDtypeStruct((NC, N_NODES, DH), jnp.float32)
        out_spec = pl.BlockSpec((NC, _TC_BLK, DH), lambda i: (0, i, 0))
    else:
        out_shape = jax.ShapeDtypeStruct((N_NODES, D), jnp.float32)
        out_spec = pl.BlockSpec((_TC_BLK, D), lambda i: (i, 0))
    return pl.pallas_call(
        body,
        grid=(N_NODES // _TC_BLK,),
        in_specs=[
            pl.BlockSpec((NC, _TC_BLK, DH), lambda i: (0, i, 0)),
            pl.BlockSpec((1, D), lambda i: (0, 0)),
            pl.BlockSpec((1, D), lambda i: (0, 0)),
            pl.BlockSpec((D, D), lambda i: (0, 0)),
            pl.BlockSpec((1, D), lambda i: (0, 0)),
        ],
        out_specs=out_spec,
        out_shape=out_shape,
    )(partials, g.reshape(1, D), b.reshape(1, D), w, bias.reshape(1, D))


def kernel(features, edge_index, W1, b1, ln1_g, ln1_b, W2, b2, ln2_g, ln2_b,
           W3, b3, ln3_g, ln3_b):
    src = edge_index[0].astype(jnp.int32)
    dst = edge_index[1].astype(jnp.int32)
    pad = E_PAD - N_EDGES
    src_p = jnp.concatenate([src, jnp.zeros((pad,), jnp.int32)])
    dst_p = jnp.concatenate([dst, jnp.full((pad,), N_NODES, jnp.int32)])
    src_p = src_p.reshape(NS, CHUNKS_PER_W, CHUNK)
    dst_p = dst_p.reshape(NS, CHUNKS_PER_W, CHUNK)
    zeros = jnp.zeros((ROWS_PER_TILE, DH), jnp.float32)

    x = jnp.stack([features[:, :DH], features[:, DH:]])
    for w, bias, g, b, relu in ((W1, b1, ln1_g, ln1_b, True),
                                (W2, b2, ln2_g, ln2_b, True),
                                (W3, b3, ln3_g, ln3_b, False)):
        partials = _sc_message_pass(x, src_p, dst_p, zeros)
        x = _tc_norm_linear(partials, g, b, w, bias, relu,
                            split_out=relu)
    return x

# --- scband reference (transcript-rebuilt; emitter-appended) ---
"""Pipeline reference for scband-gcnmodule-27779848471368 (READ-ONLY COPY).

The authoritative reference and input builder live on the scoring server;
editing this copy changes nothing except your own understanding.
"""

import jax, jax.numpy as jnp
import numpy as np

N_NODES = 10000
N_EDGES = 320000
D = 128


def _layer_norm(h, g, b, eps=1e-5):
    mu = jnp.mean(h, axis=-1, keepdims=True)
    var = jnp.var(h, axis=-1, keepdims=True)
    return (h - mu) / jnp.sqrt(var + eps) * g + b


def _gcn_layer(x, src, dst, ln_g, ln_b, W, b):
    # copy_u('h','m') + sum reduce: h_dst = sum over incoming edges of h_src
    m = jnp.take(x, src, axis=0)
    h = jax.ops.segment_sum(m, dst, num_segments=N_NODES)
    h = _layer_norm(h, ln_g, ln_b)
    return h @ W.T + b


def setup_inputs(seed: int = 0) -> dict:
    key = jax.random.key(seed)
    ks = jax.random.split(key, 10)
    features = jax.random.normal(ks[0], (N_NODES, D), dtype=jnp.float32)
    edge_index = jax.random.randint(ks[1], (2, N_EDGES), 0, N_NODES, dtype=jnp.int64)
    params = {}
    for i, kw in zip([1, 2, 3], [ks[2], ks[3], ks[4]]):
        params[f'W{i}'] = jax.random.normal(kw, (D, D), dtype=jnp.float32) * (1.0 / np.sqrt(D))
        params[f'b{i}'] = jnp.zeros((D,), dtype=jnp.float32)
        params[f'ln{i}_g'] = jnp.ones((D,), dtype=jnp.float32)
        params[f'ln{i}_b'] = jnp.zeros((D,), dtype=jnp.float32)
    return {'features': features, 'edge_index': edge_index, **params}


def reference(features, edge_index, W1, b1, ln1_g, ln1_b, W2, b2, ln2_g, ln2_b, W3, b3, ln3_g, ln3_b):
    src = edge_index[0]
    dst = edge_index[1]
    x = jax.nn.relu(_gcn_layer(features, src, dst, ln1_g, ln1_b, W1, b1))
    x = jax.nn.relu(_gcn_layer(x, src, dst, ln2_g, ln2_b, W2, b2))
    x = _gcn_layer(x, src, dst, ln3_g, ln3_b, W3, b3)
    return x

if __name__ == "__main__":
    import jax
    _d = setup_inputs()
    print(jax.jit(kernel)(*tuple(_d.values())))

</pallas_src>

<mosaic_0001>
#map = affine_map<(d0, d1) -> (0, 0, 0)>
#map1 = affine_map<(d0, d1) -> (0, 0)>
module attributes {stable_mosaic.version = 14 : i64} {
  func.func @_sc_message_pass(%arg0: i32, %arg1: i32, %arg2: memref<2x10000x64xf32, #tpu.memory_space<hbm>>, %arg3: memref<16x157x128xi32, #tpu.memory_space<hbm>>, %arg4: memref<16x157x128xi32, #tpu.memory_space<hbm>>, %arg5: memref<640x64xf32, #tpu.memory_space<hbm>>, %arg6: memref<2x10240x64xf32, #tpu.memory_space<hbm>>, %arg7: memref<157x128xi32, #tpu.memory_space<vmem>>, %arg8: memref<157x128xi32, #tpu.memory_space<vmem>>, %arg9: memref<128x64xf32, #tpu.memory_space<vmem>>, %arg10: memref<128x64xf32, #tpu.memory_space<vmem>>, %arg11: memref<128x64xf32, #tpu.memory_space<vmem>>, %arg12: memref<128x64xf32, #tpu.memory_space<vmem>>, %arg13: memref<128x64xf32, #tpu.memory_space<vmem>>, %arg14: memref<128x64xf32, #tpu.memory_space<vmem>>, %arg15: memref<10240x64xf32, #tpu.memory_space<vmem_shared>>, %arg16: memref<!tpu.dma_semaphore, #tpu.memory_space<semaphore_mem>>, %arg17: memref<!tpu.dma_semaphore, #tpu.memory_space<semaphore_mem>>, %arg18: memref<!tpu.dma_semaphore, #tpu.memory_space<semaphore_mem>>, %arg19: memref<!tpu.dma_semaphore, #tpu.memory_space<semaphore_mem>>, %arg20: memref<!tpu.dma_semaphore, #tpu.memory_space<semaphore_mem>>, %arg21: memref<!tpu.dma_semaphore, #tpu.memory_space<semaphore_mem>>, %arg22: memref<!tpu.dma_semaphore, #tpu.memory_space<semaphore_mem>>, %arg23: memref<!tpu.dma_semaphore, #tpu.memory_space<semaphore_mem>>, %arg24: memref<!tpu.dma_semaphore, #tpu.memory_space<semaphore_mem>>, %arg25: memref<!tpu.dma_semaphore, #tpu.memory_space<semaphore_mem>>, %arg26: memref<!tpu.dma_semaphore, #tpu.memory_space<semaphore_mem>>, %arg27: memref<!tpu.dma_semaphore, #tpu.memory_space<semaphore_mem>>, %arg28: memref<!tpu.dma_semaphore, #tpu.memory_space<semaphore_mem>>) attributes {dimension_semantics = [#tpu.dimension_semantics<core_parallel>, #tpu.dimension_semantics<subcore_parallel>], iteration_bounds = array<i64: 2, 16>, scalar_prefetch = 0 : i64, scratch_operands = 22 : i64, tpu.core_type = #tpu.core_type<sc_vector_subcore>, window_params = [{transform_indices = #map}, {transform_indices = #map}, {transform_indices = #map}, {transform_indices = #map1}, {transform_indices = #map}]} {
    %mul3A = arith.constant 640 : i32
    %mul3A_0 = arith.muli %arg1, %mul3A : i32
    %dma_start3A = arith.constant 0 : i32
    %dma_start3A_1 = tpu.memref_slice %arg15[%mul3A_0, %dma_start3A] : memref<10240x64xf32, #tpu.memory_space<vmem_shared>> -> memref<640x64xf32, #tpu.memory_space<vmem_shared>>
    tpu.enqueue_dma source(%arg5 : memref<640x64xf32, #tpu.memory_space<hbm>>) target(%dma_start3A_1 : memref<640x64xf32, #tpu.memory_space<vmem_shared>>) target_semaphore(%arg28 : memref<!tpu.dma_semaphore, #tpu.memory_space<semaphore_mem>>)
    "tpu.region"() ({
      %run_scoped3A = tpu.sem_alloc : memref<!tpu.dma_semaphore, #tpu.memory_space<semaphore_mem>>
      %dma_start3A_95 = arith.constant 0 : i32
      %dma_start3A_96 = arith.constant 0 : i32
      %dma_start3A_97 = tpu.memref_slice %arg3[%arg1, %dma_start3A_95, %dma_start3A_96] : memref<16x157x128xi32, #tpu.memory_space<hbm>> -> memref<1x157x128xi32, #tpu.memory_space<hbm>>
      %dma_start3A_98 = tpu.memref_squeeze %dma_start3A_97 : memref<1x157x128xi32, #tpu.memory_space<hbm>> -> memref<157x128xi32, #tpu.memory_space<hbm>>
      %dma_start3A_99 = arith.constant 0 : i32
      %dma_start3A_100 = arith.constant 0 : i32
      %dma_start3A_101 = tpu.memref_slice %arg3[%arg1, %dma_start3A_99, %dma_start3A_100] : memref<16x157x128xi32, #tpu.memory_space<hbm>> -> memref<1x157x128xi32, #tpu.memory_space<hbm>>
      %dma_start3A_102 = tpu.memref_squeeze %dma_start3A_101 : memref<1x157x128xi32, #tpu.memory_space<hbm>> -> memref<157x128xi32, #tpu.memory_space<hbm>>
      tpu.enqueue_dma source(%dma_start3A_102 : memref<157x128xi32, #tpu.memory_space<hbm>>) target(%arg7 : memref<157x128xi32, #tpu.memory_space<vmem>>) target_semaphore(%run_scoped3A : memref<!tpu.dma_semaphore, #tpu.memory_space<semaphore_mem>>)
      %dma_wait3A_103 = arith.constant 0 : i32
      %dma_wait3A_104 = arith.constant 0 : i32
      %dma_wait3A_105 = tpu.memref_slice %arg3[%arg1, %dma_wait3A_103, %dma_wait3A_104] : memref<16x157x128xi32, #tpu.memory_space<hbm>> -> memref<1x157x128xi32, #tpu.memory_space<hbm>>
      %dma_wait3A_106 = tpu.memref_squeeze %dma_wait3A_105 : memref<1x157x128xi32, #tpu.memory_space<hbm>> -> memref<157x128xi32, #tpu.memory_space<hbm>>
      %dma_wait3A_107 = arith.constant 0 : i32
      %dma_wait3A_108 = arith.constant 0 : i32
      %dma_wait3A_109 = tpu.memref_slice %arg3[%arg1, %dma_wait3A_107, %dma_wait3A_108] : memref<16x157x128xi32, #tpu.memory_space<hbm>> -> memref<1x157x128xi32, #tpu.memory_space<hbm>>
      %dma_wait3A_110 = tpu.memref_squeeze %dma_wait3A_109 : memref<1x157x128xi32, #tpu.memory_space<hbm>> -> memref<157x128xi32, #tpu.memory_space<hbm>>
      tpu.wait_dma2 semaphore(%run_scoped3A : memref<!tpu.dma_semaphore, #tpu.memory_space<semaphore_mem>>) src(%dma_wait3A_110 : memref<157x128xi32, #tpu.memory_space<hbm>>) dst(%arg7 : memref<157x128xi32, #tpu.memory_space<vmem>>)
      tpu.yield
    }) : () -> ()
    "tpu.region"() ({
      %run_scoped3A = tpu.sem_alloc : memref<!tpu.dma_semaphore, #tpu.memory_space<semaphore_mem>>
      %dma_start3A_95 = arith.constant 0 : i32
      %dma_start3A_96 = arith.constant 0 : i32
      %dma_start3A_97 = tpu.memref_slice %arg4[%arg1, %dma_start3A_95, %dma_start3A_96] : memref<16x157x128xi32, #tpu.memory_space<hbm>> -> memref<1x157x128xi32, #tpu.memory_space<hbm>>
      %dma_start3A_98 = tpu.memref_squeeze %dma_start3A_97 : memref<1x157x128xi32, #tpu.memory_space<hbm>> -> memref<157x128xi32, #tpu.memory_space<hbm>>
      %dma_start3A_99 = arith.constant 0 : i32
      %dma_start3A_100 = arith.constant 0 : i32
      %dma_start3A_101 = tpu.memref_slice %arg4[%arg1, %dma_start3A_99, %dma_start3A_100] : memref<16x157x128xi32, #tpu.memory_space<hbm>> -> memref<1x157x128xi32, #tpu.memory_space<hbm>>
      %dma_start3A_102 = tpu.memref_squeeze %dma_start3A_101 : memref<1x157x128xi32, #tpu.memory_space<hbm>> -> memref<157x128xi32, #tpu.memory_space<hbm>>
      tpu.enqueue_dma source(%dma_start3A_102 : memref<157x128xi32, #tpu.memory_space<hbm>>) target(%arg8 : memref<157x128xi32, #tpu.memory_space<vmem>>) target_semaphore(%run_scoped3A : memref<!tpu.dma_semaphore, #tpu.memory_space<semaphore_mem>>)
      %dma_wait3A_103 = arith.constant 0 : i32
      %dma_wait3A_104 = arith.constant 0 : i32
      %dma_wait3A_105 = tpu.memref_slice %arg4[%arg1, %dma_wait3A_103, %dma_wait3A_104] : memref<16x157x128xi32, #tpu.memory_space<hbm>> -> memref<1x157x128xi32, #tpu.memory_space<hbm>>
      %dma_wait3A_106 = tpu.memref_squeeze %dma_wait3A_105 : memref<1x157x128xi32, #tpu.memory_space<hbm>> -> memref<157x128xi32, #tpu.memory_space<hbm>>
      %dma_wait3A_107 = arith.constant 0 : i32
      %dma_wait3A_108 = arith.constant 0 : i32
      %dma_wait3A_109 = tpu.memref_slice %arg4[%arg1, %dma_wait3A_107, %dma_wait3A_108] : memref<16x157x128xi32, #tpu.memory_space<hbm>> -> memref<1x157x128xi32, #tpu.memory_space<hbm>>
      %dma_wait3A_110 = tpu.memref_squeeze %dma_wait3A_109 : memref<1x157x128xi32, #tpu.memory_space<hbm>> -> memref<157x128xi32, #tpu.memory_space<hbm>>
      tpu.wait_dma2 semaphore(%run_scoped3A : memref<!tpu.dma_semaphore, #tpu.memory_space<semaphore_mem>>) src(%dma_wait3A_110 : memref<157x128xi32, #tpu.memory_space<hbm>>) dst(%arg8 : memref<157x128xi32, #tpu.memory_space<vmem>>)
      tpu.yield
    }) : () -> ()
    %dma_start3A_2 = arith.constant 0 : i32
    %dma_start3A_3 = arith.constant 0 : i32
    %dma_start3A_4 = tpu.memref_slice %arg7[%dma_start3A_2, %dma_start3A_3] : memref<157x128xi32, #tpu.memory_space<vmem>> -> memref<1x128xi32, #tpu.memory_space<vmem>>
    %dma_start3A_5 = tpu.memref_squeeze %dma_start3A_4 : memref<1x128xi32, #tpu.memory_space<vmem>> -> memref<128xi32, #tpu.memory_space<vmem>>
    %dma_start3A_6 = arith.constant 0 : i32
    %dma_start3A_7 = arith.constant 0 : i32
    %dma_start3A_8 = tpu.memref_slice %arg2[%arg0, %dma_start3A_6, %dma_start3A_7] : memref<2x10000x64xf32, #tpu.memory_space<hbm>> -> memref<1x10000x64xf32, #tpu.memory_space<hbm>>
    %dma_start3A_9 = tpu.memref_squeeze %dma_start3A_8 : memref<1x10000x64xf32, #tpu.memory_space<hbm>> -> memref<10000x64xf32, #tpu.memory_space<hbm>>
    %dma_start3A_10 = arith.constant 0 : i32
    %dma_start3A_11 = arith.constant 0 : i32
    %dma_start3A_12 = tpu.memref_slice %dma_start3A_9[%dma_start3A_10, %dma_start3A_11] : memref<10000x64xf32, #tpu.memory_space<hbm>> -> memref<10000x64xf32, #tpu.memory_space<hbm>>
    tpu.enqueue_indirect_dma source(%dma_start3A_12 : memref<10000x64xf32, #tpu.memory_space<hbm>>) target(%arg9 : memref<128x64xf32, #tpu.memory_space<vmem>>) offsets(%dma_start3A_5 : memref<128xi32, #tpu.memory_space<vmem>>) semaphore(%arg16 : memref<!tpu.dma_semaphore, #tpu.memory_space<semaphore_mem>>)
    %dma_start3A_13 = arith.constant 1 : i32
    %dma_start3A_14 = arith.constant 0 : i32
    %dma_start3A_15 = tpu.memref_slice %arg7[%dma_start3A_13, %dma_start3A_14] : memref<157x128xi32, #tpu.memory_space<vmem>> -> memref<1x128xi32, #tpu.memory_space<vmem>>
    %dma_start3A_16 = tpu.memref_squeeze %dma_start3A_15 : memref<1x128xi32, #tpu.memory_space<vmem>> -> memref<128xi32, #tpu.memory_space<vmem>>
    %dma_start3A_17 = arith.constant 0 : i32
    %dma_start3A_18 = arith.constant 0 : i32
    %dma_start3A_19 = tpu.memref_slice %arg2[%arg0, %dma_start3A_17, %dma_start3A_18] : memref<2x10000x64xf32, #tpu.memory_space<hbm>> -> memref<1x10000x64xf32, #tpu.memory_space<hbm>>
    %dma_start3A_20 = tpu.memref_squeeze %dma_start3A_19 : memref<1x10000x64xf32, #tpu.memory_space<hbm>> -> memref<10000x64xf32, #tpu.memory_space<hbm>>
    %dma_start3A_21 = arith.constant 0 : i32
    %dma_start3A_22 = arith.constant 0 : i32
    %dma_start3A_23 = tpu.memref_slice %dma_start3A_20[%dma_start3A_21, %dma_start3A_22] : memref<10000x64xf32, #tpu.memory_space<hbm>> -> memref<10000x64xf32, #tpu.memory_space<hbm>>
    tpu.enqueue_indirect_dma source(%dma_start3A_23 : memref<10000x64xf32, #tpu.memory_space<hbm>>) target(%arg10 : memref<128x64xf32, #tpu.memory_space<vmem>>) offsets(%dma_start3A_16 : memref<128xi32, #tpu.memory_space<vmem>>) semaphore(%arg17 : memref<!tpu.dma_semaphore, #tpu.memory_space<semaphore_mem>>)
    %dma_start3A_24 = arith.constant 2 : i32
    %dma_start3A_25 = arith.constant 0 : i32
    %dma_start3A_26 = tpu.memref_slice %arg7[%dma_start3A_24, %dma_start3A_25] : memref<157x128xi32, #tpu.memory_space<vmem>> -> memref<1x128xi32, #tpu.memory_space<vmem>>
    %dma_start3A_27 = tpu.memref_squeeze %dma_start3A_26 : memref<1x128xi32, #tpu.memory_space<vmem>> -> memref<128xi32, #tpu.memory_space<vmem>>
    %dma_start3A_28 = arith.constant 0 : i32
    %dma_start3A_29 = arith.constant 0 : i32
    %dma_start3A_30 = tpu.memref_slice %arg2[%arg0, %dma_start3A_28, %dma_start3A_29] : memref<2x10000x64xf32, #tpu.memory_space<hbm>> -> memref<1x10000x64xf32, #tpu.memory_space<hbm>>
    %dma_start3A_31 = tpu.memref_squeeze %dma_start3A_30 : memref<1x10000x64xf32, #tpu.memory_space<hbm>> -> memref<10000x64xf32, #tpu.memory_space<hbm>>
    %dma_start3A_32 = arith.constant 0 : i32
    %dma_start3A_33 = arith.constant 0 : i32
    %dma_start3A_34 = tpu.memref_slice %dma_start3A_31[%dma_start3A_32, %dma_start3A_33] : memref<10000x64xf32, #tpu.memory_space<hbm>> -> memref<10000x64xf32, #tpu.memory_space<hbm>>
    tpu.enqueue_indirect_dma source(%dma_start3A_34 : memref<10000x64xf32, #tpu.memory_space<hbm>>) target(%arg11 : memref<128x64xf32, #tpu.memory_space<vmem>>) offsets(%dma_start3A_27 : memref<128xi32, #tpu.memory_space<vmem>>) semaphore(%arg18 : memref<!tpu.dma_semaphore, #tpu.memory_space<semaphore_mem>>)
    %dma_start3A_35 = arith.constant 3 : i32
    %dma_start3A_36 = arith.constant 0 : i32
    %dma_start3A_37 = tpu.memref_slice %arg7[%dma_start3A_35, %dma_start3A_36] : memref<157x128xi32, #tpu.memory_space<vmem>> -> memref<1x128xi32, #tpu.memory_space<vmem>>
    %dma_start3A_38 = tpu.memref_squeeze %dma_start3A_37 : memref<1x128xi32, #tpu.memory_space<vmem>> -> memref<128xi32, #tpu.memory_space<vmem>>
    %dma_start3A_39 = arith.constant 0 : i32
    %dma_start3A_40 = arith.constant 0 : i32
    %dma_start3A_41 = tpu.memref_slice %arg2[%arg0, %dma_start3A_39, %dma_start3A_40] : memref<2x10000x64xf32, #tpu.memory_space<hbm>> -> memref<1x10000x64xf32, #tpu.memory_space<hbm>>
    %dma_start3A_42 = tpu.memref_squeeze %dma_start3A_41 : memref<1x10000x64xf32, #tpu.memory_space<hbm>> -> memref<10000x64xf32, #tpu.memory_space<hbm>>
    %dma_start3A_43 = arith.constant 0 : i32
    %dma_start3A_44 = arith.constant 0 : i32
    %dma_start3A_45 = tpu.memref_slice %dma_start3A_42[%dma_start3A_43, %dma_start3A_44] : memref<10000x64xf32, #tpu.memory_space<hbm>> -> memref<10000x64xf32, #tpu.memory_space<hbm>>
    tpu.enqueue_indirect_dma source(%dma_start3A_45 : memref<10000x64xf32, #tpu.memory_space<hbm>>) target(%arg12 : memref<128x64xf32, #tpu.memory_space<vmem>>) offsets(%dma_start3A_38 : memref<128xi32, #tpu.memory_space<vmem>>) semaphore(%arg19 : memref<!tpu.dma_semaphore, #tpu.memory_space<semaphore_mem>>)
    %dma_wait3A = arith.constant 0 : i32
    %dma_wait3A_46 = tpu.memref_slice %arg15[%mul3A_0, %dma_wait3A] : memref<10240x64xf32, #tpu.memory_space<vmem_shared>> -> memref<640x64xf32, #tpu.memory_space<vmem_shared>>
    tpu.wait_dma2 semaphore(%arg28 : memref<!tpu.dma_semaphore, #tpu.memory_space<semaphore_mem>>) src(%arg5 : memref<640x64xf32, #tpu.memory_space<hbm>>) dst(%dma_wait3A_46 : memref<640x64xf32, #tpu.memory_space<vmem_shared>>)
    %barrier3A = arith.constant 0 : index
    tpu.barrier barrier_id(%barrier3A)
    %scan3A = arith.constant 0 : i32
    %scan3A_47 = arith.constant 26 : i32
    %scan3A_48 = arith.addi %scan3A, %scan3A_47 : i32
    %scan3A_49 = arith.constant 1 : i32
    scf.for %scan3A_95 = %scan3A to %scan3A_48 step %scan3A_49  : i32 {
      %mul3A_96 = arith.constant 6 : i32
      %mul3A_97 = arith.muli %scan3A_95, %mul3A_96 : i32
      %add3A = arith.constant 0 : i32
      %add3A_98 = arith.addi %add3A, %mul3A_97 : i32
      %add3A_99 = arith.constant 0 : i32
      %add3A_100 = arith.addi %add3A_98, %add3A_99 : i32
      %dma_wait3A_101 = arith.constant 0 : i32
      %dma_wait3A_102 = tpu.memref_slice %arg7[%add3A_100, %dma_wait3A_101] : memref<157x128xi32, #tpu.memory_space<vmem>> -> memref<1x128xi32, #tpu.memory_space<vmem>>
      %dma_wait3A_103 = tpu.memref_squeeze %dma_wait3A_102 : memref<1x128xi32, #tpu.memory_space<vmem>> -> memref<128xi32, #tpu.memory_space<vmem>>
      %dma_wait3A_104 = arith.constant 0 : i32
      %dma_wait3A_105 = arith.constant 0 : i32
      %dma_wait3A_106 = tpu.memref_slice %arg2[%arg0, %dma_wait3A_104, %dma_wait3A_105] : memref<2x10000x64xf32, #tpu.memory_space<hbm>> -> memref<1x10000x64xf32, #tpu.memory_space<hbm>>
      %dma_wait3A_107 = tpu.memref_squeeze %dma_wait3A_106 : memref<1x10000x64xf32, #tpu.memory_space<hbm>> -> memref<10000x64xf32, #tpu.memory_space<hbm>>
      %dma_wait3A_108 = arith.constant 0 : i32
      %dma_wait3A_109 = arith.constant 0 : i32
      %dma_wait3A_110 = tpu.memref_slice %dma_wait3A_107[%dma_wait3A_108, %dma_wait3A_109] : memref<10000x64xf32, #tpu.memory_space<hbm>> -> memref<10000x64xf32, #tpu.memory_space<hbm>>
      tpu.wait_indirect_dma semaphore(%arg16 : memref<!tpu.dma_semaphore, #tpu.memory_space<semaphore_mem>>) src(%dma_wait3A_110 : memref<10000x64xf32, #tpu.memory_space<hbm>>) dst(%arg9 : memref<128x64xf32, #tpu.memory_space<vmem>>)
      %dma_start3A_111 = arith.constant 0 : i32
      %dma_start3A_112 = tpu.memref_slice %arg8[%add3A_100, %dma_start3A_111] : memref<157x128xi32, #tpu.memory_space<vmem>> -> memref<1x128xi32, #tpu.memory_space<vmem>>
      %dma_start3A_113 = tpu.memref_squeeze %dma_start3A_112 : memref<1x128xi32, #tpu.memory_space<vmem>> -> memref<128xi32, #tpu.memory_space<vmem>>
      %dma_start3A_114 = arith.constant 0 : i32
      %dma_start3A_115 = arith.constant 0 : i32
      %dma_start3A_116 = tpu.memref_slice %arg15[%dma_start3A_114, %dma_start3A_115] : memref<10240x64xf32, #tpu.memory_space<vmem_shared>> -> memref<10240x64xf32, #tpu.memory_space<vmem_shared>>
      tpu.enqueue_indirect_dma source(%arg9 : memref<128x64xf32, #tpu.memory_space<vmem>>) target(%dma_start3A_116 : memref<10240x64xf32, #tpu.memory_space<vmem_shared>>) offsets(%dma_start3A_113 : memref<128xi32, #tpu.memory_space<vmem>>) semaphore(%arg22 : memref<!tpu.dma_semaphore, #tpu.memory_space<semaphore_mem>>) {add = true}
      %ge3A = arith.constant 2 : i32
      %ge3A_117 = arith.cmpi sge, %add3A_100, %ge3A : i32
      %convert_element_type3A = arith.extui %ge3A_117 : i1 to i32
      %cond3A = arith.constant 0 : i32
      %cond3A_118 = arith.cmpi ne, %convert_element_type3A, %cond3A : i32
      scf.if %cond3A_118 {
        %dma_wait3A_275 = arith.constant 0 : i32
        %dma_wait3A_276 = tpu.memref_slice %arg8[%add3A_100, %dma_wait3A_275] : memref<157x128xi32, #tpu.memory_space<vmem>> -> memref<1x128xi32, #tpu.memory_space<vmem>>
        %dma_wait3A_277 = tpu.memref_squeeze %dma_wait3A_276 : memref<1x128xi32, #tpu.memory_space<vmem>> -> memref<128xi32, #tpu.memory_space<vmem>>
        %dma_wait3A_278 = arith.constant 0 : i32
        %dma_wait3A_279 = arith.constant 0 : i32
        %dma_wait3A_280 = tpu.memref_slice %arg15[%dma_wait3A_278, %dma_wait3A_279] : memref<10240x64xf32, #tpu.memory_space<vmem_shared>> -> memref<10240x64xf32, #tpu.memory_space<vmem_shared>>
        tpu.wait_indirect_dma semaphore(%arg26 : memref<!tpu.dma_semaphore, #tpu.memory_space<semaphore_mem>>) src(%arg13 : memref<128x64xf32, #tpu.memory_space<vmem>>) dst(%dma_wait3A_280 : memref<10240x64xf32, #tpu.memory_space<vmem_shared>>)
      } else {
      }
      %add3A_119 = arith.constant 4 : i32
      %add3A_120 = arith.addi %add3A_100, %add3A_119 : i32
      %lt3A = arith.constant 157 : i32
      %lt3A_121 = arith.cmpi slt, %add3A_120, %lt3A : i32
      %convert_element_type3A_122 = arith.extui %lt3A_121 : i1 to i32
      %cond3A_123 = arith.constant 0 : i32
      %cond3A_124 = arith.cmpi ne, %convert_element_type3A_122, %cond3A_123 : i32
      scf.if %cond3A_124 {
        %add3A_275 = arith.constant 4 : i32
        %add3A_276 = arith.addi %add3A_100, %add3A_275 : i32
        %dma_start3A_277 = arith.constant 0 : i32
        %dma_start3A_278 = tpu.memref_slice %arg7[%add3A_276, %dma_start3A_277] : memref<157x128xi32, #tpu.memory_space<vmem>> -> memref<1x128xi32, #tpu.memory_space<vmem>>
        %dma_start3A_279 = tpu.memref_squeeze %dma_start3A_278 : memref<1x128xi32, #tpu.memory_space<vmem>> -> memref<128xi32, #tpu.memory_space<vmem>>
        %dma_start3A_280 = arith.constant 0 : i32
        %dma_start3A_281 = arith.constant 0 : i32
        %dma_start3A_282 = tpu.memref_slice %arg2[%arg0, %dma_start3A_280, %dma_start3A_281] : memref<2x10000x64xf32, #tpu.memory_space<hbm>> -> memref<1x10000x64xf32, #tpu.memory_space<hbm>>
        %dma_start3A_283 = tpu.memref_squeeze %dma_start3A_282 : memref<1x10000x64xf32, #tpu.memory_space<hbm>> -> memref<10000x64xf32, #tpu.memory_space<hbm>>
        %dma_start3A_284 = arith.constant 0 : i32
        %dma_start3A_285 = arith.constant 0 : i32
        %dma_start3A_286 = tpu.memref_slice %dma_start3A_283[%dma_start3A_284, %dma_start3A_285] : memref<10000x64xf32, #tpu.memory_space<hbm>> -> memref<10000x64xf32, #tpu.memory_space<hbm>>
        tpu.enqueue_indirect_dma source(%dma_start3A_286 : memref<10000x64xf32, #tpu.memory_space<hbm>>) target(%arg13 : memref<128x64xf32, #tpu.memory_space<vmem>>) offsets(%dma_start3A_279 : memref<128xi32, #tpu.memory_space<vmem>>) semaphore(%arg20 : memref<!tpu.dma_semaphore, #tpu.memory_space<semaphore_mem>>)
      } else {
      }
      %add3A_125 = arith.constant 1 : i32
      %add3A_126 = arith.addi %add3A_98, %add3A_125 : i32
      %dma_wait3A_127 = arith.constant 0 : i32
      %dma_wait3A_128 = tpu.memref_slice %arg7[%add3A_126, %dma_wait3A_127] : memref<157x128xi32, #tpu.memory_space<vmem>> -> memref<1x128xi32, #tpu.memory_space<vmem>>
      %dma_wait3A_129 = tpu.memref_squeeze %dma_wait3A_128 : memref<1x128xi32, #tpu.memory_space<vmem>> -> memref<128xi32, #tpu.memory_space<vmem>>
      %dma_wait3A_130 = arith.constant 0 : i32
      %dma_wait3A_131 = arith.constant 0 : i32
      %dma_wait3A_132 = tpu.memref_slice %arg2[%arg0, %dma_wait3A_130, %dma_wait3A_131] : memref<2x10000x64xf32, #tpu.memory_space<hbm>> -> memref<1x10000x64xf32, #tpu.memory_space<hbm>>
      %dma_wait3A_133 = tpu.memref_squeeze %dma_wait3A_132 : memref<1x10000x64xf32, #tpu.memory_space<hbm>> -> memref<10000x64xf32, #tpu.memory_space<hbm>>
      %dma_wait3A_134 = arith.constant 0 : i32
      %dma_wait3A_135 = arith.constant 0 : i32
      %dma_wait3A_136 = tpu.memref_slice %dma_wait3A_133[%dma_wait3A_134, %dma_wait3A_135] : memref<10000x64xf32, #tpu.memory_space<hbm>> -> memref<10000x64xf32, #tpu.memory_space<hbm>>
      tpu.wait_indirect_dma semaphore(%arg17 : memref<!tpu.dma_semaphore, #tpu.memory_space<semaphore_mem>>) src(%dma_wait3A_136 : memref<10000x64xf32, #tpu.memory_space<hbm>>) dst(%arg10 : memref<128x64xf32, #tpu.memory_space<vmem>>)
      %dma_start3A_137 = arith.constant 0 : i32
      %dma_start3A_138 = tpu.memref_slice %arg8[%add3A_126, %dma_start3A_137] : memref<157x128xi32, #tpu.memory_space<vmem>> -> memref<1x128xi32, #tpu.memory_space<vmem>>
      %dma_start3A_139 = tpu.memref_squeeze %dma_start3A_138 : memref<1x128xi32, #tpu.memory_space<vmem>> -> memref<128xi32, #tpu.memory_space<vmem>>
      %dma_start3A_140 = arith.constant 0 : i32
      %dma_start3A_141 = arith.constant 0 : i32
      %dma_start3A_142 = tpu.memref_slice %arg15[%dma_start3A_140, %dma_start3A_141] : memref<10240x64xf32, #tpu.memory_space<vmem_shared>> -> memref<10240x64xf32, #tpu.memory_space<vmem_shared>>
      tpu.enqueue_indirect_dma source(%arg10 : memref<128x64xf32, #tpu.memory_space<vmem>>) target(%dma_start3A_142 : memref<10240x64xf32, #tpu.memory_space<vmem_shared>>) offsets(%dma_start3A_139 : memref<128xi32, #tpu.memory_space<vmem>>) semaphore(%arg23 : memref<!tpu.dma_semaphore, #tpu.memory_space<semaphore_mem>>) {add = true}
      %ge3A_143 = arith.constant 2 : i32
      %ge3A_144 = arith.cmpi sge, %add3A_126, %ge3A_143 : i32
      %convert_element_type3A_145 = arith.extui %ge3A_144 : i1 to i32
      %cond3A_146 = arith.constant 0 : i32
      %cond3A_147 = arith.cmpi ne, %convert_element_type3A_145, %cond3A_146 : i32
      scf.if %cond3A_147 {
        %dma_wait3A_275 = arith.constant 0 : i32
        %dma_wait3A_276 = tpu.memref_slice %arg8[%add3A_126, %dma_wait3A_275] : memref<157x128xi32, #tpu.memory_space<vmem>> -> memref<1x128xi32, #tpu.memory_space<vmem>>
        %dma_wait3A_277 = tpu.memref_squeeze %dma_wait3A_276 : memref<1x128xi32, #tpu.memory_space<vmem>> -> memref<128xi32, #tpu.memory_space<vmem>>
        %dma_wait3A_278 = arith.constant 0 : i32
        %dma_wait3A_279 = arith.constant 0 : i32
        %dma_wait3A_280 = tpu.memref_slice %arg15[%dma_wait3A_278, %dma_wait3A_279] : memref<10240x64xf32, #tpu.memory_space<vmem_shared>> -> memref<10240x64xf32, #tpu.memory_space<vmem_shared>>
        tpu.wait_indirect_dma semaphore(%arg27 : memref<!tpu.dma_semaphore, #tpu.memory_space<semaphore_mem>>) src(%arg14 : memref<128x64xf32, #tpu.memory_space<vmem>>) dst(%dma_wait3A_280 : memref<10240x64xf32, #tpu.memory_space<vmem_shared>>)
      } else {
      }
      %add3A_148 = arith.constant 4 : i32
      %add3A_149 = arith.addi %add3A_126, %add3A_148 : i32
      %lt3A_150 = arith.constant 157 : i32
      %lt3A_151 = arith.cmpi slt, %add3A_149, %lt3A_150 : i32
      %convert_element_type3A_152 = arith.extui %lt3A_151 : i1 to i32
      %cond3A_153 = arith.constant 0 : i32
      %cond3A_154 = arith.cmpi ne, %convert_element_type3A_152, %cond3A_153 : i32
      scf.if %cond3A_154 {
        %add3A_275 = arith.constant 4 : i32
        %add3A_276 = arith.addi %add3A_126, %add3A_275 : i32
        %dma_start3A_277 = arith.constant 0 : i32
        %dma_start3A_278 = tpu.memref_slice %arg7[%add3A_276, %dma_start3A_277] : memref<157x128xi32, #tpu.memory_space<vmem>> -> memref<1x128xi32, #tpu.memory_space<vmem>>
        %dma_start3A_279 = tpu.memref_squeeze %dma_start3A_278 : memref<1x128xi32, #tpu.memory_space<vmem>> -> memref<128xi32, #tpu.memory_space<vmem>>
        %dma_start3A_280 = arith.constant 0 : i32
        %dma_start3A_281 = arith.constant 0 : i32
        %dma_start3A_282 = tpu.memref_slice %arg2[%arg0, %dma_start3A_280, %dma_start3A_281] : memref<2x10000x64xf32, #tpu.memory_space<hbm>> -> memref<1x10000x64xf32, #tpu.memory_space<hbm>>
        %dma_start3A_283 = tpu.memref_squeeze %dma_start3A_282 : memref<1x10000x64xf32, #tpu.memory_space<hbm>> -> memref<10000x64xf32, #tpu.memory_space<hbm>>
        %dma_start3A_284 = arith.constant 0 : i32
        %dma_start3A_285 = arith.constant 0 : i32
        %dma_start3A_286 = tpu.memref_slice %dma_start3A_283[%dma_start3A_284, %dma_start3A_285] : memref<10000x64xf32, #tpu.memory_space<hbm>> -> memref<10000x64xf32, #tpu.memory_space<hbm>>
        tpu.enqueue_indirect_dma source(%dma_start3A_286 : memref<10000x64xf32, #tpu.memory_space<hbm>>) target(%arg14 : memref<128x64xf32, #tpu.memory_space<vmem>>) offsets(%dma_start3A_279 : memref<128xi32, #tpu.memory_space<vmem>>) semaphore(%arg21 : memref<!tpu.dma_semaphore, #tpu.memory_space<semaphore_mem>>)
      } else {
      }
      %add3A_155 = arith.constant 2 : i32
      %add3A_156 = arith.addi %add3A_98, %add3A_155 : i32
      %dma_wait3A_157 = arith.constant 0 : i32
      %dma_wait3A_158 = tpu.memref_slice %arg7[%add3A_156, %dma_wait3A_157] : memref<157x128xi32, #tpu.memory_space<vmem>> -> memref<1x128xi32, #tpu.memory_space<vmem>>
      %dma_wait3A_159 = tpu.memref_squeeze %dma_wait3A_158 : memref<1x128xi32, #tpu.memory_space<vmem>> -> memref<128xi32, #tpu.memory_space<vmem>>
      %dma_wait3A_160 = arith.constant 0 : i32
      %dma_wait3A_161 = arith.constant 0 : i32
      %dma_wait3A_162 = tpu.memref_slice %arg2[%arg0, %dma_wait3A_160, %dma_wait3A_161] : memref<2x10000x64xf32, #tpu.memory_space<hbm>> -> memref<1x10000x64xf32, #tpu.memory_space<hbm>>
      %dma_wait3A_163 = tpu.memref_squeeze %dma_wait3A_162 : memref<1x10000x64xf32, #tpu.memory_space<hbm>> -> memref<10000x64xf32, #tpu.memory_space<hbm>>
      %dma_wait3A_164 = arith.constant 0 : i32
      %dma_wait3A_165 = arith.constant 0 : i32
      %dma_wait3A_166 = tpu.memref_slice %dma_wait3A_163[%dma_wait3A_164, %dma_wait3A_165] : memref<10000x64xf32, #tpu.memory_space<hbm>> -> memref<10000x64xf32, #tpu.memory_space<hbm>>
      tpu.wait_indirect_dma semaphore(%arg18 : memref<!tpu.dma_semaphore, #tpu.memory_space<semaphore_mem>>) src(%dma_wait3A_166 : memref<10000x64xf32, #tpu.memory_space<hbm>>) dst(%arg11 : memref<128x64xf32, #tpu.memory_space<vmem>>)
      %dma_start3A_167 = arith.constant 0 : i32
      %dma_start3A_168 = tpu.memref_slice %arg8[%add3A_156, %dma_start3A_167] : memref<157x128xi32, #tpu.memory_space<vmem>> -> memref<1x128xi32, #tpu.memory_space<vmem>>
      %dma_start3A_169 = tpu.memref_squeeze %dma_start3A_168 : memref<1x128xi32, #tpu.memory_space<vmem>> -> memref<128xi32, #tpu.memory_space<vmem>>
      %dma_start3A_170 = arith.constant 0 : i32
      %dma_start3A_171 = arith.constant 0 : i32
      %dma_start3A_172 = tpu.memref_slice %arg15[%dma_start3A_170, %dma_start3A_171] : memref<10240x64xf32, #tpu.memory_space<vmem_shared>> -> memref<10240x64xf32, #tpu.memory_space<vmem_shared>>
      tpu.enqueue_indirect_dma source(%arg11 : memref<128x64xf32, #tpu.memory_space<vmem>>) target(%dma_start3A_172 : memref<10240x64xf32, #tpu.memory_space<vmem_shared>>) offsets(%dma_start3A_169 : memref<128xi32, #tpu.memory_space<vmem>>) semaphore(%arg24 : memref<!tpu.dma_semaphore, #tpu.memory_space<semaphore_mem>>) {add = true}
      %ge3A_173 = arith.constant 2 : i32
      %ge3A_174 = arith.cmpi sge, %add3A_156, %ge3A_173 : i32
      %convert_element_type3A_175 = arith.extui %ge3A_174 : i1 to i32
      %cond3A_176 = arith.constant 0 : i32
      %cond3A_177 = arith.cmpi ne, %convert_element_type3A_175, %cond3A_176 : i32
      scf.if %cond3A_177 {
        %dma_wait3A_275 = arith.constant 0 : i32
        %dma_wait3A_276 = tpu.memref_slice %arg8[%add3A_156, %dma_wait3A_275] : memref<157x128xi32, #tpu.memory_space<vmem>> -> memref<1x128xi32, #tpu.memory_space<vmem>>
        %dma_wait3A_277 = tpu.memref_squeeze %dma_wait3A_276 : memref<1x128xi32, #tpu.memory_space<vmem>> -> memref<128xi32, #tpu.memory_space<vmem>>
        %dma_wait3A_278 = arith.constant 0 : i32
        %dma_wait3A_279 = arith.constant 0 : i32
        %dma_wait3A_280 = tpu.memref_slice %arg15[%dma_wait3A_278, %dma_wait3A_279] : memref<10240x64xf32, #tpu.memory_space<vmem_shared>> -> memref<10240x64xf32, #tpu.memory_space<vmem_shared>>
        tpu.wait_indirect_dma semaphore(%arg22 : memref<!tpu.dma_semaphore, #tpu.memory_space<semaphore_mem>>) src(%arg9 : memref<128x64xf32, #tpu.memory_space<vmem>>) dst(%dma_wait3A_280 : memref<10240x64xf32, #tpu.memory_space<vmem_shared>>)
      } else {
      }
      %add3A_178 = arith.constant 4 : i32
      %add3A_179 = arith.addi %add3A_156, %add3A_178 : i32
      %lt3A_180 = arith.constant 157 : i32
      %lt3A_181 = arith.cmpi slt, %add3A_179, %lt3A_180 : i32
      %convert_element_type3A_182 = arith.extui %lt3A_181 : i1 to i32
      %cond3A_183 = arith.constant 0 : i32
      %cond3A_184 = arith.cmpi ne, %convert_element_type3A_182, %cond3A_183 : i32
      scf.if %cond3A_184 {
        %add3A_275 = arith.constant 4 : i32
        %add3A_276 = arith.addi %add3A_156, %add3A_275 : i32
        %dma_start3A_277 = arith.constant 0 : i32
        %dma_start3A_278 = tpu.memref_slice %arg7[%add3A_276, %dma_start3A_277] : memref<157x128xi32, #tpu.memory_space<vmem>> -> memref<1x128xi32, #tpu.memory_space<vmem>>
        %dma_start3A_279 = tpu.memref_squeeze %dma_start3A_278 : memref<1x128xi32, #tpu.memory_space<vmem>> -> memref<128xi32, #tpu.memory_space<vmem>>
        %dma_start3A_280 = arith.constant 0 : i32
        %dma_start3A_281 = arith.constant 0 : i32
        %dma_start3A_282 = tpu.memref_slice %arg2[%arg0, %dma_start3A_280, %dma_start3A_281] : memref<2x10000x64xf32, #tpu.memory_space<hbm>> -> memref<1x10000x64xf32, #tpu.memory_space<hbm>>
        %dma_start3A_283 = tpu.memref_squeeze %dma_start3A_282 : memref<1x10000x64xf32, #tpu.memory_space<hbm>> -> memref<10000x64xf32, #tpu.memory_space<hbm>>
        %dma_start3A_284 = arith.constant 0 : i32
        %dma_start3A_285 = arith.constant 0 : i32
        %dma_start3A_286 = tpu.memref_slice %dma_start3A_283[%dma_start3A_284, %dma_start3A_285] : memref<10000x64xf32, #tpu.memory_space<hbm>> -> memref<10000x64xf32, #tpu.memory_space<hbm>>
        tpu.enqueue_indirect_dma source(%dma_start3A_286 : memref<10000x64xf32, #tpu.memory_space<hbm>>) target(%arg9 : memref<128x64xf32, #tpu.memory_space<vmem>>) offsets(%dma_start3A_279 : memref<128xi32, #tpu.memory_space<vmem>>) semaphore(%arg16 : memref<!tpu.dma_semaphore, #tpu.memory_space<semaphore_mem>>)
      } else {
      }
      %add3A_185 = arith.constant 3 : i32
      %add3A_186 = arith.addi %add3A_98, %add3A_185 : i32
      %dma_wait3A_187 = arith.constant 0 : i32
      %dma_wait3A_188 = tpu.memref_slice %arg7[%add3A_186, %dma_wait3A_187] : memref<157x128xi32, #tpu.memory_space<vmem>> -> memref<1x128xi32, #tpu.memory_space<vmem>>
      %dma_wait3A_189 = tpu.memref_squeeze %dma_wait3A_188 : memref<1x128xi32, #tpu.memory_space<vmem>> -> memref<128xi32, #tpu.memory_space<vmem>>
      %dma_wait3A_190 = arith.constant 0 : i32
      %dma_wait3A_191 = arith.constant 0 : i32
      %dma_wait3A_192 = tpu.memref_slice %arg2[%arg0, %dma_wait3A_190, %dma_wait3A_191] : memref<2x10000x64xf32, #tpu.memory_space<hbm>> -> memref<1x10000x64xf32, #tpu.memory_space<hbm>>
      %dma_wait3A_193 = tpu.memref_squeeze %dma_wait3A_192 : memref<1x10000x64xf32, #tpu.memory_space<hbm>> -> memref<10000x64xf32, #tpu.memory_space<hbm>>
      %dma_wait3A_194 = arith.constant 0 : i32
      %dma_wait3A_195 = arith.constant 0 : i32
      %dma_wait3A_196 = tpu.memref_slice %dma_wait3A_193[%dma_wait3A_194, %dma_wait3A_195] : memref<10000x64xf32, #tpu.memory_space<hbm>> -> memref<10000x64xf32, #tpu.memory_space<hbm>>
      tpu.wait_indirect_dma semaphore(%arg19 : memref<!tpu.dma_semaphore, #tpu.memory_space<semaphore_mem>>) src(%dma_wait3A_196 : memref<10000x64xf32, #tpu.memory_space<hbm>>) dst(%arg12 : memref<128x64xf32, #tpu.memory_space<vmem>>)
      %dma_start3A_197 = arith.constant 0 : i32
      %dma_start3A_198 = tpu.memref_slice %arg8[%add3A_186, %dma_start3A_197] : memref<157x128xi32, #tpu.memory_space<vmem>> -> memref<1x128xi32, #tpu.memory_space<vmem>>
      %dma_start3A_199 = tpu.memref_squeeze %dma_start3A_198 : memref<1x128xi32, #tpu.memory_space<vmem>> -> memref<128xi32, #tpu.memory_space<vmem>>
      %dma_start3A_200 = arith.constant 0 : i32
      %dma_start3A_201 = arith.constant 0 : i32
      %dma_start3A_202 = tpu.memref_slice %arg15[%dma_start3A_200, %dma_start3A_201] : memref<10240x64xf32, #tpu.memory_space<vmem_shared>> -> memref<10240x64xf32, #tpu.memory_space<vmem_shared>>
      tpu.enqueue_indirect_dma source(%arg12 : memref<128x64xf32, #tpu.memory_space<vmem>>) target(%dma_start3A_202 : memref<10240x64xf32, #tpu.memory_space<vmem_shared>>) offsets(%dma_start3A_199 : memref<128xi32, #tpu.memory_space<vmem>>) semaphore(%arg25 : memref<!tpu.dma_semaphore, #tpu.memory_space<semaphore_mem>>) {add = true}
      %ge3A_203 = arith.constant 2 : i32
      %ge3A_204 = arith.cmpi sge, %add3A_186, %ge3A_203 : i32
      %convert_element_type3A_205 = arith.extui %ge3A_204 : i1 to i32
      %cond3A_206 = arith.constant 0 : i32
      %cond3A_207 = arith.cmpi ne, %convert_element_type3A_205, %cond3A_206 : i32
      scf.if %cond3A_207 {
        %dma_wait3A_275 = arith.constant 0 : i32
        %dma_wait3A_276 = tpu.memref_slice %arg8[%add3A_186, %dma_wait3A_275] : memref<157x128xi32, #tpu.memory_space<vmem>> -> memref<1x128xi32, #tpu.memory_space<vmem>>
        %dma_wait3A_277 = tpu.memref_squeeze %dma_wait3A_276 : memref<1x128xi32, #tpu.memory_space<vmem>> -> memref<128xi32, #tpu.memory_space<vmem>>
        %dma_wait3A_278 = arith.constant 0 : i32
        %dma_wait3A_279 = arith.constant 0 : i32
        %dma_wait3A_280 = tpu.memref_slice %arg15[%dma_wait3A_278, %dma_wait3A_279] : memref<10240x64xf32, #tpu.memory_space<vmem_shared>> -> memref<10240x64xf32, #tpu.memory_space<vmem_shared>>
        tpu.wait_indirect_dma semaphore(%arg23 : memref<!tpu.dma_semaphore, #tpu.memory_space<semaphore_mem>>) src(%arg10 : memref<128x64xf32, #tpu.memory_space<vmem>>) dst(%dma_wait3A_280 : memref<10240x64xf32, #tpu.memory_space<vmem_shared>>)
      } else {
      }
      %add3A_208 = arith.constant 4 : i32
      %add3A_209 = arith.addi %add3A_186, %add3A_208 : i32
      %lt3A_210 = arith.constant 157 : i32
      %lt3A_211 = arith.cmpi slt, %add3A_209, %lt3A_210 : i32
      %convert_element_type3A_212 = arith.extui %lt3A_211 : i1 to i32
      %cond3A_213 = arith.constant 0 : i32
      %cond3A_214 = arith.cmpi ne, %convert_element_type3A_212, %cond3A_213 : i32
      scf.if %cond3A_214 {
        %add3A_275 = arith.constant 4 : i32
        %add3A_276 = arith.addi %add3A_186, %add3A_275 : i32
        %dma_start3A_277 = arith.constant 0 : i32
        %dma_start3A_278 = tpu.memref_slice %arg7[%add3A_276, %dma_start3A_277] : memref<157x128xi32, #tpu.memory_space<vmem>> -> memref<1x128xi32, #tpu.memory_space<vmem>>
        %dma_start3A_279 = tpu.memref_squeeze %dma_start3A_278 : memref<1x128xi32, #tpu.memory_space<vmem>> -> memref<128xi32, #tpu.memory_space<vmem>>
        %dma_start3A_280 = arith.constant 0 : i32
        %dma_start3A_281 = arith.constant 0 : i32
        %dma_start3A_282 = tpu.memref_slice %arg2[%arg0, %dma_start3A_280, %dma_start3A_281] : memref<2x10000x64xf32, #tpu.memory_space<hbm>> -> memref<1x10000x64xf32, #tpu.memory_space<hbm>>
        %dma_start3A_283 = tpu.memref_squeeze %dma_start3A_282 : memref<1x10000x64xf32, #tpu.memory_space<hbm>> -> memref<10000x64xf32, #tpu.memory_space<hbm>>
        %dma_start3A_284 = arith.constant 0 : i32
        %dma_start3A_285 = arith.constant 0 : i32
        %dma_start3A_286 = tpu.memref_slice %dma_start3A_283[%dma_start3A_284, %dma_start3A_285] : memref<10000x64xf32, #tpu.memory_space<hbm>> -> memref<10000x64xf32, #tpu.memory_space<hbm>>
        tpu.enqueue_indirect_dma source(%dma_start3A_286 : memref<10000x64xf32, #tpu.memory_space<hbm>>) target(%arg10 : memref<128x64xf32, #tpu.memory_space<vmem>>) offsets(%dma_start3A_279 : memref<128xi32, #tpu.memory_space<vmem>>) semaphore(%arg17 : memref<!tpu.dma_semaphore, #tpu.memory_space<semaphore_mem>>)
      } else {
      }
      %add3A_215 = arith.constant 4 : i32
      %add3A_216 = arith.addi %add3A_98, %add3A_215 : i32
      %dma_wait3A_217 = arith.constant 0 : i32
      %dma_wait3A_218 = tpu.memref_slice %arg7[%add3A_216, %dma_wait3A_217] : memref<157x128xi32, #tpu.memory_space<vmem>> -> memref<1x128xi32, #tpu.memory_space<vmem>>
      %dma_wait3A_219 = tpu.memref_squeeze %dma_wait3A_218 : memref<1x128xi32, #tpu.memory_space<vmem>> -> memref<128xi32, #tpu.memory_space<vmem>>
      %dma_wait3A_220 = arith.constant 0 : i32
      %dma_wait3A_221 = arith.constant 0 : i32
      %dma_wait3A_222 = tpu.memref_slice %arg2[%arg0, %dma_wait3A_220, %dma_wait3A_221] : memref<2x10000x64xf32, #tpu.memory_space<hbm>> -> memref<1x10000x64xf32, #tpu.memory_space<hbm>>
      %dma_wait3A_223 = tpu.memref_squeeze %dma_wait3A_222 : memref<1x10000x64xf32, #tpu.memory_space<hbm>> -> memref<10000x64xf32, #tpu.memory_space<hbm>>
      %dma_wait3A_224 = arith.constant 0 : i32
      %dma_wait3A_225 = arith.constant 0 : i32
      %dma_wait3A_226 = tpu.memref_slice %dma_wait3A_223[%dma_wait3A_224, %dma_wait3A_225] : memref<10000x64xf32, #tpu.memory_space<hbm>> -> memref<10000x64xf32, #tpu.memory_space<hbm>>
      tpu.wait_indirect_dma semaphore(%arg20 : memref<!tpu.dma_semaphore, #tpu.memory_space<semaphore_mem>>) src(%dma_wait3A_226 : memref<10000x64xf32, #tpu.memory_space<hbm>>) dst(%arg13 : memref<128x64xf32, #tpu.memory_space<vmem>>)
      %dma_start3A_227 = arith.constant 0 : i32
      %dma_start3A_228 = tpu.memref_slice %arg8[%add3A_216, %dma_start3A_227] : memref<157x128xi32, #tpu.memory_space<vmem>> -> memref<1x128xi32, #tpu.memory_space<vmem>>
      %dma_start3A_229 = tpu.memref_squeeze %dma_start3A_228 : memref<1x128xi32, #tpu.memory_space<vmem>> -> memref<128xi32, #tpu.memory_space<vmem>>
      %dma_start3A_230 = arith.constant 0 : i32
      %dma_start3A_231 = arith.constant 0 : i32
      %dma_start3A_232 = tpu.memref_slice %arg15[%dma_start3A_230, %dma_start3A_231] : memref<10240x64xf32, #tpu.memory_space<vmem_shared>> -> memref<10240x64xf32, #tpu.memory_space<vmem_shared>>
      tpu.enqueue_indirect_dma source(%arg13 : memref<128x64xf32, #tpu.memory_space<vmem>>) target(%dma_start3A_232 : memref<10240x64xf32, #tpu.memory_space<vmem_shared>>) offsets(%dma_start3A_229 : memref<128xi32, #tpu.memory_space<vmem>>) semaphore(%arg26 : memref<!tpu.dma_semaphore, #tpu.memory_space<semaphore_mem>>) {add = true}
      %ge3A_233 = arith.constant 2 : i32
      %ge3A_234 = arith.cmpi sge, %add3A_216, %ge3A_233 : i32
      %convert_element_type3A_235 = arith.extui %ge3A_234 : i1 to i32
      %cond3A_236 = arith.constant 0 : i32
      %cond3A_237 = arith.cmpi ne, %convert_element_type3A_235, %cond3A_236 : i32
      scf.if %cond3A_237 {
        %dma_wait3A_275 = arith.constant 0 : i32
        %dma_wait3A_276 = tpu.memref_slice %arg8[%add3A_216, %dma_wait3A_275] : memref<157x128xi32, #tpu.memory_space<vmem>> -> memref<1x128xi32, #tpu.memory_space<vmem>>
        %dma_wait3A_277 = tpu.memref_squeeze %dma_wait3A_276 : memref<1x128xi32, #tpu.memory_space<vmem>> -> memref<128xi32, #tpu.memory_space<vmem>>
        %dma_wait3A_278 = arith.constant 0 : i32
        %dma_wait3A_279 = arith.constant 0 : i32
        %dma_wait3A_280 = tpu.memref_slice %arg15[%dma_wait3A_278, %dma_wait3A_279] : memref<10240x64xf32, #tpu.memory_space<vmem_shared>> -> memref<10240x64xf32, #tpu.memory_space<vmem_shared>>
        tpu.wait_indirect_dma semaphore(%arg24 : memref<!tpu.dma_semaphore, #tpu.memory_space<semaphore_mem>>) src(%arg11 : memref<128x64xf32, #tpu.memory_space<vmem>>) dst(%dma_wait3A_280 : memref<10240x64xf32, #tpu.memory_space<vmem_shared>>)
      } else {
      }
      %add3A_238 = arith.constant 4 : i32
      %add3A_239 = arith.addi %add3A_216, %add3A_238 : i32
      %lt3A_240 = arith.constant 157 : i32
      %lt3A_241 = arith.cmpi slt, %add3A_239, %lt3A_240 : i32
      %convert_element_type3A_242 = arith.extui %lt3A_241 : i1 to i32
      %cond3A_243 = arith.constant 0 : i32
      %cond3A_244 = arith.cmpi ne, %convert_element_type3A_242, %cond3A_243 : i32
      scf.if %cond3A_244 {
        %add3A_275 = arith.constant 4 : i32
        %add3A_276 = arith.addi %add3A_216, %add3A_275 : i32
        %dma_start3A_277 = arith.constant 0 : i32
        %dma_start3A_278 = tpu.memref_slice %arg7[%add3A_276, %dma_start3A_277] : memref<157x128xi32, #tpu.memory_space<vmem>> -> memref<1x128xi32, #tpu.memory_space<vmem>>
        %dma_start3A_279 = tpu.memref_squeeze %dma_start3A_278 : memref<1x128xi32, #tpu.memory_space<vmem>> -> memref<128xi32, #tpu.memory_space<vmem>>
        %dma_start3A_280 = arith.constant 0 : i32
        %dma_start3A_281 = arith.constant 0 : i32
        %dma_start3A_282 = tpu.memref_slice %arg2[%arg0, %dma_start3A_280, %dma_start3A_281] : memref<2x10000x64xf32, #tpu.memory_space<hbm>> -> memref<1x10000x64xf32, #tpu.memory_space<hbm>>
        %dma_start3A_283 = tpu.memref_squeeze %dma_start3A_282 : memref<1x10000x64xf32, #tpu.memory_space<hbm>> -> memref<10000x64xf32, #tpu.memory_space<hbm>>
        %dma_start3A_284 = arith.constant 0 : i32
        %dma_start3A_285 = arith.constant 0 : i32
        %dma_start3A_286 = tpu.memref_slice %dma_start3A_283[%dma_start3A_284, %dma_start3A_285] : memref<10000x64xf32, #tpu.memory_space<hbm>> -> memref<10000x64xf32, #tpu.memory_space<hbm>>
        tpu.enqueue_indirect_dma source(%dma_start3A_286 : memref<10000x64xf32, #tpu.memory_space<hbm>>) target(%arg11 : memref<128x64xf32, #tpu.memory_space<vmem>>) offsets(%dma_start3A_279 : memref<128xi32, #tpu.memory_space<vmem>>) semaphore(%arg18 : memref<!tpu.dma_semaphore, #tpu.memory_space<semaphore_mem>>)
      } else {
      }
      %add3A_245 = arith.constant 5 : i32
      %add3A_246 = arith.addi %add3A_98, %add3A_245 : i32
      %dma_wait3A_247 = arith.constant 0 : i32
      %dma_wait3A_248 = tpu.memref_slice %arg7[%add3A_246, %dma_wait3A_247] : memref<157x128xi32, #tpu.memory_space<vmem>> -> memref<1x128xi32, #tpu.memory_space<vmem>>
      %dma_wait3A_249 = tpu.memref_squeeze %dma_wait3A_248 : memref<1x128xi32, #tpu.memory_space<vmem>> -> memref<128xi32, #tpu.memory_space<vmem>>
      %dma_wait3A_250 = arith.constant 0 : i32
      %dma_wait3A_251 = arith.constant 0 : i32
      %dma_wait3A_252 = tpu.memref_slice %arg2[%arg0, %dma_wait3A_250, %dma_wait3A_251] : memref<2x10000x64xf32, #tpu.memory_space<hbm>> -> memref<1x10000x64xf32, #tpu.memory_space<hbm>>
      %dma_wait3A_253 = tpu.memref_squeeze %dma_wait3A_252 : memref<1x10000x64xf32, #tpu.memory_space<hbm>> -> memref<10000x64xf32, #tpu.memory_space<hbm>>
      %dma_wait3A_254 = arith.constant 0 : i32
      %dma_wait3A_255 = arith.constant 0 : i32
      %dma_wait3A_256 = tpu.memref_slice %dma_wait3A_253[%dma_wait3A_254, %dma_wait3A_255] : memref<10000x64xf32, #tpu.memory_space<hbm>> -> memref<10000x64xf32, #tpu.memory_space<hbm>>
      tpu.wait_indirect_dma semaphore(%arg21 : memref<!tpu.dma_semaphore, #tpu.memory_space<semaphore_mem>>) src(%dma_wait3A_256 : memref<10000x64xf32, #tpu.memory_space<hbm>>) dst(%arg14 : memref<128x64xf32, #tpu.memory_space<vmem>>)
      %dma_start3A_257 = arith.constant 0 : i32
      %dma_start3A_258 = tpu.memref_slice %arg8[%add3A_246, %dma_start3A_257] : memref<157x128xi32, #tpu.memory_space<vmem>> -> memref<1x128xi32, #tpu.memory_space<vmem>>
      %dma_start3A_259 = tpu.memref_squeeze %dma_start3A_258 : memref<1x128xi32, #tpu.memory_space<vmem>> -> memref<128xi32, #tpu.memory_space<vmem>>
      %dma_start3A_260 = arith.constant 0 : i32
      %dma_start3A_261 = arith.constant 0 : i32
      %dma_start3A_262 = tpu.memref_slice %arg15[%dma_start3A_260, %dma_start3A_261] : memref<10240x64xf32, #tpu.memory_space<vmem_shared>> -> memref<10240x64xf32, #tpu.memory_space<vmem_shared>>
      tpu.enqueue_indirect_dma source(%arg14 : memref<128x64xf32, #tpu.memory_space<vmem>>) target(%dma_start3A_262 : memref<10240x64xf32, #tpu.memory_space<vmem_shared>>) offsets(%dma_start3A_259 : memref<128xi32, #tpu.memory_space<vmem>>) semaphore(%arg27 : memref<!tpu.dma_semaphore, #tpu.memory_space<semaphore_mem>>) {add = true}
      %ge3A_263 = arith.constant 2 : i32
      %ge3A_264 = arith.cmpi sge, %add3A_246, %ge3A_263 : i32
      %convert_element_type3A_265 = arith.extui %ge3A_264 : i1 to i32
      %cond3A_266 = arith.constant 0 : i32
      %cond3A_267 = arith.cmpi ne, %convert_element_type3A_265, %cond3A_266 : i32
      scf.if %cond3A_267 {
        %dma_wait3A_275 = arith.constant 0 : i32
        %dma_wait3A_276 = tpu.memref_slice %arg8[%add3A_246, %dma_wait3A_275] : memref<157x128xi32, #tpu.memory_space<vmem>> -> memref<1x128xi32, #tpu.memory_space<vmem>>
        %dma_wait3A_277 = tpu.memref_squeeze %dma_wait3A_276 : memref<1x128xi32, #tpu.memory_space<vmem>> -> memref<128xi32, #tpu.memory_space<vmem>>
        %dma_wait3A_278 = arith.constant 0 : i32
        %dma_wait3A_279 = arith.constant 0 : i32
        %dma_wait3A_280 = tpu.memref_slice %arg15[%dma_wait3A_278, %dma_wait3A_279] : memref<10240x64xf32, #tpu.memory_space<vmem_shared>> -> memref<10240x64xf32, #tpu.memory_space<vmem_shared>>
        tpu.wait_indirect_dma semaphore(%arg25 : memref<!tpu.dma_semaphore, #tpu.memory_space<semaphore_mem>>) src(%arg12 : memref<128x64xf32, #tpu.memory_space<vmem>>) dst(%dma_wait3A_280 : memref<10240x64xf32, #tpu.memory_space<vmem_shared>>)
      } else {
      }
      %add3A_268 = arith.constant 4 : i32
      %add3A_269 = arith.addi %add3A_246, %add3A_268 : i32
      %lt3A_270 = arith.constant 157 : i32
      %lt3A_271 = arith.cmpi slt, %add3A_269, %lt3A_270 : i32
      %convert_element_type3A_272 = arith.extui %lt3A_271 : i1 to i32
      %cond3A_273 = arith.constant 0 : i32
      %cond3A_274 = arith.cmpi ne, %convert_element_type3A_272, %cond3A_273 : i32
      scf.if %cond3A_274 {
        %add3A_275 = arith.constant 4 : i32
        %add3A_276 = arith.addi %add3A_246, %add3A_275 : i32
        %dma_start3A_277 = arith.constant 0 : i32
        %dma_start3A_278 = tpu.memref_slice %arg7[%add3A_276, %dma_start3A_277] : memref<157x128xi32, #tpu.memory_space<vmem>> -> memref<1x128xi32, #tpu.memory_space<vmem>>
        %dma_start3A_279 = tpu.memref_squeeze %dma_start3A_278 : memref<1x128xi32, #tpu.memory_space<vmem>> -> memref<128xi32, #tpu.memory_space<vmem>>
        %dma_start3A_280 = arith.constant 0 : i32
        %dma_start3A_281 = arith.constant 0 : i32
        %dma_start3A_282 = tpu.memref_slice %arg2[%arg0, %dma_start3A_280, %dma_start3A_281] : memref<2x10000x64xf32, #tpu.memory_space<hbm>> -> memref<1x10000x64xf32, #tpu.memory_space<hbm>>
        %dma_start3A_283 = tpu.memref_squeeze %dma_start3A_282 : memref<1x10000x64xf32, #tpu.memory_space<hbm>> -> memref<10000x64xf32, #tpu.memory_space<hbm>>
        %dma_start3A_284 = arith.constant 0 : i32
        %dma_start3A_285 = arith.constant 0 : i32
        %dma_start3A_286 = tpu.memref_slice %dma_start3A_283[%dma_start3A_284, %dma_start3A_285] : memref<10000x64xf32, #tpu.memory_space<hbm>> -> memref<10000x64xf32, #tpu.memory_space<hbm>>
        tpu.enqueue_indirect_dma source(%dma_start3A_286 : memref<10000x64xf32, #tpu.memory_space<hbm>>) target(%arg12 : memref<128x64xf32, #tpu.memory_space<vmem>>) offsets(%dma_start3A_279 : memref<128xi32, #tpu.memory_space<vmem>>) semaphore(%arg19 : memref<!tpu.dma_semaphore, #tpu.memory_space<semaphore_mem>>)
      } else {
      }
    }
    %scan3A_50 = arith.constant 26 : i32
    %dma_wait3A_51 = arith.constant 156 : i32
    %dma_wait3A_52 = arith.constant 0 : i32
    %dma_wait3A_53 = tpu.memref_slice %arg7[%dma_wait3A_51, %dma_wait3A_52] : memref<157x128xi32, #tpu.memory_space<vmem>> -> memref<1x128xi32, #tpu.memory_space<vmem>>
    %dma_wait3A_54 = tpu.memref_squeeze %dma_wait3A_53 : memref<1x128xi32, #tpu.memory_space<vmem>> -> memref<128xi32, #tpu.memory_space<vmem>>
    %dma_wait3A_55 = arith.constant 0 : i32
    %dma_wait3A_56 = arith.constant 0 : i32
    %dma_wait3A_57 = tpu.memref_slice %arg2[%arg0, %dma_wait3A_55, %dma_wait3A_56] : memref<2x10000x64xf32, #tpu.memory_space<hbm>> -> memref<1x10000x64xf32, #tpu.memory_space<hbm>>
    %dma_wait3A_58 = tpu.memref_squeeze %dma_wait3A_57 : memref<1x10000x64xf32, #tpu.memory_space<hbm>> -> memref<10000x64xf32, #tpu.memory_space<hbm>>
    %dma_wait3A_59 = arith.constant 0 : i32
    %dma_wait3A_60 = arith.constant 0 : i32
    %dma_wait3A_61 = tpu.memref_slice %dma_wait3A_58[%dma_wait3A_59, %dma_wait3A_60] : memref<10000x64xf32, #tpu.memory_space<hbm>> -> memref<10000x64xf32, #tpu.memory_space<hbm>>
    tpu.wait_indirect_dma semaphore(%arg16 : memref<!tpu.dma_semaphore, #tpu.memory_space<semaphore_mem>>) src(%dma_wait3A_61 : memref<10000x64xf32, #tpu.memory_space<hbm>>) dst(%arg9 : memref<128x64xf32, #tpu.memory_space<vmem>>)
    %dma_start3A_62 = arith.constant 156 : i32
    %dma_start3A_63 = arith.constant 0 : i32
    %dma_start3A_64 = tpu.memref_slice %arg8[%dma_start3A_62, %dma_start3A_63] : memref<157x128xi32, #tpu.memory_space<vmem>> -> memref<1x128xi32, #tpu.memory_space<vmem>>
    %dma_start3A_65 = tpu.memref_squeeze %dma_start3A_64 : memref<1x128xi32, #tpu.memory_space<vmem>> -> memref<128xi32, #tpu.memory_space<vmem>>
    %dma_start3A_66 = arith.constant 0 : i32
    %dma_start3A_67 = arith.constant 0 : i32
    %dma_start3A_68 = tpu.memref_slice %arg15[%dma_start3A_66, %dma_start3A_67] : memref<10240x64xf32, #tpu.memory_space<vmem_shared>> -> memref<10240x64xf32, #tpu.memory_space<vmem_shared>>
    tpu.enqueue_indirect_dma source(%arg9 : memref<128x64xf32, #tpu.memory_space<vmem>>) target(%dma_start3A_68 : memref<10240x64xf32, #tpu.memory_space<vmem_shared>>) offsets(%dma_start3A_65 : memref<128xi32, #tpu.memory_space<vmem>>) semaphore(%arg22 : memref<!tpu.dma_semaphore, #tpu.memory_space<semaphore_mem>>) {add = true}
    %dma_wait3A_69 = arith.constant 0 : i32
    %dma_wait3A_70 = arith.constant 0 : i32
    %dma_wait3A_71 = tpu.memref_slice %arg8[%dma_wait3A_69, %dma_wait3A_70] : memref<157x128xi32, #tpu.memory_space<vmem>> -> memref<1x128xi32, #tpu.memory_space<vmem>>
    %dma_wait3A_72 = tpu.memref_squeeze %dma_wait3A_71 : memref<1x128xi32, #tpu.memory_space<vmem>> -> memref<128xi32, #tpu.memory_space<vmem>>
    %dma_wait3A_73 = arith.constant 0 : i32
    %dma_wait3A_74 = arith.constant 0 : i32
    %dma_wait3A_75 = tpu.memref_slice %arg15[%dma_wait3A_73, %dma_wait3A_74] : memref<10240x64xf32, #tpu.memory_space<vmem_shared>> -> memref<10240x64xf32, #tpu.memory_space<vmem_shared>>
    tpu.wait_indirect_dma semaphore(%arg26 : memref<!tpu.dma_semaphore, #tpu.memory_space<semaphore_mem>>) src(%arg13 : memref<128x64xf32, #tpu.memory_space<vmem>>) dst(%dma_wait3A_75 : memref<10240x64xf32, #tpu.memory_space<vmem_shared>>)
    %dma_wait3A_76 = arith.constant 0 : i32
    %dma_wait3A_77 = arith.constant 0 : i32
    %dma_wait3A_78 = tpu.memref_slice %arg8[%dma_wait3A_76, %dma_wait3A_77] : memref<157x128xi32, #tpu.memory_space<vmem>> -> memref<1x128xi32, #tpu.memory_space<vmem>>
    %dma_wait3A_79 = tpu.memref_squeeze %dma_wait3A_78 : memref<1x128xi32, #tpu.memory_space<vmem>> -> memref<128xi32, #tpu.memory_space<vmem>>
    %dma_wait3A_80 = arith.constant 0 : i32
    %dma_wait3A_81 = arith.constant 0 : i32
    %dma_wait3A_82 = tpu.memref_slice %arg15[%dma_wait3A_80, %dma_wait3A_81] : memref<10240x64xf32, #tpu.memory_space<vmem_shared>> -> memref<10240x64xf32, #tpu.memory_space<vmem_shared>>
    tpu.wait_indirect_dma semaphore(%arg27 : memref<!tpu.dma_semaphore, #tpu.memory_space<semaphore_mem>>) src(%arg14 : memref<128x64xf32, #tpu.memory_space<vmem>>) dst(%dma_wait3A_82 : memref<10240x64xf32, #tpu.memory_space<vmem_shared>>)
    %dma_wait3A_83 = arith.constant 0 : i32
    %dma_wait3A_84 = arith.constant 0 : i32
    %dma_wait3A_85 = tpu.memref_slice %arg8[%dma_wait3A_83, %dma_wait3A_84] : memref<157x128xi32, #tpu.memory_space<vmem>> -> memref<1x128xi32, #tpu.memory_space<vmem>>
    %dma_wait3A_86 = tpu.memref_squeeze %dma_wait3A_85 : memref<1x128xi32, #tpu.memory_space<vmem>> -> memref<128xi32, #tpu.memory_space<vmem>>
    %dma_wait3A_87 = arith.constant 0 : i32
    %dma_wait3A_88 = arith.constant 0 : i32
    %dma_wait3A_89 = tpu.memref_slice %arg15[%dma_wait3A_87, %dma_wait3A_88] : memref<10240x64xf32, #tpu.memory_space<vmem_shared>> -> memref<10240x64xf32, #tpu.memory_space<vmem_shared>>
    tpu.wait_indirect_dma semaphore(%arg22 : memref<!tpu.dma_semaphore, #tpu.memory_space<semaphore_mem>>) src(%arg9 : memref<128x64xf32, #tpu.memory_space<vmem>>) dst(%dma_wait3A_89 : memref<10240x64xf32, #tpu.memory_space<vmem_shared>>)
    %barrier3A_90 = arith.constant 0 : index
    tpu.barrier barrier_id(%barrier3A_90)
    %mul3A_91 = arith.constant 640 : i32
    %mul3A_92 = arith.muli %arg1, %mul3A_91 : i32
    %mul3A_93 = arith.constant 640 : i32
    %mul3A_94 = arith.muli %arg1, %mul3A_93 : i32
    "tpu.region"() ({
      %run_scoped3A = tpu.sem_alloc : memref<!tpu.dma_semaphore, #tpu.memory_space<semaphore_mem>>
      %dma_start3A_95 = arith.constant 0 : i32
      %dma_start3A_96 = tpu.memref_slice %arg6[%arg0, %mul3A_94, %dma_start3A_95] : memref<2x10240x64xf32, #tpu.memory_space<hbm>> -> memref<1x640x64xf32, #tpu.memory_space<hbm>>
      %dma_start3A_97 = tpu.memref_squeeze %dma_start3A_96 : memref<1x640x64xf32, #tpu.memory_space<hbm>> -> memref<640x64xf32, #tpu.memory_space<hbm>>
      %dma_start3A_98 = arith.constant 0 : i32
      %dma_start3A_99 = tpu.memref_slice %arg15[%mul3A_92, %dma_start3A_98] : memref<10240x64xf32, #tpu.memory_space<vmem_shared>> -> memref<640x64xf32, #tpu.memory_space<vmem_shared>>
      tpu.enqueue_dma source(%dma_start3A_99 : memref<640x64xf32, #tpu.memory_space<vmem_shared>>) target(%dma_start3A_97 : memref<640x64xf32, #tpu.memory_space<hbm>>) target_semaphore(%run_scoped3A : memref<!tpu.dma_semaphore, #tpu.memory_space<semaphore_mem>>)
      %dma_wait3A_100 = arith.constant 0 : i32
      %dma_wait3A_101 = tpu.memref_slice %arg6[%arg0, %mul3A_94, %dma_wait3A_100] : memref<2x10240x64xf32, #tpu.memory_space<hbm>> -> memref<1x640x64xf32, #tpu.memory_space<hbm>>
      %dma_wait3A_102 = tpu.memref_squeeze %dma_wait3A_101 : memref<1x640x64xf32, #tpu.memory_space<hbm>> -> memref<640x64xf32, #tpu.memory_space<hbm>>
      %dma_wait3A_103 = arith.constant 0 : i32
      %dma_wait3A_104 = tpu.memref_slice %arg15[%mul3A_92, %dma_wait3A_103] : memref<10240x64xf32, #tpu.memory_space<vmem_shared>> -> memref<640x64xf32, #tpu.memory_space<vmem_shared>>
      tpu.wait_dma2 semaphore(%run_scoped3A : memref<!tpu.dma_semaphore, #tpu.memory_space<semaphore_mem>>) src(%dma_wait3A_104 : memref<640x64xf32, #tpu.memory_space<vmem_shared>>) dst(%dma_wait3A_102 : memref<640x64xf32, #tpu.memory_space<hbm>>)
      tpu.yield
    }) : () -> ()
    return
  }
}

#map = affine_map<(d0, d1) -> (0, 0, 0)>
#map1 = affine_map<(d0, d1) -> (0, 0)>
module attributes {stable_mosaic.version = 14 : i64} {
  func.func @_sc_message_pass(%arg0: i32, %arg1: i32, %arg2: memref<2x10000x64xf32, #tpu.memory_space<hbm>>, %arg3: memref<16x157x128xi32, #tpu.memory_space<hbm>>, %arg4: memref<16x157x128xi32, #tpu.memory_space<hbm>>, %arg5: memref<640x64xf32, #tpu.memory_space<hbm>>, %arg6: memref<2x10240x64xf32, #tpu.memory_space<hbm>>, %arg7: memref<157x128xi32, #tpu.memory_space<vmem>>, %arg8: memref<157x128xi32, #tpu.memory_space<vmem>>, %arg9: memref<128x64xf32, #tpu.memory_space<vmem>>, %arg10: memref<128x64xf32, #tpu.memory_space<vmem>>, %arg11: memref<128x64xf32, #tpu.memory_space<vmem>>, %arg12: memref<128x64xf32, #tpu.memory_space<vmem>>, %arg13: memref<128x64xf32, #tpu.memory_space<vmem>>, %arg14: memref<128x64xf32, #tpu.memory_space<vmem>>, %arg15: memref<10240x64xf32, #tpu.memory_space<vmem_shared>>, %arg16: memref<!tpu.dma_semaphore, #tpu.memory_space<semaphore_mem>>, %arg17: memref<!tpu.dma_semaphore, #tpu.memory_space<semaphore_mem>>, %arg18: memref<!tpu.dma_semaphore, #tpu.memory_space<semaphore_mem>>, %arg19: memref<!tpu.dma_semaphore, #tpu.memory_space<semaphore_mem>>, %arg20: memref<!tpu.dma_semaphore, #tpu.memory_space<semaphore_mem>>, %arg21: memref<!tpu.dma_semaphore, #tpu.memory_space<semaphore_mem>>, %arg22: memref<!tpu.dma_semaphore, #tpu.memory_space<semaphore_mem>>, %arg23: memref<!tpu.dma_semaphore, #tpu.memory_space<semaphore_mem>>, %arg24: memref<!tpu.dma_semaphore, #tpu.memory_space<semaphore_mem>>, %arg25: memref<!tpu.dma_semaphore, #tpu.memory_space<semaphore_mem>>, %arg26: memref<!tpu.dma_semaphore, #tpu.memory_space<semaphore_mem>>, %arg27: memref<!tpu.dma_semaphore, #tpu.memory_space<semaphore_mem>>, %arg28: memref<!tpu.dma_semaphore, #tpu.memory_space<semaphore_mem>>) attributes {dimension_semantics = [#tpu.dimension_semantics<core_parallel>, #tpu.dimension_semantics<subcore_parallel>], iteration_bounds = array<i64: 2, 16>, scalar_prefetch = 0 : i64, scratch_operands = 22 : i64, tpu.core_type = #tpu.core_type<sc_vector_subcore>, window_params = [{transform_indices = #map}, {transform_indices = #map}, {transform_indices = #map}, {transform_indices = #map1}, {transform_indices = #map}]} {
    %mul3A = arith.constant 640 : i32
    %mul3A_0 = arith.muli %arg1, %mul3A : i32
    %dma_start3A = arith.constant 0 : i32
    %dma_start3A_1 = tpu.memref_slice %arg15[%mul3A_0, %dma_start3A] : memref<10240x64xf32, #tpu.memory_space<vmem_shared>> -> memref<640x64xf32, #tpu.memory_space<vmem_shared>>
    tpu.enqueue_dma source(%arg5 : memref<640x64xf32, #tpu.memory_space<hbm>>) target(%dma_start3A_1 : memref<640x64xf32, #tpu.memory_space<vmem_shared>>) target_semaphore(%arg28 : memref<!tpu.dma_semaphore, #tpu.memory_space<semaphore_mem>>)
    "tpu.region"() ({
      %run_scoped3A = tpu.sem_alloc : memref<!tpu.dma_semaphore, #tpu.memory_space<semaphore_mem>>
      %dma_start3A_95 = arith.constant 0 : i32
      %dma_start3A_96 = arith.constant 0 : i32
      %dma_start3A_97 = tpu.memref_slice %arg3[%arg1, %dma_start3A_95, %dma_start3A_96] : memref<16x157x128xi32, #tpu.memory_space<hbm>> -> memref<1x157x128xi32, #tpu.memory_space<hbm>>
      %dma_start3A_98 = tpu.memref_squeeze %dma_start3A_97 : memref<1x157x128xi32, #tpu.memory_space<hbm>> -> memref<157x128xi32, #tpu.memory_space<hbm>>
      %dma_start3A_99 = arith.constant 0 : i32
      %dma_start3A_100 = arith.constant 0 : i32
      %dma_start3A_101 = tpu.memref_slice %arg3[%arg1, %dma_start3A_99, %dma_start3A_100] : memref<16x157x128xi32, #tpu.memory_space<hbm>> -> memref<1x157x128xi32, #tpu.memory_space<hbm>>
      %dma_start3A_102 = tpu.memref_squeeze %dma_start3A_101 : memref<1x157x128xi32, #tpu.memory_space<hbm>> -> memref<157x128xi32, #tpu.memory_space<hbm>>
      tpu.enqueue_dma source(%dma_start3A_102 : memref<157x128xi32, #tpu.memory_space<hbm>>) target(%arg7 : memref<157x128xi32, #tpu.memory_space<vmem>>) target_semaphore(%run_scoped3A : memref<!tpu.dma_semaphore, #tpu.memory_space<semaphore_mem>>)
      %dma_wait3A_103 = arith.constant 0 : i32
      %dma_wait3A_104 = arith.constant 0 : i32
      %dma_wait3A_105 = tpu.memref_slice %arg3[%arg1, %dma_wait3A_103, %dma_wait3A_104] : memref<16x157x128xi32, #tpu.memory_space<hbm>> -> memref<1x157x128xi32, #tpu.memory_space<hbm>>
      %dma_wait3A_106 = tpu.memref_squeeze %dma_wait3A_105 : memref<1x157x128xi32, #tpu.memory_space<hbm>> -> memref<157x128xi32, #tpu.memory_space<hbm>>
      %dma_wait3A_107 = arith.constant 0 : i32
      %dma_wait3A_108 = arith.constant 0 : i32
      %dma_wait3A_109 = tpu.memref_slice %arg3[%arg1, %dma_wait3A_107, %dma_wait3A_108] : memref<16x157x128xi32, #tpu.memory_space<hbm>> -> memref<1x157x128xi32, #tpu.memory_space<hbm>>
      %dma_wait3A_110 = tpu.memref_squeeze %dma_wait3A_109 : memref<1x157x128xi32, #tpu.memory_space<hbm>> -> memref<157x128xi32, #tpu.memory_space<hbm>>
      tpu.wait_dma2 semaphore(%run_scoped3A : memref<!tpu.dma_semaphore, #tpu.memory_space<semaphore_mem>>) src(%dma_wait3A_110 : memref<157x128xi32, #tpu.memory_space<hbm>>) dst(%arg7 : memref<157x128xi32, #tpu.memory_space<vmem>>)
      tpu.yield
    }) : () -> ()
    "tpu.region"() ({
      %run_scoped3A = tpu.sem_alloc : memref<!tpu.dma_semaphore, #tpu.memory_space<semaphore_mem>>
      %dma_start3A_95 = arith.constant 0 : i32
      %dma_start3A_96 = arith.constant 0 : i32
      %dma_start3A_97 = tpu.memref_slice %arg4[%arg1, %dma_start3A_95, %dma_start3A_96] : memref<16x157x128xi32, #tpu.memory_space<hbm>> -> memref<1x157x128xi32, #tpu.memory_space<hbm>>
      %dma_start3A_98 = tpu.memref_squeeze %dma_start3A_97 : memref<1x157x128xi32, #tpu.memory_space<hbm>> -> memref<157x128xi32, #tpu.memory_space<hbm>>
      %dma_start3A_99 = arith.constant 0 : i32
      %dma_start3A_100 = arith.constant 0 : i32
      %dma_start3A_101 = tpu.memref_slice %arg4[%arg1, %dma_start3A_99, %dma_start3A_100] : memref<16x157x128xi32, #tpu.memory_space<hbm>> -> memref<1x157x128xi32, #tpu.memory_space<hbm>>
      %dma_start3A_102 = tpu.memref_squeeze %dma_start3A_101 : memref<1x157x128xi32, #tpu.memory_space<hbm>> -> memref<157x128xi32, #tpu.memory_space<hbm>>
      tpu.enqueue_dma source(%dma_start3A_102 : memref<157x128xi32, #tpu.memory_space<hbm>>) target(%arg8 : memref<157x128xi32, #tpu.memory_space<vmem>>) target_semaphore(%run_scoped3A : memref<!tpu.dma_semaphore, #tpu.memory_space<semaphore_mem>>)
      %dma_wait3A_103 = arith.constant 0 : i32
      %dma_wait3A_104 = arith.constant 0 : i32
      %dma_wait3A_105 = tpu.memref_slice %arg4[%arg1, %dma_wait3A_103, %dma_wait3A_104] : memref<16x157x128xi32, #tpu.memory_space<hbm>> -> memref<1x157x128xi32, #tpu.memory_space<hbm>>
      %dma_wait3A_106 = tpu.memref_squeeze %dma_wait3A_105 : memref<1x157x128xi32, #tpu.memory_space<hbm>> -> memref<157x128xi32, #tpu.memory_space<hbm>>
      %dma_wait3A_107 = arith.constant 0 : i32
      %dma_wait3A_108 = arith.constant 0 : i32
      %dma_wait3A_109 = tpu.memref_slice %arg4[%arg1, %dma_wait3A_107, %dma_wait3A_108] : memref<16x157x128xi32, #tpu.memory_space<hbm>> -> memref<1x157x128xi32, #tpu.memory_space<hbm>>
      %dma_wait3A_110 = tpu.memref_squeeze %dma_wait3A_109 : memref<1x157x128xi32, #tpu.memory_space<hbm>> -> memref<157x128xi32, #tpu.memory_space<hbm>>
      tpu.wait_dma2 semaphore(%run_scoped3A : memref<!tpu.dma_semaphore, #tpu.memory_space<semaphore_mem>>) src(%dma_wait3A_110 : memref<157x128xi32, #tpu.memory_space<hbm>>) dst(%arg8 : memref<157x128xi32, #tpu.memory_space<vmem>>)
      tpu.yield
    }) : () -> ()
    %dma_start3A_2 = arith.constant 0 : i32
    %dma_start3A_3 = arith.constant 0 : i32
    %dma_start3A_4 = tpu.memref_slice %arg7[%dma_start3A_2, %dma_start3A_3] : memref<157x128xi32, #tpu.memory_space<vmem>> -> memref<1x128xi32, #tpu.memory_space<vmem>>
    %dma_start3A_5 = tpu.memref_squeeze %dma_start3A_4 : memref<1x128xi32, #tpu.memory_space<vmem>> -> memref<128xi32, #tpu.memory_space<vmem>>
    %dma_start3A_6 = arith.constant 0 : i32
    %dma_start3A_7 = arith.constant 0 : i32
    %dma_start3A_8 = tpu.memref_slice %arg2[%arg0, %dma_start3A_6, %dma_start3A_7] : memref<2x10000x64xf32, #tpu.memory_space<hbm>> -> memref<1x10000x64xf32, #tpu.memory_space<hbm>>
    %dma_start3A_9 = tpu.memref_squeeze %dma_start3A_8 : memref<1x10000x64xf32, #tpu.memory_space<hbm>> -> memref<10000x64xf32, #tpu.memory_space<hbm>>
    %dma_start3A_10 = arith.constant 0 : i32
    %dma_start3A_11 = arith.constant 0 : i32
    %dma_start3A_12 = tpu.memref_slice %dma_start3A_9[%dma_start3A_10, %dma_start3A_11] : memref<10000x64xf32, #tpu.memory_space<hbm>> -> memref<10000x64xf32, #tpu.memory_space<hbm>>
    tpu.enqueue_indirect_dma source(%dma_start3A_12 : memref<10000x64xf32, #tpu.memory_space<hbm>>) target(%arg9 : memref<128x64xf32, #tpu.memory_space<vmem>>) offsets(%dma_start3A_5 : memref<128xi32, #tpu.memory_space<vmem>>) semaphore(%arg16 : memref<!tpu.dma_semaphore, #tpu.memory_space<semaphore_mem>>)
    %dma_start3A_13 = arith.constant 1 : i32
    %dma_start3A_14 = arith.constant 0 : i32
    %dma_start3A_15 = tpu.memref_slice %arg7[%dma_start3A_13, %dma_start3A_14] : memref<157x128xi32, #tpu.memory_space<vmem>> -> memref<1x128xi32, #tpu.memory_space<vmem>>
    %dma_start3A_16 = tpu.memref_squeeze %dma_start3A_15 : memref<1x128xi32, #tpu.memory_space<vmem>> -> memref<128xi32, #tpu.memory_space<vmem>>
    %dma_start3A_17 = arith.constant 0 : i32
    %dma_start3A_18 = arith.constant 0 : i32
    %dma_start3A_19 = tpu.memref_slice %arg2[%arg0, %dma_start3A_17, %dma_start3A_18] : memref<2x10000x64xf32, #tpu.memory_space<hbm>> -> memref<1x10000x64xf32, #tpu.memory_space<hbm>>
    %dma_start3A_20 = tpu.memref_squeeze %dma_start3A_19 : memref<1x10000x64xf32, #tpu.memory_space<hbm>> -> memref<10000x64xf32, #tpu.memory_space<hbm>>
    %dma_start3A_21 = arith.constant 0 : i32
    %dma_start3A_22 = arith.constant 0 : i32
    %dma_start3A_23 = tpu.memref_slice %dma_start3A_20[%dma_start3A_21, %dma_start3A_22] : memref<10000x64xf32, #tpu.memory_space<hbm>> -> memref<10000x64xf32, #tpu.memory_space<hbm>>
    tpu.enqueue_indirect_dma source(%dma_start3A_23 : memref<10000x64xf32, #tpu.memory_space<hbm>>) target(%arg10 : memref<128x64xf32, #tpu.memory_space<vmem>>) offsets(%dma_start3A_16 : memref<128xi32, #tpu.memory_space<vmem>>) semaphore(%arg17 : memref<!tpu.dma_semaphore, #tpu.memory_space<semaphore_mem>>)
    %dma_start3A_24 = arith.constant 2 : i32
    %dma_start3A_25 = arith.constant 0 : i32
    %dma_start3A_26 = tpu.memref_slice %arg7[%dma_start3A_24, %dma_start3A_25] : memref<157x128xi32, #tpu.memory_space<vmem>> -> memref<1x128xi32, #tpu.memory_space<vmem>>
    %dma_start3A_27 = tpu.memref_squeeze %dma_start3A_26 : memref<1x128xi32, #tpu.memory_space<vmem>> -> memref<128xi32, #tpu.memory_space<vmem>>
    %dma_start3A_28 = arith.constant 0 : i32
    %dma_start3A_29 = arith.constant 0 : i32
    %dma_start3A_30 = tpu.memref_slice %arg2[%arg0, %dma_start3A_28, %dma_start3A_29] : memref<2x10000x64xf32, #tpu.memory_space<hbm>> -> memref<1x10000x64xf32, #tpu.memory_space<hbm>>
    %dma_start3A_31 = tpu.memref_squeeze %dma_start3A_30 : memref<1x10000x64xf32, #tpu.memory_space<hbm>> -> memref<10000x64xf32, #tpu.memory_space<hbm>>
    %dma_start3A_32 = arith.constant 0 : i32
    %dma_start3A_33 = arith.constant 0 : i32
    %dma_start3A_34 = tpu.memref_slice %dma_start3A_31[%dma_start3A_32, %dma_start3A_33] : memref<10000x64xf32, #tpu.memory_space<hbm>> -> memref<10000x64xf32, #tpu.memory_space<hbm>>
    tpu.enqueue_indirect_dma source(%dma_start3A_34 : memref<10000x64xf32, #tpu.memory_space<hbm>>) target(%arg11 : memref<128x64xf32, #tpu.memory_space<vmem>>) offsets(%dma_start3A_27 : memref<128xi32, #tpu.memory_space<vmem>>) semaphore(%arg18 : memref<!tpu.dma_semaphore, #tpu.memory_space<semaphore_mem>>)
    %dma_start3A_35 = arith.constant 3 : i32
    %dma_start3A_36 = arith.constant 0 : i32
    %dma_start3A_37 = tpu.memref_slice %arg7[%dma_start3A_35, %dma_start3A_36] : memref<157x128xi32, #tpu.memory_space<vmem>> -> memref<1x128xi32, #tpu.memory_space<vmem>>
    %dma_start3A_38 = tpu.memref_squeeze %dma_start3A_37 : memref<1x128xi32, #tpu.memory_space<vmem>> -> memref<128xi32, #tpu.memory_space<vmem>>
    %dma_start3A_39 = arith.constant 0 : i32
    %dma_start3A_40 = arith.constant 0 : i32
    %dma_start3A_41 = tpu.memref_slice %arg2[%arg0, %dma_start3A_39, %dma_start3A_40] : memref<2x10000x64xf32, #tpu.memory_space<hbm>> -> memref<1x10000x64xf32, #tpu.memory_space<hbm>>
    %dma_start3A_42 = tpu.memref_squeeze %dma_start3A_41 : memref<1x10000x64xf32, #tpu.memory_space<hbm>> -> memref<10000x64xf32, #tpu.memory_space<hbm>>
    %dma_start3A_43 = arith.constant 0 : i32
    %dma_start3A_44 = arith.constant 0 : i32
    %dma_start3A_45 = tpu.memref_slice %dma_start3A_42[%dma_start3A_43, %dma_start3A_44] : memref<10000x64xf32, #tpu.memory_space<hbm>> -> memref<10000x64xf32, #tpu.memory_space<hbm>>
    tpu.enqueue_indirect_dma source(%dma_start3A_45 : memref<10000x64xf32, #tpu.memory_space<hbm>>) target(%arg12 : memref<128x64xf32, #tpu.memory_space<vmem>>) offsets(%dma_start3A_38 : memref<128xi32, #tpu.memory_space<vmem>>) semaphore(%arg19 : memref<!tpu.dma_semaphore, #tpu.memory_space<semaphore_mem>>)
    %dma_wait3A = arith.constant 0 : i32
    %dma_wait3A_46 = tpu.memref_slice %arg15[%mul3A_0, %dma_wait3A] : memref<10240x64xf32, #tpu.memory_space<vmem_shared>> -> memref<640x64xf32, #tpu.memory_space<vmem_shared>>
    tpu.wait_dma2 semaphore(%arg28 : memref<!tpu.dma_semaphore, #tpu.memory_space<semaphore_mem>>) src(%arg5 : memref<640x64xf32, #tpu.memory_space<hbm>>) dst(%dma_wait3A_46 : memref<640x64xf32, #tpu.memory_space<vmem_shared>>)
    %barrier3A = arith.constant 0 : index
    tpu.barrier barrier_id(%barrier3A)
    %scan3A = arith.constant 0 : i32
    %scan3A_47 = arith.constant 26 : i32
    %scan3A_48 = arith.addi %scan3A, %scan3A_47 : i32
    %scan3A_49 = arith.constant 1 : i32
    scf.for %scan3A_95 = %scan3A to %scan3A_48 step %scan3A_49  : i32 {
      %mul3A_96 = arith.constant 6 : i32
      %mul3A_97 = arith.muli %scan3A_95, %mul3A_96 : i32
      %add3A = arith.constant 0 : i32
      %add3A_98 = arith.addi %add3A, %mul3A_97 : i32
      %add3A_99 = arith.constant 0 : i32
      %add3A_100 = arith.addi %add3A_98, %add3A_99 : i32
      %dma_wait3A_101 = arith.constant 0 : i32
      %dma_wait3A_102 = tpu.memref_slice %arg7[%add3A_100, %dma_wait3A_101] : memref<157x128xi32, #tpu.memory_space<vmem>> -> memref<1x128xi32, #tpu.memory_space<vmem>>
      %dma_wait3A_103 = tpu.memref_squeeze %dma_wait3A_102 : memref<1x128xi32, #tpu.memory_space<vmem>> -> memref<128xi32, #tpu.memory_space<vmem>>
      %dma_wait3A_104 = arith.constant 0 : i32
      %dma_wait3A_105 = arith.constant 0 : i32
      %dma_wait3A_106 = tpu.memref_slice %arg2[%arg0, %dma_wait3A_104, %dma_wait3A_105] : memref<2x10000x64xf32, #tpu.memory_space<hbm>> -> memref<1x10000x64xf32, #tpu.memory_space<hbm>>
      %dma_wait3A_107 = tpu.memref_squeeze %dma_wait3A_106 : memref<1x10000x64xf32, #tpu.memory_space<hbm>> -> memref<10000x64xf32, #tpu.memory_space<hbm>>
      %dma_wait3A_108 = arith.constant 0 : i32
      %dma_wait3A_109 = arith.constant 0 : i32
      %dma_wait3A_110 = tpu.memref_slice %dma_wait3A_107[%dma_wait3A_108, %dma_wait3A_109] : memref<10000x64xf32, #tpu.memory_space<hbm>> -> memref<10000x64xf32, #tpu.memory_space<hbm>>
      tpu.wait_indirect_dma semaphore(%arg16 : memref<!tpu.dma_semaphore, #tpu.memory_space<semaphore_mem>>) src(%dma_wait3A_110 : memref<10000x64xf32, #tpu.memory_space<hbm>>) dst(%arg9 : memref<128x64xf32, #tpu.memory_space<vmem>>)
      %dma_start3A_111 = arith.constant 0 : i32
      %dma_start3A_112 = tpu.memref_slice %arg8[%add3A_100, %dma_start3A_111] : memref<157x128xi32, #tpu.memory_space<vmem>> -> memref<1x128xi32, #tpu.memory_space<vmem>>
      %dma_start3A_113 = tpu.memref_squeeze %dma_start3A_112 : memref<1x128xi32, #tpu.memory_space<vmem>> -> memref<128xi32, #tpu.memory_space<vmem>>
      %dma_start3A_114 = arith.constant 0 : i32
      %dma_start3A_115 = arith.constant 0 : i32
      %dma_start3A_116 = tpu.memref_slice %arg15[%dma_start3A_114, %dma_start3A_115] : memref<10240x64xf32, #tpu.memory_space<vmem_shared>> -> memref<10240x64xf32, #tpu.memory_space<vmem_shared>>
      tpu.enqueue_indirect_dma source(%arg9 : memref<128x64xf32, #tpu.memory_space<vmem>>) target(%dma_start3A_116 : memref<10240x64xf32, #tpu.memory_space<vmem_shared>>) offsets(%dma_start3A_113 : memref<128xi32, #tpu.memory_space<vmem>>) semaphore(%arg22 : memref<!tpu.dma_semaphore, #tpu.memory_space<semaphore_mem>>) {add = true}
      %ge3A = arith.constant 2 : i32
      %ge3A_117 = arith.cmpi sge, %add3A_100, %ge3A : i32
      %convert_element_type3A = arith.extui %ge3A_117 : i1 to i32
      %cond3A = arith.constant 0 : i32
      %cond3A_118 = arith.cmpi ne, %convert_element_type3A, %cond3A : i32
      scf.if %cond3A_118 {
        %dma_wait3A_275 = arith.constant 0 : i32
        %dma_wait3A_276 = tpu.memref_slice %arg8[%add3A_100, %dma_wait3A_275] : memref<157x128xi32, #tpu.memory_space<vmem>> -> memref<1x128xi32, #tpu.memory_space<vmem>>
        %dma_wait3A_277 = tpu.memref_squeeze %dma_wait3A_276 : memref<1x128xi32, #tpu.memory_space<vmem>> -> memref<128xi32, #tpu.memory_space<vmem>>
        %dma_wait3A_278 = arith.constant 0 : i32
        %dma_wait3A_279 = arith.constant 0 : i32
        %dma_wait3A_280 = tpu.memref_slice %arg15[%dma_wait3A_278, %dma_wait3A_279] : memref<10240x64xf32, #tpu.memory_space<vmem_shared>> -> memref<10240x64xf32, #tpu.memory_space<vmem_shared>>
        tpu.wait_indirect_dma semaphore(%arg26 : memref<!tpu.dma_semaphore, #tpu.memory_space<semaphore_mem>>) src(%arg13 : memref<128x64xf32, #tpu.memory_space<vmem>>) dst(%dma_wait3A_280 : memref<10240x64xf32, #tpu.memory_space<vmem_shared>>)
      } else {
      }
      %add3A_119 = arith.constant 4 : i32
      %add3A_120 = arith.addi %add3A_100, %add3A_119 : i32
      %lt3A = arith.constant 157 : i32
      %lt3A_121 = arith.cmpi slt, %add3A_120, %lt3A : i32
      %convert_element_type3A_122 = arith.extui %lt3A_121 : i1 to i32
      %cond3A_123 = arith.constant 0 : i32
      %cond3A_124 = arith.cmpi ne, %convert_element_type3A_122, %cond3A_123 : i32
      scf.if %cond3A_124 {
        %add3A_275 = arith.constant 4 : i32
        %add3A_276 = arith.addi %add3A_100, %add3A_275 : i32
        %dma_start3A_277 = arith.constant 0 : i32
        %dma_start3A_278 = tpu.memref_slice %arg7[%add3A_276, %dma_start3A_277] : memref<157x128xi32, #tpu.memory_space<vmem>> -> memref<1x128xi32, #tpu.memory_space<vmem>>
        %dma_start3A_279 = tpu.memref_squeeze %dma_start3A_278 : memref<1x128xi32, #tpu.memory_space<vmem>> -> memref<128xi32, #tpu.memory_space<vmem>>
        %dma_start3A_280 = arith.constant 0 : i32
        %dma_start3A_281 = arith.constant 0 : i32
        %dma_start3A_282 = tpu.memref_slice %arg2[%arg0, %dma_start3A_280, %dma_start3A_281] : memref<2x10000x64xf32, #tpu.memory_space<hbm>> -> memref<1x10000x64xf32, #tpu.memory_space<hbm>>
        %dma_start3A_283 = tpu.memref_squeeze %dma_start3A_282 : memref<1x10000x64xf32, #tpu.memory_space<hbm>> -> memref<10000x64xf32, #tpu.memory_space<hbm>>
        %dma_start3A_284 = arith.constant 0 : i32
        %dma_start3A_285 = arith.constant 0 : i32
        %dma_start3A_286 = tpu.memref_slice %dma_start3A_283[%dma_start3A_284, %dma_start3A_285] : memref<10000x64xf32, #tpu.memory_space<hbm>> -> memref<10000x64xf32, #tpu.memory_space<hbm>>
        tpu.enqueue_indirect_dma source(%dma_start3A_286 : memref<10000x64xf32, #tpu.memory_space<hbm>>) target(%arg13 : memref<128x64xf32, #tpu.memory_space<vmem>>) offsets(%dma_start3A_279 : memref<128xi32, #tpu.memory_space<vmem>>) semaphore(%arg20 : memref<!tpu.dma_semaphore, #tpu.memory_space<semaphore_mem>>)
      } else {
      }
      %add3A_125 = arith.constant 1 : i32
      %add3A_126 = arith.addi %add3A_98, %add3A_125 : i32
      %dma_wait3A_127 = arith.constant 0 : i32
      %dma_wait3A_128 = tpu.memref_slice %arg7[%add3A_126, %dma_wait3A_127] : memref<157x128xi32, #tpu.memory_space<vmem>> -> memref<1x128xi32, #tpu.memory_space<vmem>>
      %dma_wait3A_129 = tpu.memref_squeeze %dma_wait3A_128 : memref<1x128xi32, #tpu.memory_space<vmem>> -> memref<128xi32, #tpu.memory_space<vmem>>
      %dma_wait3A_130 = arith.constant 0 : i32
      %dma_wait3A_131 = arith.constant 0 : i32
      %dma_wait3A_132 = tpu.memref_slice %arg2[%arg0, %dma_wait3A_130, %dma_wait3A_131] : memref<2x10000x64xf32, #tpu.memory_space<hbm>> -> memref<1x10000x64xf32, #tpu.memory_space<hbm>>
      %dma_wait3A_133 = tpu.memref_squeeze %dma_wait3A_132 : memref<1x10000x64xf32, #tpu.memory_space<hbm>> -> memref<10000x64xf32, #tpu.memory_space<hbm>>
      %dma_wait3A_134 = arith.constant 0 : i32
      %dma_wait3A_135 = arith.constant 0 : i32
      %dma_wait3A_136 = tpu.memref_slice %dma_wait3A_133[%dma_wait3A_134, %dma_wait3A_135] : memref<10000x64xf32, #tpu.memory_space<hbm>> -> memref<10000x64xf32, #tpu.memory_space<hbm>>
      tpu.wait_indirect_dma semaphore(%arg17 : memref<!tpu.dma_semaphore, #tpu.memory_space<semaphore_mem>>) src(%dma_wait3A_136 : memref<10000x64xf32, #tpu.memory_space<hbm>>) dst(%arg10 : memref<128x64xf32, #tpu.memory_space<vmem>>)
      %dma_start3A_137 = arith.constant 0 : i32
      %dma_start3A_138 = tpu.memref_slice %arg8[%add3A_126, %dma_start3A_137] : memref<157x128xi32, #tpu.memory_space<vmem>> -> memref<1x128xi32, #tpu.memory_space<vmem>>
      %dma_start3A_139 = tpu.memref_squeeze %dma_start3A_138 : memref<1x128xi32, #tpu.memory_space<vmem>> -> memref<128xi32, #tpu.memory_space<vmem>>
      %dma_start3A_140 = arith.constant 0 : i32
      %dma_start3A_141 = arith.constant 0 : i32
      %dma_start3A_142 = tpu.memref_slice %arg15[%dma_start3A_140, %dma_start3A_141] : memref<10240x64xf32, #tpu.memory_space<vmem_shared>> -> memref<10240x64xf32, #tpu.memory_space<vmem_shared>>
      tpu.enqueue_indirect_dma source(%arg10 : memref<128x64xf32, #tpu.memory_space<vmem>>) target(%dma_start3A_142 : memref<10240x64xf32, #tpu.memory_space<vmem_shared>>) offsets(%dma_start3A_139 : memref<128xi32, #tpu.memory_space<vmem>>) semaphore(%arg23 : memref<!tpu.dma_semaphore, #tpu.memory_space<semaphore_mem>>) {add = true}
      %ge3A_143 = arith.constant 2 : i32
      %ge3A_144 = arith.cmpi sge, %add3A_126, %ge3A_143 : i32
      %convert_element_type3A_145 = arith.extui %ge3A_144 : i1 to i32
      %cond3A_146 = arith.constant 0 : i32
      %cond3A_147 = arith.cmpi ne, %convert_element_type3A_145, %cond3A_146 : i32
      scf.if %cond3A_147 {
        %dma_wait3A_275 = arith.constant 0 : i32
        %dma_wait3A_276 = tpu.memref_slice %arg8[%add3A_126, %dma_wait3A_275] : memref<157x128xi32, #tpu.memory_space<vmem>> -> memref<1x128xi32, #tpu.memory_space<vmem>>
        %dma_wait3A_277 = tpu.memref_squeeze %dma_wait3A_276 : memref<1x128xi32, #tpu.memory_space<vmem>> -> memref<128xi32, #tpu.memory_space<vmem>>
        %dma_wait3A_278 = arith.constant 0 : i32
        %dma_wait3A_279 = arith.constant 0 : i32
        %dma_wait3A_280 = tpu.memref_slice %arg15[%dma_wait3A_278, %dma_wait3A_279] : memref<10240x64xf32, #tpu.memory_space<vmem_shared>> -> memref<10240x64xf32, #tpu.memory_space<vmem_shared>>
        tpu.wait_indirect_dma semaphore(%arg27 : memref<!tpu.dma_semaphore, #tpu.memory_space<semaphore_mem>>) src(%arg14 : memref<128x64xf32, #tpu.memory_space<vmem>>) dst(%dma_wait3A_280 : memref<10240x64xf32, #tpu.memory_space<vmem_shared>>)
      } else {
      }
      %add3A_148 = arith.constant 4 : i32
      %add3A_149 = arith.addi %add3A_126, %add3A_148 : i32
      %lt3A_150 = arith.constant 157 : i32
      %lt3A_151 = arith.cmpi slt, %add3A_149, %lt3A_150 : i32
      %convert_element_type3A_152 = arith.extui %lt3A_151 : i1 to i32
      %cond3A_153 = arith.constant 0 : i32
      %cond3A_154 = arith.cmpi ne, %convert_element_type3A_152, %cond3A_153 : i32
      scf.if %cond3A_154 {
        %add3A_275 = arith.constant 4 : i32
        %add3A_276 = arith.addi %add3A_126, %add3A_275 : i32
        %dma_start3A_277 = arith.constant 0 : i32
        %dma_start3A_278 = tpu.memref_slice %arg7[%add3A_276, %dma_start3A_277] : memref<157x128xi32, #tpu.memory_space<vmem>> -> memref<1x128xi32, #tpu.memory_space<vmem>>
        %dma_start3A_279 = tpu.memref_squeeze %dma_start3A_278 : memref<1x128xi32, #tpu.memory_space<vmem>> -> memref<128xi32, #tpu.memory_space<vmem>>
        %dma_start3A_280 = arith.constant 0 : i32
        %dma_start3A_281 = arith.constant 0 : i32
        %dma_start3A_282 = tpu.memref_slice %arg2[%arg0, %dma_start3A_280, %dma_start3A_281] : memref<2x10000x64xf32, #tpu.memory_space<hbm>> -> memref<1x10000x64xf32, #tpu.memory_space<hbm>>
        %dma_start3A_283 = tpu.memref_squeeze %dma_start3A_282 : memref<1x10000x64xf32, #tpu.memory_space<hbm>> -> memref<10000x64xf32, #tpu.memory_space<hbm>>
        %dma_start3A_284 = arith.constant 0 : i32
        %dma_start3A_285 = arith.constant 0 : i32
        %dma_start3A_286 = tpu.memref_slice %dma_start3A_283[%dma_start3A_284, %dma_start3A_285] : memref<10000x64xf32, #tpu.memory_space<hbm>> -> memref<10000x64xf32, #tpu.memory_space<hbm>>
        tpu.enqueue_indirect_dma source(%dma_start3A_286 : memref<10000x64xf32, #tpu.memory_space<hbm>>) target(%arg14 : memref<128x64xf32, #tpu.memory_space<vmem>>) offsets(%dma_start3A_279 : memref<128xi32, #tpu.memory_space<vmem>>) semaphore(%arg21 : memref<!tpu.dma_semaphore, #tpu.memory_space<semaphore_mem>>)
      } else {
      }
      %add3A_155 = arith.constant 2 : i32
      %add3A_156 = arith.addi %add3A_98, %add3A_155 : i32
      %dma_wait3A_157 = arith.constant 0 : i32
      %dma_wait3A_158 = tpu.memref_slice %arg7[%add3A_156, %dma_wait3A_157] : memref<157x128xi32, #tpu.memory_space<vmem>> -> memref<1x128xi32, #tpu.memory_space<vmem>>
      %dma_wait3A_159 = tpu.memref_squeeze %dma_wait3A_158 : memref<1x128xi32, #tpu.memory_space<vmem>> -> memref<128xi32, #tpu.memory_space<vmem>>
      %dma_wait3A_160 = arith.constant 0 : i32
      %dma_wait3A_161 = arith.constant 0 : i32
      %dma_wait3A_162 = tpu.memref_slice %arg2[%arg0, %dma_wait3A_160, %dma_wait3A_161] : memref<2x10000x64xf32, #tpu.memory_space<hbm>> -> memref<1x10000x64xf32, #tpu.memory_space<hbm>>
      %dma_wait3A_163 = tpu.memref_squeeze %dma_wait3A_162 : memref<1x10000x64xf32, #tpu.memory_space<hbm>> -> memref<10000x64xf32, #tpu.memory_space<hbm>>
      %dma_wait3A_164 = arith.constant 0 : i32
      %dma_wait3A_165 = arith.constant 0 : i32
      %dma_wait3A_166 = tpu.memref_slice %dma_wait3A_163[%dma_wait3A_164, %dma_wait3A_165] : memref<10000x64xf32, #tpu.memory_space<hbm>> -> memref<10000x64xf32, #tpu.memory_space<hbm>>
      tpu.wait_indirect_dma semaphore(%arg18 : memref<!tpu.dma_semaphore, #tpu.memory_space<semaphore_mem>>) src(%dma_wait3A_166 : memref<10000x64xf32, #tpu.memory_space<hbm>>) dst(%arg11 : memref<128x64xf32, #tpu.memory_space<vmem>>)
      %dma_start3A_167 = arith.constant 0 : i32
      %dma_start3A_168 = tpu.memref_slice %arg8[%add3A_156, %dma_start3A_167] : memref<157x128xi32, #tpu.memory_space<vmem>> -> memref<1x128xi32, #tpu.memory_space<vmem>>
      %dma_start3A_169 = tpu.memref_squeeze %dma_start3A_168 : memref<1x128xi32, #tpu.memory_space<vmem>> -> memref<128xi32, #tpu.memory_space<vmem>>
      %dma_start3A_170 = arith.constant 0 : i32
      %dma_start3A_171 = arith.constant 0 : i32
      %dma_start3A_172 = tpu.memref_slice %arg15[%dma_start3A_170, %dma_start3A_171] : memref<10240x64xf32, #tpu.memory_space<vmem_shared>> -> memref<10240x64xf32, #tpu.memory_space<vmem_shared>>
      tpu.enqueue_indirect_dma source(%arg11 : memref<128x64xf32, #tpu.memory_space<vmem>>) target(%dma_start3A_172 : memref<10240x64xf32, #tpu.memory_space<vmem_shared>>) offsets(%dma_start3A_169 : memref<128xi32, #tpu.memory_space<vmem>>) semaphore(%arg24 : memref<!tpu.dma_semaphore, #tpu.memory_space<semaphore_mem>>) {add = true}
      %ge3A_173 = arith.constant 2 : i32
      %ge3A_174 = arith.cmpi sge, %add3A_156, %ge3A_173 : i32
      %convert_element_type3A_175 = arith.extui %ge3A_174 : i1 to i32
      %cond3A_176 = arith.constant 0 : i32
      %cond3A_177 = arith.cmpi ne, %convert_element_type3A_175, %cond3A_176 : i32
      scf.if %cond3A_177 {
        %dma_wait3A_275 = arith.constant 0 : i32
        %dma_wait3A_276 = tpu.memref_slice %arg8[%add3A_156, %dma_wait3A_275] : memref<157x128xi32, #tpu.memory_space<vmem>> -> memref<1x128xi32, #tpu.memory_space<vmem>>
        %dma_wait3A_277 = tpu.memref_squeeze %dma_wait3A_276 : memref<1x128xi32, #tpu.memory_space<vmem>> -> memref<128xi32, #tpu.memory_space<vmem>>
        %dma_wait3A_278 = arith.constant 0 : i32
        %dma_wait3A_279 = arith.constant 0 : i32
        %dma_wait3A_280 = tpu.memref_slice %arg15[%dma_wait3A_278, %dma_wait3A_279] : memref<10240x64xf32, #tpu.memory_space<vmem_shared>> -> memref<10240x64xf32, #tpu.memory_space<vmem_shared>>
        tpu.wait_indirect_dma semaphore(%arg22 : memref<!tpu.dma_semaphore, #tpu.memory_space<semaphore_mem>>) src(%arg9 : memref<128x64xf32, #tpu.memory_space<vmem>>) dst(%dma_wait3A_280 : memref<10240x64xf32, #tpu.memory_space<vmem_shared>>)
      } else {
      }
      %add3A_178 = arith.constant 4 : i32
      %add3A_179 = arith.addi %add3A_156, %add3A_178 : i32
      %lt3A_180 = arith.constant 157 : i32
      %lt3A_181 = arith.cmpi slt, %add3A_179, %lt3A_180 : i32
      %convert_element_type3A_182 = arith.extui %lt3A_181 : i1 to i32
      %cond3A_183 = arith.constant 0 : i32
      %cond3A_184 = arith.cmpi ne, %convert_element_type3A_182, %cond3A_183 : i32
      scf.if %cond3A_184 {
        %add3A_275 = arith.constant 4 : i32
        %add3A_276 = arith.addi %add3A_156, %add3A_275 : i32
        %dma_start3A_277 = arith.constant 0 : i32
        %dma_start3A_278 = tpu.memref_slice %arg7[%add3A_276, %dma_start3A_277] : memref<157x128xi32, #tpu.memory_space<vmem>> -> memref<1x128xi32, #tpu.memory_space<vmem>>
        %dma_start3A_279 = tpu.memref_squeeze %dma_start3A_278 : memref<1x128xi32, #tpu.memory_space<vmem>> -> memref<128xi32, #tpu.memory_space<vmem>>
        %dma_start3A_280 = arith.constant 0 : i32
        %dma_start3A_281 = arith.constant 0 : i32
        %dma_start3A_282 = tpu.memref_slice %arg2[%arg0, %dma_start3A_280, %dma_start3A_281] : memref<2x10000x64xf32, #tpu.memory_space<hbm>> -> memref<1x10000x64xf32, #tpu.memory_space<hbm>>
        %dma_start3A_283 = tpu.memref_squeeze %dma_start3A_282 : memref<1x10000x64xf32, #tpu.memory_space<hbm>> -> memref<10000x64xf32, #tpu.memory_space<hbm>>
        %dma_start3A_284 = arith.constant 0 : i32
        %dma_start3A_285 = arith.constant 0 : i32
        %dma_start3A_286 = tpu.memref_slice %dma_start3A_283[%dma_start3A_284, %dma_start3A_285] : memref<10000x64xf32, #tpu.memory_space<hbm>> -> memref<10000x64xf32, #tpu.memory_space<hbm>>
        tpu.enqueue_indirect_dma source(%dma_start3A_286 : memref<10000x64xf32, #tpu.memory_space<hbm>>) target(%arg9 : memref<128x64xf32, #tpu.memory_space<vmem>>) offsets(%dma_start3A_279 : memref<128xi32, #tpu.memory_space<vmem>>) semaphore(%arg16 : memref<!tpu.dma_semaphore, #tpu.memory_space<semaphore_mem>>)
      } else {
      }
      %add3A_185 = arith.constant 3 : i32
      %add3A_186 = arith.addi %add3A_98, %add3A_185 : i32
      %dma_wait3A_187 = arith.constant 0 : i32
      %dma_wait3A_188 = tpu.memref_slice %arg7[%add3A_186, %dma_wait3A_187] : memref<157x128xi32, #tpu.memory_space<vmem>> -> memref<1x128xi32, #tpu.memory_space<vmem>>
      %dma_wait3A_189 = tpu.memref_squeeze %dma_wait3A_188 : memref<1x128xi32, #tpu.memory_space<vmem>> -> memref<128xi32, #tpu.memory_space<vmem>>
      %dma_wait3A_190 = arith.constant 0 : i32
      %dma_wait3A_191 = arith.constant 0 : i32
      %dma_wait3A_192 = tpu.memref_slice %arg2[%arg0, %dma_wait3A_190, %dma_wait3A_191] : memref<2x10000x64xf32, #tpu.memory_space<hbm>> -> memref<1x10000x64xf32, #tpu.memory_space<hbm>>
      %dma_wait3A_193 = tpu.memref_squeeze %dma_wait3A_192 : memref<1x10000x64xf32, #tpu.memory_space<hbm>> -> memref<10000x64xf32, #tpu.memory_space<hbm>>
      %dma_wait3A_194 = arith.constant 0 : i32
      %dma_wait3A_195 = arith.constant 0 : i32
      %dma_wait3A_196 = tpu.memref_slice %dma_wait3A_193[%dma_wait3A_194, %dma_wait3A_195] : memref<10000x64xf32, #tpu.memory_space<hbm>> -> memref<10000x64xf32, #tpu.memory_space<hbm>>
      tpu.wait_indirect_dma semaphore(%arg19 : memref<!tpu.dma_semaphore, #tpu.memory_space<semaphore_mem>>) src(%dma_wait3A_196 : memref<10000x64xf32, #tpu.memory_space<hbm>>) dst(%arg12 : memref<128x64xf32, #tpu.memory_space<vmem>>)
      %dma_start3A_197 = arith.constant 0 : i32
      %dma_start3A_198 = tpu.memref_slice %arg8[%add3A_186, %dma_start3A_197] : memref<157x128xi32, #tpu.memory_space<vmem>> -> memref<1x128xi32, #tpu.memory_space<vmem>>
      %dma_start3A_199 = tpu.memref_squeeze %dma_start3A_198 : memref<1x128xi32, #tpu.memory_space<vmem>> -> memref<128xi32, #tpu.memory_space<vmem>>
      %dma_start3A_200 = arith.constant 0 : i32
      %dma_start3A_201 = arith.constant 0 : i32
      %dma_start3A_202 = tpu.memref_slice %arg15[%dma_start3A_200, %dma_start3A_201] : memref<10240x64xf32, #tpu.memory_space<vmem_shared>> -> memref<10240x64xf32, #tpu.memory_space<vmem_shared>>
      tpu.enqueue_indirect_dma source(%arg12 : memref<128x64xf32, #tpu.memory_space<vmem>>) target(%dma_start3A_202 : memref<10240x64xf32, #tpu.memory_space<vmem_shared>>) offsets(%dma_start3A_199 : memref<128xi32, #tpu.memory_space<vmem>>) semaphore(%arg25 : memref<!tpu.dma_semaphore, #tpu.memory_space<semaphore_mem>>) {add = true}
      %ge3A_203 = arith.constant 2 : i32
      %ge3A_204 = arith.cmpi sge, %add3A_186, %ge3A_203 : i32
      %convert_element_type3A_205 = arith.extui %ge3A_204 : i1 to i32
      %cond3A_206 = arith.constant 0 : i32
      %cond3A_207 = arith.cmpi ne, %convert_element_type3A_205, %cond3A_206 : i32
      scf.if %cond3A_207 {
        %dma_wait3A_275 = arith.constant 0 : i32
        %dma_wait3A_276 = tpu.memref_slice %arg8[%add3A_186, %dma_wait3A_275] : memref<157x128xi32, #tpu.memory_space<vmem>> -> memref<1x128xi32, #tpu.memory_space<vmem>>
        %dma_wait3A_277 = tpu.memref_squeeze %dma_wait3A_276 : memref<1x128xi32, #tpu.memory_space<vmem>> -> memref<128xi32, #tpu.memory_space<vmem>>
        %dma_wait3A_278 = arith.constant 0 : i32
        %dma_wait3A_279 = arith.constant 0 : i32
        %dma_wait3A_280 = tpu.memref_slice %arg15[%dma_wait3A_278, %dma_wait3A_279] : memref<10240x64xf32, #tpu.memory_space<vmem_shared>> -> memref<10240x64xf32, #tpu.memory_space<vmem_shared>>
        tpu.wait_indirect_dma semaphore(%arg23 : memref<!tpu.dma_semaphore, #tpu.memory_space<semaphore_mem>>) src(%arg10 : memref<128x64xf32, #tpu.memory_space<vmem>>) dst(%dma_wait3A_280 : memref<10240x64xf32, #tpu.memory_space<vmem_shared>>)
      } else {
      }
      %add3A_208 = arith.constant 4 : i32
      %add3A_209 = arith.addi %add3A_186, %add3A_208 : i32
      %lt3A_210 = arith.constant 157 : i32
      %lt3A_211 = arith.cmpi slt, %add3A_209, %lt3A_210 : i32
      %convert_element_type3A_212 = arith.extui %lt3A_211 : i1 to i32
      %cond3A_213 = arith.constant 0 : i32
      %cond3A_214 = arith.cmpi ne, %convert_element_type3A_212, %cond3A_213 : i32
      scf.if %cond3A_214 {
        %add3A_275 = arith.constant 4 : i32
        %add3A_276 = arith.addi %add3A_186, %add3A_275 : i32
        %dma_start3A_277 = arith.constant 0 : i32
        %dma_start3A_278 = tpu.memref_slice %arg7[%add3A_276, %dma_start3A_277] : memref<157x128xi32, #tpu.memory_space<vmem>> -> memref<1x128xi32, #tpu.memory_space<vmem>>
        %dma_start3A_279 = tpu.memref_squeeze %dma_start3A_278 : memref<1x128xi32, #tpu.memory_space<vmem>> -> memref<128xi32, #tpu.memory_space<vmem>>
        %dma_start3A_280 = arith.constant 0 : i32
        %dma_start3A_281 = arith.constant 0 : i32
        %dma_start3A_282 = tpu.memref_slice %arg2[%arg0, %dma_start3A_280, %dma_start3A_281] : memref<2x10000x64xf32, #tpu.memory_space<hbm>> -> memref<1x10000x64xf32, #tpu.memory_space<hbm>>
        %dma_start3A_283 = tpu.memref_squeeze %dma_start3A_282 : memref<1x10000x64xf32, #tpu.memory_space<hbm>> -> memref<10000x64xf32, #tpu.memory_space<hbm>>
        %dma_start3A_284 = arith.constant 0 : i32
        %dma_start3A_285 = arith.constant 0 : i32
        %dma_start3A_286 = tpu.memref_slice %dma_start3A_283[%dma_start3A_284, %dma_start3A_285] : memref<10000x64xf32, #tpu.memory_space<hbm>> -> memref<10000x64xf32, #tpu.memory_space<hbm>>
        tpu.enqueue_indirect_dma source(%dma_start3A_286 : memref<10000x64xf32, #tpu.memory_space<hbm>>) target(%arg10 : memref<128x64xf32, #tpu.memory_space<vmem>>) offsets(%dma_start3A_279 : memref<128xi32, #tpu.memory_space<vmem>>) semaphore(%arg17 : memref<!tpu.dma_semaphore, #tpu.memory_space<semaphore_mem>>)
      } else {
      }
      %add3A_215 = arith.constant 4 : i32
      %add3A_216 = arith.addi %add3A_98, %add3A_215 : i32
      %dma_wait3A_217 = arith.constant 0 : i32
      %dma_wait3A_218 = tpu.memref_slice %arg7[%add3A_216, %dma_wait3A_217] : memref<157x128xi32, #tpu.memory_space<vmem>> -> memref<1x128xi32, #tpu.memory_space<vmem>>
      %dma_wait3A_219 = tpu.memref_squeeze %dma_wait3A_218 : memref<1x128xi32, #tpu.memory_space<vmem>> -> memref<128xi32, #tpu.memory_space<vmem>>
      %dma_wait3A_220 = arith.constant 0 : i32
      %dma_wait3A_221 = arith.constant 0 : i32
      %dma_wait3A_222 = tpu.memref_slice %arg2[%arg0, %dma_wait3A_220, %dma_wait3A_221] : memref<2x10000x64xf32, #tpu.memory_space<hbm>> -> memref<1x10000x64xf32, #tpu.memory_space<hbm>>
      %dma_wait3A_223 = tpu.memref_squeeze %dma_wait3A_222 : memref<1x10000x64xf32, #tpu.memory_space<hbm>> -> memref<10000x64xf32, #tpu.memory_space<hbm>>
      %dma_wait3A_224 = arith.constant 0 : i32
      %dma_wait3A_225 = arith.constant 0 : i32
      %dma_wait3A_226 = tpu.memref_slice %dma_wait3A_223[%dma_wait3A_224, %dma_wait3A_225] : memref<10000x64xf32, #tpu.memory_space<hbm>> -> memref<10000x64xf32, #tpu.memory_space<hbm>>
      tpu.wait_indirect_dma semaphore(%arg20 : memref<!tpu.dma_semaphore, #tpu.memory_space<semaphore_mem>>) src(%dma_wait3A_226 : memref<10000x64xf32, #tpu.memory_space<hbm>>) dst(%arg13 : memref<128x64xf32, #tpu.memory_space<vmem>>)
      %dma_start3A_227 = arith.constant 0 : i32
      %dma_start3A_228 = tpu.memref_slice %arg8[%add3A_216, %dma_start3A_227] : memref<157x128xi32, #tpu.memory_space<vmem>> -> memref<1x128xi32, #tpu.memory_space<vmem>>
      %dma_start3A_229 = tpu.memref_squeeze %dma_start3A_228 : memref<1x128xi32, #tpu.memory_space<vmem>> -> memref<128xi32, #tpu.memory_space<vmem>>
      %dma_start3A_230 = arith.constant 0 : i32
      %dma_start3A_231 = arith.constant 0 : i32
      %dma_start3A_232 = tpu.memref_slice %arg15[%dma_start3A_230, %dma_start3A_231] : memref<10240x64xf32, #tpu.memory_space<vmem_shared>> -> memref<10240x64xf32, #tpu.memory_space<vmem_shared>>
      tpu.enqueue_indirect_dma source(%arg13 : memref<128x64xf32, #tpu.memory_space<vmem>>) target(%dma_start3A_232 : memref<10240x64xf32, #tpu.memory_space<vmem_shared>>) offsets(%dma_start3A_229 : memref<128xi32, #tpu.memory_space<vmem>>) semaphore(%arg26 : memref<!tpu.dma_semaphore, #tpu.memory_space<semaphore_mem>>) {add = true}
      %ge3A_233 = arith.constant 2 : i32
      %ge3A_234 = arith.cmpi sge, %add3A_216, %ge3A_233 : i32
      %convert_element_type3A_235 = arith.extui %ge3A_234 : i1 to i32
      %cond3A_236 = arith.constant 0 : i32
      %cond3A_237 = arith.cmpi ne, %convert_element_type3A_235, %cond3A_236 : i32
      scf.if %cond3A_237 {
        %dma_wait3A_275 = arith.constant 0 : i32
        %dma_wait3A_276 = tpu.memref_slice %arg8[%add3A_216, %dma_wait3A_275] : memref<157x128xi32, #tpu.memory_space<vmem>> -> memref<1x128xi32, #tpu.memory_space<vmem>>
        %dma_wait3A_277 = tpu.memref_squeeze %dma_wait3A_276 : memref<1x128xi32, #tpu.memory_space<vmem>> -> memref<128xi32, #tpu.memory_space<vmem>>
        %dma_wait3A_278 = arith.constant 0 : i32
        %dma_wait3A_279 = arith.constant 0 : i32
        %dma_wait3A_280 = tpu.memref_slice %arg15[%dma_wait3A_278, %dma_wait3A_279] : memref<10240x64xf32, #tpu.memory_space<vmem_shared>> -> memref<10240x64xf32, #tpu.memory_space<vmem_shared>>
        tpu.wait_indirect_dma semaphore(%arg24 : memref<!tpu.dma_semaphore, #tpu.memory_space<semaphore_mem>>) src(%arg11 : memref<128x64xf32, #tpu.memory_space<vmem>>) dst(%dma_wait3A_280 : memref<10240x64xf32, #tpu.memory_space<vmem_shared>>)
      } else {
      }
      %add3A_238 = arith.constant 4 : i32
      %add3A_239 = arith.addi %add3A_216, %add3A_238 : i32
      %lt3A_240 = arith.constant 157 : i32
      %lt3A_241 = arith.cmpi slt, %add3A_239, %lt3A_240 : i32
      %convert_element_type3A_242 = arith.extui %lt3A_241 : i1 to i32
      %cond3A_243 = arith.constant 0 : i32
      %cond3A_244 = arith.cmpi ne, %convert_element_type3A_242, %cond3A_243 : i32
      scf.if %cond3A_244 {
        %add3A_275 = arith.constant 4 : i32
        %add3A_276 = arith.addi %add3A_216, %add3A_275 : i32
        %dma_start3A_277 = arith.constant 0 : i32
        %dma_start3A_278 = tpu.memref_slice %arg7[%add3A_276, %dma_start3A_277] : memref<157x128xi32, #tpu.memory_space<vmem>> -> memref<1x128xi32, #tpu.memory_space<vmem>>
        %dma_start3A_279 = tpu.memref_squeeze %dma_start3A_278 : memref<1x128xi32, #tpu.memory_space<vmem>> -> memref<128xi32, #tpu.memory_space<vmem>>
        %dma_start3A_280 = arith.constant 0 : i32
        %dma_start3A_281 = arith.constant 0 : i32
        %dma_start3A_282 = tpu.memref_slice %arg2[%arg0, %dma_start3A_280, %dma_start3A_281] : memref<2x10000x64xf32, #tpu.memory_space<hbm>> -> memref<1x10000x64xf32, #tpu.memory_space<hbm>>
        %dma_start3A_283 = tpu.memref_squeeze %dma_start3A_282 : memref<1x10000x64xf32, #tpu.memory_space<hbm>> -> memref<10000x64xf32, #tpu.memory_space<hbm>>
        %dma_start3A_284 = arith.constant 0 : i32
        %dma_start3A_285 = arith.constant 0 : i32
        %dma_start3A_286 = tpu.memref_slice %dma_start3A_283[%dma_start3A_284, %dma_start3A_285] : memref<10000x64xf32, #tpu.memory_space<hbm>> -> memref<10000x64xf32, #tpu.memory_space<hbm>>
        tpu.enqueue_indirect_dma source(%dma_start3A_286 : memref<10000x64xf32, #tpu.memory_space<hbm>>) target(%arg11 : memref<128x64xf32, #tpu.memory_space<vmem>>) offsets(%dma_start3A_279 : memref<128xi32, #tpu.memory_space<vmem>>) semaphore(%arg18 : memref<!tpu.dma_semaphore, #tpu.memory_space<semaphore_mem>>)
      } else {
      }
      %add3A_245 = arith.constant 5 : i32
      %add3A_246 = arith.addi %add3A_98, %add3A_245 : i32
      %dma_wait3A_247 = arith.constant 0 : i32
      %dma_wait3A_248 = tpu.memref_slice %arg7[%add3A_246, %dma_wait3A_247] : memref<157x128xi32, #tpu.memory_space<vmem>> -> memref<1x128xi32, #tpu.memory_space<vmem>>
      %dma_wait3A_249 = tpu.memref_squeeze %dma_wait3A_248 : memref<1x128xi32, #tpu.memory_space<vmem>> -> memref<128xi32, #tpu.memory_space<vmem>>
      %dma_wait3A_250 = arith.constant 0 : i32
      %dma_wait3A_251 = arith.constant 0 : i32
      %dma_wait3A_252 = tpu.memref_slice %arg2[%arg0, %dma_wait3A_250, %dma_wait3A_251] : memref<2x10000x64xf32, #tpu.memory_space<hbm>> -> memref<1x10000x64xf32, #tpu.memory_space<hbm>>
      %dma_wait3A_253 = tpu.memref_squeeze %dma_wait3A_252 : memref<1x10000x64xf32, #tpu.memory_space<hbm>> -> memref<10000x64xf32, #tpu.memory_space<hbm>>
      %dma_wait3A_254 = arith.constant 0 : i32
      %dma_wait3A_255 = arith.constant 0 : i32
      %dma_wait3A_256 = tpu.memref_slice %dma_wait3A_253[%dma_wait3A_254, %dma_wait3A_255] : memref<10000x64xf32, #tpu.memory_space<hbm>> -> memref<10000x64xf32, #tpu.memory_space<hbm>>
      tpu.wait_indirect_dma semaphore(%arg21 : memref<!tpu.dma_semaphore, #tpu.memory_space<semaphore_mem>>) src(%dma_wait3A_256 : memref<10000x64xf32, #tpu.memory_space<hbm>>) dst(%arg14 : memref<128x64xf32, #tpu.memory_space<vmem>>)
      %dma_start3A_257 = arith.constant 0 : i32
      %dma_start3A_258 = tpu.memref_slice %arg8[%add3A_246, %dma_start3A_257] : memref<157x128xi32, #tpu.memory_space<vmem>> -> memref<1x128xi32, #tpu.memory_space<vmem>>
      %dma_start3A_259 = tpu.memref_squeeze %dma_start3A_258 : memref<1x128xi32, #tpu.memory_space<vmem>> -> memref<128xi32, #tpu.memory_space<vmem>>
      %dma_start3A_260 = arith.constant 0 : i32
      %dma_start3A_261 = arith.constant 0 : i32
      %dma_start3A_262 = tpu.memref_slice %arg15[%dma_start3A_260, %dma_start3A_261] : memref<10240x64xf32, #tpu.memory_space<vmem_shared>> -> memref<10240x64xf32, #tpu.memory_space<vmem_shared>>
      tpu.enqueue_indirect_dma source(%arg14 : memref<128x64xf32, #tpu.memory_space<vmem>>) target(%dma_start3A_262 : memref<10240x64xf32, #tpu.memory_space<vmem_shared>>) offsets(%dma_start3A_259 : memref<128xi32, #tpu.memory_space<vmem>>) semaphore(%arg27 : memref<!tpu.dma_semaphore, #tpu.memory_space<semaphore_mem>>) {add = true}
      %ge3A_263 = arith.constant 2 : i32
      %ge3A_264 = arith.cmpi sge, %add3A_246, %ge3A_263 : i32
      %convert_element_type3A_265 = arith.extui %ge3A_264 : i1 to i32
      %cond3A_266 = arith.constant 0 : i32
      %cond3A_267 = arith.cmpi ne, %convert_element_type3A_265, %cond3A_266 : i32
      scf.if %cond3A_267 {
        %dma_wait3A_275 = arith.constant 0 : i32
        %dma_wait3A_276 = tpu.memref_slice %arg8[%add3A_246, %dma_wait3A_275] : memref<157x128xi32, #tpu.memory_space<vmem>> -> memref<1x128xi32, #tpu.memory_space<vmem>>
        %dma_wait3A_277 = tpu.memref_squeeze %dma_wait3A_276 : memref<1x128xi32, #tpu.memory_space<vmem>> -> memref<128xi32, #tpu.memory_space<vmem>>
        %dma_wait3A_278 = arith.constant 0 : i32
        %dma_wait3A_279 = arith.constant 0 : i32
        %dma_wait3A_280 = tpu.memref_slice %arg15[%dma_wait3A_278, %dma_wait3A_279] : memref<10240x64xf32, #tpu.memory_space<vmem_shared>> -> memref<10240x64xf32, #tpu.memory_space<vmem_shared>>
        tpu.wait_indirect_dma semaphore(%arg25 : memref<!tpu.dma_semaphore, #tpu.memory_space<semaphore_mem>>) src(%arg12 : memref<128x64xf32, #tpu.memory_space<vmem>>) dst(%dma_wait3A_280 : memref<10240x64xf32, #tpu.memory_space<vmem_shared>>)
      } else {
      }
      %add3A_268 = arith.constant 4 : i32
      %add3A_269 = arith.addi %add3A_246, %add3A_268 : i32
      %lt3A_270 = arith.constant 157 : i32
      %lt3A_271 = arith.cmpi slt, %add3A_269, %lt3A_270 : i32
      %convert_element_type3A_272 = arith.extui %lt3A_271 : i1 to i32
      %cond3A_273 = arith.constant 0 : i32
      %cond3A_274 = arith.cmpi ne, %convert_element_type3A_272, %cond3A_273 : i32
      scf.if %cond3A_274 {
        %add3A_275 = arith.constant 4 : i32
        %add3A_276 = arith.addi %add3A_246, %add3A_275 : i32
        %dma_start3A_277 = arith.constant 0 : i32
        %dma_start3A_278 = tpu.memref_slice %arg7[%add3A_276, %dma_start3A_277] : memref<157x128xi32, #tpu.memory_space<vmem>> -> memref<1x128xi32, #tpu.memory_space<vmem>>
        %dma_start3A_279 = tpu.memref_squeeze %dma_start3A_278 : memref<1x128xi32, #tpu.memory_space<vmem>> -> memref<128xi32, #tpu.memory_space<vmem>>
        %dma_start3A_280 = arith.constant 0 : i32
        %dma_start3A_281 = arith.constant 0 : i32
        %dma_start3A_282 = tpu.memref_slice %arg2[%arg0, %dma_start3A_280, %dma_start3A_281] : memref<2x10000x64xf32, #tpu.memory_space<hbm>> -> memref<1x10000x64xf32, #tpu.memory_space<hbm>>
        %dma_start3A_283 = tpu.memref_squeeze %dma_start3A_282 : memref<1x10000x64xf32, #tpu.memory_space<hbm>> -> memref<10000x64xf32, #tpu.memory_space<hbm>>
        %dma_start3A_284 = arith.constant 0 : i32
        %dma_start3A_285 = arith.constant 0 : i32
        %dma_start3A_286 = tpu.memref_slice %dma_start3A_283[%dma_start3A_284, %dma_start3A_285] : memref<10000x64xf32, #tpu.memory_space<hbm>> -> memref<10000x64xf32, #tpu.memory_space<hbm>>
        tpu.enqueue_indirect_dma source(%dma_start3A_286 : memref<10000x64xf32, #tpu.memory_space<hbm>>) target(%arg12 : memref<128x64xf32, #tpu.memory_space<vmem>>) offsets(%dma_start3A_279 : memref<128xi32, #tpu.memory_space<vmem>>) semaphore(%arg19 : memref<!tpu.dma_semaphore, #tpu.memory_space<semaphore_mem>>)
      } else {
      }
    }
    %scan3A_50 = arith.constant 26 : i32
    %dma_wait3A_51 = arith.constant 156 : i32
    %dma_wait3A_52 = arith.constant 0 : i32
    %dma_wait3A_53 = tpu.memref_slice %arg7[%dma_wait3A_51, %dma_wait3A_52] : memref<157x128xi32, #tpu.memory_space<vmem>> -> memref<1x128xi32, #tpu.memory_space<vmem>>
    %dma_wait3A_54 = tpu.memref_squeeze %dma_wait3A_53 : memref<1x128xi32, #tpu.memory_space<vmem>> -> memref<128xi32, #tpu.memory_space<vmem>>
    %dma_wait3A_55 = arith.constant 0 : i32
    %dma_wait3A_56 = arith.constant 0 : i32
    %dma_wait3A_57 = tpu.memref_slice %arg2[%arg0, %dma_wait3A_55, %dma_wait3A_56] : memref<2x10000x64xf32, #tpu.memory_space<hbm>> -> memref<1x10000x64xf32, #tpu.memory_space<hbm>>
    %dma_wait3A_58 = tpu.memref_squeeze %dma_wait3A_57 : memref<1x10000x64xf32, #tpu.memory_space<hbm>> -> memref<10000x64xf32, #tpu.memory_space<hbm>>
    %dma_wait3A_59 = arith.constant 0 : i32
    %dma_wait3A_60 = arith.constant 0 : i32
    %dma_wait3A_61 = tpu.memref_slice %dma_wait3A_58[%dma_wait3A_59, %dma_wait3A_60] : memref<10000x64xf32, #tpu.memory_space<hbm>> -> memref<10000x64xf32, #tpu.memory_space<hbm>>
    tpu.wait_indirect_dma semaphore(%arg16 : memref<!tpu.dma_semaphore, #tpu.memory_space<semaphore_mem>>) src(%dma_wait3A_61 : memref<10000x64xf32, #tpu.memory_space<hbm>>) dst(%arg9 : memref<128x64xf32, #tpu.memory_space<vmem>>)
    %dma_start3A_62 = arith.constant 156 : i32
    %dma_start3A_63 = arith.constant 0 : i32
    %dma_start3A_64 = tpu.memref_slice %arg8[%dma_start3A_62, %dma_start3A_63] : memref<157x128xi32, #tpu.memory_space<vmem>> -> memref<1x128xi32, #tpu.memory_space<vmem>>
    %dma_start3A_65 = tpu.memref_squeeze %dma_start3A_64 : memref<1x128xi32, #tpu.memory_space<vmem>> -> memref<128xi32, #tpu.memory_space<vmem>>
    %dma_start3A_66 = arith.constant 0 : i32
    %dma_start3A_67 = arith.constant 0 : i32
    %dma_start3A_68 = tpu.memref_slice %arg15[%dma_start3A_66, %dma_start3A_67] : memref<10240x64xf32, #tpu.memory_space<vmem_shared>> -> memref<10240x64xf32, #tpu.memory_space<vmem_shared>>
    tpu.enqueue_indirect_dma source(%arg9 : memref<128x64xf32, #tpu.memory_space<vmem>>) target(%dma_start3A_68 : memref<10240x64xf32, #tpu.memory_space<vmem_shared>>) offsets(%dma_start3A_65 : memref<128xi32, #tpu.memory_space<vmem>>) semaphore(%arg22 : memref<!tpu.dma_semaphore, #tpu.memory_space<semaphore_mem>>) {add = true}
    %dma_wait3A_69 = arith.constant 0 : i32
    %dma_wait3A_70 = arith.constant 0 : i32
    %dma_wait3A_71 = tpu.memref_slice %arg8[%dma_wait3A_69, %dma_wait3A_70] : memref<157x128xi32, #tpu.memory_space<vmem>> -> memref<1x128xi32, #tpu.memory_space<vmem>>
    %dma_wait3A_72 = tpu.memref_squeeze %dma_wait3A_71 : memref<1x128xi32, #tpu.memory_space<vmem>> -> memref<128xi32, #tpu.memory_space<vmem>>
    %dma_wait3A_73 = arith.constant 0 : i32
    %dma_wait3A_74 = arith.constant 0 : i32
    %dma_wait3A_75 = tpu.memref_slice %arg15[%dma_wait3A_73, %dma_wait3A_74] : memref<10240x64xf32, #tpu.memory_space<vmem_shared>> -> memref<10240x64xf32, #tpu.memory_space<vmem_shared>>
    tpu.wait_indirect_dma semaphore(%arg26 : memref<!tpu.dma_semaphore, #tpu.memory_space<semaphore_mem>>) src(%arg13 : memref<128x64xf32, #tpu.memory_space<vmem>>) dst(%dma_wait3A_75 : memref<10240x64xf32, #tpu.memory_space<vmem_shared>>)
    %dma_wait3A_76 = arith.constant 0 : i32
    %dma_wait3A_77 = arith.constant 0 : i32
    %dma_wait3A_78 = tpu.memref_slice %arg8[%dma_wait3A_76, %dma_wait3A_77] : memref<157x128xi32, #tpu.memory_space<vmem>> -> memref<1x128xi32, #tpu.memory_space<vmem>>
    %dma_wait3A_79 = tpu.memref_squeeze %dma_wait3A_78 : memref<1x128xi32, #tpu.memory_space<vmem>> -> memref<128xi32, #tpu.memory_space<vmem>>
    %dma_wait3A_80 = arith.constant 0 : i32
    %dma_wait3A_81 = arith.constant 0 : i32
    %dma_wait3A_82 = tpu.memref_slice %arg15[%dma_wait3A_80, %dma_wait3A_81] : memref<10240x64xf32, #tpu.memory_space<vmem_shared>> -> memref<10240x64xf32, #tpu.memory_space<vmem_shared>>
    tpu.wait_indirect_dma semaphore(%arg27 : memref<!tpu.dma_semaphore, #tpu.memory_space<semaphore_mem>>) src(%arg14 : memref<128x64xf32, #tpu.memory_space<vmem>>) dst(%dma_wait3A_82 : memref<10240x64xf32, #tpu.memory_space<vmem_shared>>)
    %dma_wait3A_83 = arith.constant 0 : i32
    %dma_wait3A_84 = arith.constant 0 : i32
    %dma_wait3A_85 = tpu.memref_slice %arg8[%dma_wait3A_83, %dma_wait3A_84] : memref<157x128xi32, #tpu.memory_space<vmem>> -> memref<1x128xi32, #tpu.memory_space<vmem>>
    %dma_wait3A_86 = tpu.memref_squeeze %dma_wait3A_85 : memref<1x128xi32, #tpu.memory_space<vmem>> -> memref<128xi32, #tpu.memory_space<vmem>>
    %dma_wait3A_87 = arith.constant 0 : i32
    %dma_wait3A_88 = arith.constant 0 : i32
    %dma_wait3A_89 = tpu.memref_slice %arg15[%dma_wait3A_87, %dma_wait3A_88] : memref<10240x64xf32, #tpu.memory_space<vmem_shared>> -> memref<10240x64xf32, #tpu.memory_space<vmem_shared>>
    tpu.wait_indirect_dma semaphore(%arg22 : memref<!tpu.dma_semaphore, #tpu.memory_space<semaphore_mem>>) src(%arg9 : memref<128x64xf32, #tpu.memory_space<vmem>>) dst(%dma_wait3A_89 : memref<10240x64xf32, #tpu.memory_space<vmem_shared>>)
    %barrier3A_90 = arith.constant 0 : index
    tpu.barrier barrier_id(%barrier3A_90)
    %mul3A_91 = arith.constant 640 : i32
    %mul3A_92 = arith.muli %arg1, %mul3A_91 : i32
    %mul3A_93 = arith.constant 640 : i32
    %mul3A_94 = arith.muli %arg1, %mul3A_93 : i32
    "tpu.region"() ({
      %run_scoped3A = tpu.sem_alloc : memref<!tpu.dma_semaphore, #tpu.memory_space<semaphore_mem>>
      %dma_start3A_95 = arith.constant 0 : i32
      %dma_start3A_96 = tpu.memref_slice %arg6[%arg0, %mul3A_94, %dma_start3A_95] : memref<2x10240x64xf32, #tpu.memory_space<hbm>> -> memref<1x640x64xf32, #tpu.memory_space<hbm>>
      %dma_start3A_97 = tpu.memref_squeeze %dma_start3A_96 : memref<1x640x64xf32, #tpu.memory_space<hbm>> -> memref<640x64xf32, #tpu.memory_space<hbm>>
      %dma_start3A_98 = arith.constant 0 : i32
      %dma_start3A_99 = tpu.memref_slice %arg15[%mul3A_92, %dma_start3A_98] : memref<10240x64xf32, #tpu.memory_space<vmem_shared>> -> memref<640x64xf32, #tpu.memory_space<vmem_shared>>
      tpu.enqueue_dma source(%dma_start3A_99 : memref<640x64xf32, #tpu.memory_space<vmem_shared>>) target(%dma_start3A_97 : memref<640x64xf32, #tpu.memory_space<hbm>>) target_semaphore(%run_scoped3A : memref<!tpu.dma_semaphore, #tpu.memory_space<semaphore_mem>>)
      %dma_wait3A_100 = arith.constant 0 : i32
      %dma_wait3A_101 = tpu.memref_slice %arg6[%arg0, %mul3A_94, %dma_wait3A_100] : memref<2x10240x64xf32, #tpu.memory_space<hbm>> -> memref<1x640x64xf32, #tpu.memory_space<hbm>>
      %dma_wait3A_102 = tpu.memref_squeeze %dma_wait3A_101 : memref<1x640x64xf32, #tpu.memory_space<hbm>> -> memref<640x64xf32, #tpu.memory_space<hbm>>
      %dma_wait3A_103 = arith.constant 0 : i32
      %dma_wait3A_104 = tpu.memref_slice %arg15[%mul3A_92, %dma_wait3A_103] : memref<10240x64xf32, #tpu.memory_space<vmem_shared>> -> memref<640x64xf32, #tpu.memory_space<vmem_shared>>
      tpu.wait_dma2 semaphore(%run_scoped3A : memref<!tpu.dma_semaphore, #tpu.memory_space<semaphore_mem>>) src(%dma_wait3A_104 : memref<640x64xf32, #tpu.memory_space<vmem_shared>>) dst(%dma_wait3A_102 : memref<640x64xf32, #tpu.memory_space<hbm>>)
      tpu.yield
    }) : () -> ()
    return
  }
}

#map = affine_map<(d0, d1) -> (0, 0, 0)>
#map1 = affine_map<(d0, d1) -> (0, 0)>
module attributes {stable_mosaic.version = 14 : i64} {
  func.func @_sc_message_pass(%arg0: i32, %arg1: i32, %arg2: memref<2x10000x64xf32, #tpu.memory_space<hbm>>, %arg3: memref<16x157x128xi32, #tpu.memory_space<hbm>>, %arg4: memref<16x157x128xi32, #tpu.memory_space<hbm>>, %arg5: memref<640x64xf32, #tpu.memory_space<hbm>>, %arg6: memref<2x10240x64xf32, #tpu.memory_space<hbm>>, %arg7: memref<157x128xi32, #tpu.memory_space<vmem>>, %arg8: memref<157x128xi32, #tpu.memory_space<vmem>>, %arg9: memref<128x64xf32, #tpu.memory_space<vmem>>, %arg10: memref<128x64xf32, #tpu.memory_space<vmem>>, %arg11: memref<128x64xf32, #tpu.memory_space<vmem>>, %arg12: memref<128x64xf32, #tpu.memory_space<vmem>>, %arg13: memref<128x64xf32, #tpu.memory_space<vmem>>, %arg14: memref<128x64xf32, #tpu.memory_space<vmem>>, %arg15: memref<10240x64xf32, #tpu.memory_space<vmem_shared>>, %arg16: memref<!tpu.dma_semaphore, #tpu.memory_space<semaphore_mem>>, %arg17: memref<!tpu.dma_semaphore, #tpu.memory_space<semaphore_mem>>, %arg18: memref<!tpu.dma_semaphore, #tpu.memory_space<semaphore_mem>>, %arg19: memref<!tpu.dma_semaphore, #tpu.memory_space<semaphore_mem>>, %arg20: memref<!tpu.dma_semaphore, #tpu.memory_space<semaphore_mem>>, %arg21: memref<!tpu.dma_semaphore, #tpu.memory_space<semaphore_mem>>, %arg22: memref<!tpu.dma_semaphore, #tpu.memory_space<semaphore_mem>>, %arg23: memref<!tpu.dma_semaphore, #tpu.memory_space<semaphore_mem>>, %arg24: memref<!tpu.dma_semaphore, #tpu.memory_space<semaphore_mem>>, %arg25: memref<!tpu.dma_semaphore, #tpu.memory_space<semaphore_mem>>, %arg26: memref<!tpu.dma_semaphore, #tpu.memory_space<semaphore_mem>>, %arg27: memref<!tpu.dma_semaphore, #tpu.memory_space<semaphore_mem>>, %arg28: memref<!tpu.dma_semaphore, #tpu.memory_space<semaphore_mem>>) attributes {dimension_semantics = [#tpu.dimension_semantics<core_parallel>, #tpu.dimension_semantics<subcore_parallel>], iteration_bounds = array<i64: 2, 16>, scalar_prefetch = 0 : i64, scratch_operands = 22 : i64, tpu.core_type = #tpu.core_type<sc_vector_subcore>, window_params = [{transform_indices = #map}, {transform_indices = #map}, {transform_indices = #map}, {transform_indices = #map1}, {transform_indices = #map}]} {
    %mul3A = arith.constant 640 : i32
    %mul3A_0 = arith.muli %arg1, %mul3A : i32
    %dma_start3A = arith.constant 0 : i32
    %dma_start3A_1 = tpu.memref_slice %arg15[%mul3A_0, %dma_start3A] : memref<10240x64xf32, #tpu.memory_space<vmem_shared>> -> memref<640x64xf32, #tpu.memory_space<vmem_shared>>
    tpu.enqueue_dma source(%arg5 : memref<640x64xf32, #tpu.memory_space<hbm>>) target(%dma_start3A_1 : memref<640x64xf32, #tpu.memory_space<vmem_shared>>) target_semaphore(%arg28 : memref<!tpu.dma_semaphore, #tpu.memory_space<semaphore_mem>>)
    "tpu.region"() ({
      %run_scoped3A = tpu.sem_alloc : memref<!tpu.dma_semaphore, #tpu.memory_space<semaphore_mem>>
      %dma_start3A_95 = arith.constant 0 : i32
      %dma_start3A_96 = arith.constant 0 : i32
      %dma_start3A_97 = tpu.memref_slice %arg3[%arg1, %dma_start3A_95, %dma_start3A_96] : memref<16x157x128xi32, #tpu.memory_space<hbm>> -> memref<1x157x128xi32, #tpu.memory_space<hbm>>
      %dma_start3A_98 = tpu.memref_squeeze %dma_start3A_97 : memref<1x157x128xi32, #tpu.memory_space<hbm>> -> memref<157x128xi32, #tpu.memory_space<hbm>>
      %dma_start3A_99 = arith.constant 0 : i32
      %dma_start3A_100 = arith.constant 0 : i32
      %dma_start3A_101 = tpu.memref_slice %arg3[%arg1, %dma_start3A_99, %dma_start3A_100] : memref<16x157x128xi32, #tpu.memory_space<hbm>> -> memref<1x157x128xi32, #tpu.memory_space<hbm>>
      %dma_start3A_102 = tpu.memref_squeeze %dma_start3A_101 : memref<1x157x128xi32, #tpu.memory_space<hbm>> -> memref<157x128xi32, #tpu.memory_space<hbm>>
      tpu.enqueue_dma source(%dma_start3A_102 : memref<157x128xi32, #tpu.memory_space<hbm>>) target(%arg7 : memref<157x128xi32, #tpu.memory_space<vmem>>) target_semaphore(%run_scoped3A : memref<!tpu.dma_semaphore, #tpu.memory_space<semaphore_mem>>)
      %dma_wait3A_103 = arith.constant 0 : i32
      %dma_wait3A_104 = arith.constant 0 : i32
      %dma_wait3A_105 = tpu.memref_slice %arg3[%arg1, %dma_wait3A_103, %dma_wait3A_104] : memref<16x157x128xi32, #tpu.memory_space<hbm>> -> memref<1x157x128xi32, #tpu.memory_space<hbm>>
      %dma_wait3A_106 = tpu.memref_squeeze %dma_wait3A_105 : memref<1x157x128xi32, #tpu.memory_space<hbm>> -> memref<157x128xi32, #tpu.memory_space<hbm>>
      %dma_wait3A_107 = arith.constant 0 : i32
      %dma_wait3A_108 = arith.constant 0 : i32
      %dma_wait3A_109 = tpu.memref_slice %arg3[%arg1, %dma_wait3A_107, %dma_wait3A_108] : memref<16x157x128xi32, #tpu.memory_space<hbm>> -> memref<1x157x128xi32, #tpu.memory_space<hbm>>
      %dma_wait3A_110 = tpu.memref_squeeze %dma_wait3A_109 : memref<1x157x128xi32, #tpu.memory_space<hbm>> -> memref<157x128xi32, #tpu.memory_space<hbm>>
      tpu.wait_dma2 semaphore(%run_scoped3A : memref<!tpu.dma_semaphore, #tpu.memory_space<semaphore_mem>>) src(%dma_wait3A_110 : memref<157x128xi32, #tpu.memory_space<hbm>>) dst(%arg7 : memref<157x128xi32, #tpu.memory_space<vmem>>)
      tpu.yield
    }) : () -> ()
    "tpu.region"() ({
      %run_scoped3A = tpu.sem_alloc : memref<!tpu.dma_semaphore, #tpu.memory_space<semaphore_mem>>
      %dma_start3A_95 = arith.constant 0 : i32
      %dma_start3A_96 = arith.constant 0 : i32
      %dma_start3A_97 = tpu.memref_slice %arg4[%arg1, %dma_start3A_95, %dma_start3A_96] : memref<16x157x128xi32, #tpu.memory_space<hbm>> -> memref<1x157x128xi32, #tpu.memory_space<hbm>>
      %dma_start3A_98 = tpu.memref_squeeze %dma_start3A_97 : memref<1x157x128xi32, #tpu.memory_space<hbm>> -> memref<157x128xi32, #tpu.memory_space<hbm>>
      %dma_start3A_99 = arith.constant 0 : i32
      %dma_start3A_100 = arith.constant 0 : i32
      %dma_start3A_101 = tpu.memref_slice %arg4[%arg1, %dma_start3A_99, %dma_start3A_100] : memref<16x157x128xi32, #tpu.memory_space<hbm>> -> memref<1x157x128xi32, #tpu.memory_space<hbm>>
      %dma_start3A_102 = tpu.memref_squeeze %dma_start3A_101 : memref<1x157x128xi32, #tpu.memory_space<hbm>> -> memref<157x128xi32, #tpu.memory_space<hbm>>
      tpu.enqueue_dma source(%dma_start3A_102 : memref<157x128xi32, #tpu.memory_space<hbm>>) target(%arg8 : memref<157x128xi32, #tpu.memory_space<vmem>>) target_semaphore(%run_scoped3A : memref<!tpu.dma_semaphore, #tpu.memory_space<semaphore_mem>>)
      %dma_wait3A_103 = arith.constant 0 : i32
      %dma_wait3A_104 = arith.constant 0 : i32
      %dma_wait3A_105 = tpu.memref_slice %arg4[%arg1, %dma_wait3A_103, %dma_wait3A_104] : memref<16x157x128xi32, #tpu.memory_space<hbm>> -> memref<1x157x128xi32, #tpu.memory_space<hbm>>
      %dma_wait3A_106 = tpu.memref_squeeze %dma_wait3A_105 : memref<1x157x128xi32, #tpu.memory_space<hbm>> -> memref<157x128xi32, #tpu.memory_space<hbm>>
      %dma_wait3A_107 = arith.constant 0 : i32
      %dma_wait3A_108 = arith.constant 0 : i32
      %dma_wait3A_109 = tpu.memref_slice %arg4[%arg1, %dma_wait3A_107, %dma_wait3A_108] : memref<16x157x128xi32, #tpu.memory_space<hbm>> -> memref<1x157x128xi32, #tpu.memory_space<hbm>>
      %dma_wait3A_110 = tpu.memref_squeeze %dma_wait3A_109 : memref<1x157x128xi32, #tpu.memory_space<hbm>> -> memref<157x128xi32, #tpu.memory_space<hbm>>
      tpu.wait_dma2 semaphore(%run_scoped3A : memref<!tpu.dma_semaphore, #tpu.memory_space<semaphore_mem>>) src(%dma_wait3A_110 : memref<157x128xi32, #tpu.memory_space<hbm>>) dst(%arg8 : memref<157x128xi32, #tpu.memory_space<vmem>>)
      tpu.yield
    }) : () -> ()
    %dma_start3A_2 = arith.constant 0 : i32
    %dma_start3A_3 = arith.constant 0 : i32
    %dma_start3A_4 = tpu.memref_slice %arg7[%dma_start3A_2, %dma_start3A_3] : memref<157x128xi32, #tpu.memory_space<vmem>> -> memref<1x128xi32, #tpu.memory_space<vmem>>
    %dma_start3A_5 = tpu.memref_squeeze %dma_start3A_4 : memref<1x128xi32, #tpu.memory_space<vmem>> -> memref<128xi32, #tpu.memory_space<vmem>>
    %dma_start3A_6 = arith.constant 0 : i32
    %dma_start3A_7 = arith.constant 0 : i32
    %dma_start3A_8 = tpu.memref_slice %arg2[%arg0, %dma_start3A_6, %dma_start3A_7] : memref<2x10000x64xf32, #tpu.memory_space<hbm>> -> memref<1x10000x64xf32, #tpu.memory_space<hbm>>
    %dma_start3A_9 = tpu.memref_squeeze %dma_start3A_8 : memref<1x10000x64xf32, #tpu.memory_space<hbm>> -> memref<10000x64xf32, #tpu.memory_space<hbm>>
    %dma_start3A_10 = arith.constant 0 : i32
    %dma_start3A_11 = arith.constant 0 : i32
    %dma_start3A_12 = tpu.memref_slice %dma_start3A_9[%dma_start3A_10, %dma_start3A_11] : memref<10000x64xf32, #tpu.memory_space<hbm>> -> memref<10000x64xf32, #tpu.memory_space<hbm>>
    tpu.enqueue_indirect_dma source(%dma_start3A_12 : memref<10000x64xf32, #tpu.memory_space<hbm>>) target(%arg9 : memref<128x64xf32, #tpu.memory_space<vmem>>) offsets(%dma_start3A_5 : memref<128xi32, #tpu.memory_space<vmem>>) semaphore(%arg16 : memref<!tpu.dma_semaphore, #tpu.memory_space<semaphore_mem>>)
    %dma_start3A_13 = arith.constant 1 : i32
    %dma_start3A_14 = arith.constant 0 : i32
    %dma_start3A_15 = tpu.memref_slice %arg7[%dma_start3A_13, %dma_start3A_14] : memref<157x128xi32, #tpu.memory_space<vmem>> -> memref<1x128xi32, #tpu.memory_space<vmem>>
    %dma_start3A_16 = tpu.memref_squeeze %dma_start3A_15 : memref<1x128xi32, #tpu.memory_space<vmem>> -> memref<128xi32, #tpu.memory_space<vmem>>
    %dma_start3A_17 = arith.constant 0 : i32
    %dma_start3A_18 = arith.constant 0 : i32
    %dma_start3A_19 = tpu.memref_slice %arg2[%arg0, %dma_start3A_17, %dma_start3A_18] : memref<2x10000x64xf32, #tpu.memory_space<hbm>> -> memref<1x10000x64xf32, #tpu.memory_space<hbm>>
    %dma_start3A_20 = tpu.memref_squeeze %dma_start3A_19 : memref<1x10000x64xf32, #tpu.memory_space<hbm>> -> memref<10000x64xf32, #tpu.memory_space<hbm>>
    %dma_start3A_21 = arith.constant 0 : i32
    %dma_start3A_22 = arith.constant 0 : i32
    %dma_start3A_23 = tpu.memref_slice %dma_start3A_20[%dma_start3A_21, %dma_start3A_22] : memref<10000x64xf32, #tpu.memory_space<hbm>> -> memref<10000x64xf32, #tpu.memory_space<hbm>>
    tpu.enqueue_indirect_dma source(%dma_start3A_23 : memref<10000x64xf32, #tpu.memory_space<hbm>>) target(%arg10 : memref<128x64xf32, #tpu.memory_space<vmem>>) offsets(%dma_start3A_16 : memref<128xi32, #tpu.memory_space<vmem>>) semaphore(%arg17 : memref<!tpu.dma_semaphore, #tpu.memory_space<semaphore_mem>>)
    %dma_start3A_24 = arith.constant 2 : i32
    %dma_start3A_25 = arith.constant 0 : i32
    %dma_start3A_26 = tpu.memref_slice %arg7[%dma_start3A_24, %dma_start3A_25] : memref<157x128xi32, #tpu.memory_space<vmem>> -> memref<1x128xi32, #tpu.memory_space<vmem>>
    %dma_start3A_27 = tpu.memref_squeeze %dma_start3A_26 : memref<1x128xi32, #tpu.memory_space<vmem>> -> memref<128xi32, #tpu.memory_space<vmem>>
    %dma_start3A_28 = arith.constant 0 : i32
    %dma_start3A_29 = arith.constant 0 : i32
    %dma_start3A_30 = tpu.memref_slice %arg2[%arg0, %dma_start3A_28, %dma_start3A_29] : memref<2x10000x64xf32, #tpu.memory_space<hbm>> -> memref<1x10000x64xf32, #tpu.memory_space<hbm>>
    %dma_start3A_31 = tpu.memref_squeeze %dma_start3A_30 : memref<1x10000x64xf32, #tpu.memory_space<hbm>> -> memref<10000x64xf32, #tpu.memory_space<hbm>>
    %dma_start3A_32 = arith.constant 0 : i32
    %dma_start3A_33 = arith.constant 0 : i32
    %dma_start3A_34 = tpu.memref_slice %dma_start3A_31[%dma_start3A_32, %dma_start3A_33] : memref<10000x64xf32, #tpu.memory_space<hbm>> -> memref<10000x64xf32, #tpu.memory_space<hbm>>
    tpu.enqueue_indirect_dma source(%dma_start3A_34 : memref<10000x64xf32, #tpu.memory_space<hbm>>) target(%arg11 : memref<128x64xf32, #tpu.memory_space<vmem>>) offsets(%dma_start3A_27 : memref<128xi32, #tpu.memory_space<vmem>>) semaphore(%arg18 : memref<!tpu.dma_semaphore, #tpu.memory_space<semaphore_mem>>)
    %dma_start3A_35 = arith.constant 3 : i32
    %dma_start3A_36 = arith.constant 0 : i32
    %dma_start3A_37 = tpu.memref_slice %arg7[%dma_start3A_35, %dma_start3A_36] : memref<157x128xi32, #tpu.memory_space<vmem>> -> memref<1x128xi32, #tpu.memory_space<vmem>>
    %dma_start3A_38 = tpu.memref_squeeze %dma_start3A_37 : memref<1x128xi32, #tpu.memory_space<vmem>> -> memref<128xi32, #tpu.memory_space<vmem>>
    %dma_start3A_39 = arith.constant 0 : i32
    %dma_start3A_40 = arith.constant 0 : i32
    %dma_start3A_41 = tpu.memref_slice %arg2[%arg0, %dma_start3A_39, %dma_start3A_40] : memref<2x10000x64xf32, #tpu.memory_space<hbm>> -> memref<1x10000x64xf32, #tpu.memory_space<hbm>>
    %dma_start3A_42 = tpu.memref_squeeze %dma_start3A_41 : memref<1x10000x64xf32, #tpu.memory_space<hbm>> -> memref<10000x64xf32, #tpu.memory_space<hbm>>
    %dma_start3A_43 = arith.constant 0 : i32
    %dma_start3A_44 = arith.constant 0 : i32
    %dma_start3A_45 = tpu.memref_slice %dma_start3A_42[%dma_start3A_43, %dma_start3A_44] : memref<10000x64xf32, #tpu.memory_space<hbm>> -> memref<10000x64xf32, #tpu.memory_space<hbm>>
    tpu.enqueue_indirect_dma source(%dma_start3A_45 : memref<10000x64xf32, #tpu.memory_space<hbm>>) target(%arg12 : memref<128x64xf32, #tpu.memory_space<vmem>>) offsets(%dma_start3A_38 : memref<128xi32, #tpu.memory_space<vmem>>) semaphore(%arg19 : memref<!tpu.dma_semaphore, #tpu.memory_space<semaphore_mem>>)
    %dma_wait3A = arith.constant 0 : i32
    %dma_wait3A_46 = tpu.memref_slice %arg15[%mul3A_0, %dma_wait3A] : memref<10240x64xf32, #tpu.memory_space<vmem_shared>> -> memref<640x64xf32, #tpu.memory_space<vmem_shared>>
    tpu.wait_dma2 semaphore(%arg28 : memref<!tpu.dma_semaphore, #tpu.memory_space<semaphore_mem>>) src(%arg5 : memref<640x64xf32, #tpu.memory_space<hbm>>) dst(%dma_wait3A_46 : memref<640x64xf32, #tpu.memory_space<vmem_shared>>)
    %barrier3A = arith.constant 0 : index
    tpu.barrier barrier_id(%barrier3A)
    %scan3A = arith.constant 0 : i32
    %scan3A_47 = arith.constant 26 : i32
    %scan3A_48 = arith.addi %scan3A, %scan3A_47 : i32
    %scan3A_49 = arith.constant 1 : i32
    scf.for %scan3A_95 = %scan3A to %scan3A_48 step %scan3A_49  : i32 {
      %mul3A_96 = arith.constant 6 : i32
      %mul3A_97 = arith.muli %scan3A_95, %mul3A_96 : i32
      %add3A = arith.constant 0 : i32
      %add3A_98 = arith.addi %add3A, %mul3A_97 : i32
      %add3A_99 = arith.constant 0 : i32
      %add3A_100 = arith.addi %add3A_98, %add3A_99 : i32
      %dma_wait3A_101 = arith.constant 0 : i32
      %dma_wait3A_102 = tpu.memref_slice %arg7[%add3A_100, %dma_wait3A_101] : memref<157x128xi32, #tpu.memory_space<vmem>> -> memref<1x128xi32, #tpu.memory_space<vmem>>
      %dma_wait3A_103 = tpu.memref_squeeze %dma_wait3A_102 : memref<1x128xi32, #tpu.memory_space<vmem>> -> memref<128xi32, #tpu.memory_space<vmem>>
      %dma_wait3A_104 = arith.constant 0 : i32
      %dma_wait3A_105 = arith.constant 0 : i32
      %dma_wait3A_106 = tpu.memref_slice %arg2[%arg0, %dma_wait3A_104, %dma_wait3A_105] : memref<2x10000x64xf32, #tpu.memory_space<hbm>> -> memref<1x10000x64xf32, #tpu.memory_space<hbm>>
      %dma_wait3A_107 = tpu.memref_squeeze %dma_wait3A_106 : memref<1x10000x64xf32, #tpu.memory_space<hbm>> -> memref<10000x64xf32, #tpu.memory_space<hbm>>
      %dma_wait3A_108 = arith.constant 0 : i32
      %dma_wait3A_109 = arith.constant 0 : i32
      %dma_wait3A_110 = tpu.memref_slice %dma_wait3A_107[%dma_wait3A_108, %dma_wait3A_109] : memref<10000x64xf32, #tpu.memory_space<hbm>> -> memref<10000x64xf32, #tpu.memory_space<hbm>>
      tpu.wait_indirect_dma semaphore(%arg16 : memref<!tpu.dma_semaphore, #tpu.memory_space<semaphore_mem>>) src(%dma_wait3A_110 : memref<10000x64xf32, #tpu.memory_space<hbm>>) dst(%arg9 : memref<128x64xf32, #tpu.memory_space<vmem>>)
      %dma_start3A_111 = arith.constant 0 : i32
      %dma_start3A_112 = tpu.memref_slice %arg8[%add3A_100, %dma_start3A_111] : memref<157x128xi32, #tpu.memory_space<vmem>> -> memref<1x128xi32, #tpu.memory_space<vmem>>
      %dma_start3A_113 = tpu.memref_squeeze %dma_start3A_112 : memref<1x128xi32, #tpu.memory_space<vmem>> -> memref<128xi32, #tpu.memory_space<vmem>>
      %dma_start3A_114 = arith.constant 0 : i32
      %dma_start3A_115 = arith.constant 0 : i32
      %dma_start3A_116 = tpu.memref_slice %arg15[%dma_start3A_114, %dma_start3A_115] : memref<10240x64xf32, #tpu.memory_space<vmem_shared>> -> memref<10240x64xf32, #tpu.memory_space<vmem_shared>>
      tpu.enqueue_indirect_dma source(%arg9 : memref<128x64xf32, #tpu.memory_space<vmem>>) target(%dma_start3A_116 : memref<10240x64xf32, #tpu.memory_space<vmem_shared>>) offsets(%dma_start3A_113 : memref<128xi32, #tpu.memory_space<vmem>>) semaphore(%arg22 : memref<!tpu.dma_semaphore, #tpu.memory_space<semaphore_mem>>) {add = true}
      %ge3A = arith.constant 2 : i32
      %ge3A_117 = arith.cmpi sge, %add3A_100, %ge3A : i32
      %convert_element_type3A = arith.extui %ge3A_117 : i1 to i32
      %cond3A = arith.constant 0 : i32
      %cond3A_118 = arith.cmpi ne, %convert_element_type3A, %cond3A : i32
      scf.if %cond3A_118 {
        %dma_wait3A_275 = arith.constant 0 : i32
        %dma_wait3A_276 = tpu.memref_slice %arg8[%add3A_100, %dma_wait3A_275] : memref<157x128xi32, #tpu.memory_space<vmem>> -> memref<1x128xi32, #tpu.memory_space<vmem>>
        %dma_wait3A_277 = tpu.memref_squeeze %dma_wait3A_276 : memref<1x128xi32, #tpu.memory_space<vmem>> -> memref<128xi32, #tpu.memory_space<vmem>>
        %dma_wait3A_278 = arith.constant 0 : i32
        %dma_wait3A_279 = arith.constant 0 : i32
        %dma_wait3A_280 = tpu.memref_slice %arg15[%dma_wait3A_278, %dma_wait3A_279] : memref<10240x64xf32, #tpu.memory_space<vmem_shared>> -> memref<10240x64xf32, #tpu.memory_space<vmem_shared>>
        tpu.wait_indirect_dma semaphore(%arg26 : memref<!tpu.dma_semaphore, #tpu.memory_space<semaphore_mem>>) src(%arg13 : memref<128x64xf32, #tpu.memory_space<vmem>>) dst(%dma_wait3A_280 : memref<10240x64xf32, #tpu.memory_space<vmem_shared>>)
      } else {
      }
      %add3A_119 = arith.constant 4 : i32
      %add3A_120 = arith.addi %add3A_100, %add3A_119 : i32
      %lt3A = arith.constant 157 : i32
      %lt3A_121 = arith.cmpi slt, %add3A_120, %lt3A : i32
      %convert_element_type3A_122 = arith.extui %lt3A_121 : i1 to i32
      %cond3A_123 = arith.constant 0 : i32
      %cond3A_124 = arith.cmpi ne, %convert_element_type3A_122, %cond3A_123 : i32
      scf.if %cond3A_124 {
        %add3A_275 = arith.constant 4 : i32
        %add3A_276 = arith.addi %add3A_100, %add3A_275 : i32
        %dma_start3A_277 = arith.constant 0 : i32
        %dma_start3A_278 = tpu.memref_slice %arg7[%add3A_276, %dma_start3A_277] : memref<157x128xi32, #tpu.memory_space<vmem>> -> memref<1x128xi32, #tpu.memory_space<vmem>>
        %dma_start3A_279 = tpu.memref_squeeze %dma_start3A_278 : memref<1x128xi32, #tpu.memory_space<vmem>> -> memref<128xi32, #tpu.memory_space<vmem>>
        %dma_start3A_280 = arith.constant 0 : i32
        %dma_start3A_281 = arith.constant 0 : i32
        %dma_start3A_282 = tpu.memref_slice %arg2[%arg0, %dma_start3A_280, %dma_start3A_281] : memref<2x10000x64xf32, #tpu.memory_space<hbm>> -> memref<1x10000x64xf32, #tpu.memory_space<hbm>>
        %dma_start3A_283 = tpu.memref_squeeze %dma_start3A_282 : memref<1x10000x64xf32, #tpu.memory_space<hbm>> -> memref<10000x64xf32, #tpu.memory_space<hbm>>
        %dma_start3A_284 = arith.constant 0 : i32
        %dma_start3A_285 = arith.constant 0 : i32
        %dma_start3A_286 = tpu.memref_slice %dma_start3A_283[%dma_start3A_284, %dma_start3A_285] : memref<10000x64xf32, #tpu.memory_space<hbm>> -> memref<10000x64xf32, #tpu.memory_space<hbm>>
        tpu.enqueue_indirect_dma source(%dma_start3A_286 : memref<10000x64xf32, #tpu.memory_space<hbm>>) target(%arg13 : memref<128x64xf32, #tpu.memory_space<vmem>>) offsets(%dma_start3A_279 : memref<128xi32, #tpu.memory_space<vmem>>) semaphore(%arg20 : memref<!tpu.dma_semaphore, #tpu.memory_space<semaphore_mem>>)
      } else {
      }
      %add3A_125 = arith.constant 1 : i32
      %add3A_126 = arith.addi %add3A_98, %add3A_125 : i32
      %dma_wait3A_127 = arith.constant 0 : i32
      %dma_wait3A_128 = tpu.memref_slice %arg7[%add3A_126, %dma_wait3A_127] : memref<157x128xi32, #tpu.memory_space<vmem>> -> memref<1x128xi32, #tpu.memory_space<vmem>>
      %dma_wait3A_129 = tpu.memref_squeeze %dma_wait3A_128 : memref<1x128xi32, #tpu.memory_space<vmem>> -> memref<128xi32, #tpu.memory_space<vmem>>
      %dma_wait3A_130 = arith.constant 0 : i32
      %dma_wait3A_131 = arith.constant 0 : i32
      %dma_wait3A_132 = tpu.memref_slice %arg2[%arg0, %dma_wait3A_130, %dma_wait3A_131] : memref<2x10000x64xf32, #tpu.memory_space<hbm>> -> memref<1x10000x64xf32, #tpu.memory_space<hbm>>
      %dma_wait3A_133 = tpu.memref_squeeze %dma_wait3A_132 : memref<1x10000x64xf32, #tpu.memory_space<hbm>> -> memref<10000x64xf32, #tpu.memory_space<hbm>>
      %dma_wait3A_134 = arith.constant 0 : i32
      %dma_wait3A_135 = arith.constant 0 : i32
      %dma_wait3A_136 = tpu.memref_slice %dma_wait3A_133[%dma_wait3A_134, %dma_wait3A_135] : memref<10000x64xf32, #tpu.memory_space<hbm>> -> memref<10000x64xf32, #tpu.memory_space<hbm>>
      tpu.wait_indirect_dma semaphore(%arg17 : memref<!tpu.dma_semaphore, #tpu.memory_space<semaphore_mem>>) src(%dma_wait3A_136 : memref<10000x64xf32, #tpu.memory_space<hbm>>) dst(%arg10 : memref<128x64xf32, #tpu.memory_space<vmem>>)
      %dma_start3A_137 = arith.constant 0 : i32
      %dma_start3A_138 = tpu.memref_slice %arg8[%add3A_126, %dma_start3A_137] : memref<157x128xi32, #tpu.memory_space<vmem>> -> memref<1x128xi32, #tpu.memory_space<vmem>>
      %dma_start3A_139 = tpu.memref_squeeze %dma_start3A_138 : memref<1x128xi32, #tpu.memory_space<vmem>> -> memref<128xi32, #tpu.memory_space<vmem>>
      %dma_start3A_140 = arith.constant 0 : i32
      %dma_start3A_141 = arith.constant 0 : i32
      %dma_start3A_142 = tpu.memref_slice %arg15[%dma_start3A_140, %dma_start3A_141] : memref<10240x64xf32, #tpu.memory_space<vmem_shared>> -> memref<10240x64xf32, #tpu.memory_space<vmem_shared>>
      tpu.enqueue_indirect_dma source(%arg10 : memref<128x64xf32, #tpu.memory_space<vmem>>) target(%dma_start3A_142 : memref<10240x64xf32, #tpu.memory_space<vmem_shared>>) offsets(%dma_start3A_139 : memref<128xi32, #tpu.memory_space<vmem>>) semaphore(%arg23 : memref<!tpu.dma_semaphore, #tpu.memory_space<semaphore_mem>>) {add = true}
      %ge3A_143 = arith.constant 2 : i32
      %ge3A_144 = arith.cmpi sge, %add3A_126, %ge3A_143 : i32
      %convert_element_type3A_145 = arith.extui %ge3A_144 : i1 to i32
      %cond3A_146 = arith.constant 0 : i32
      %cond3A_147 = arith.cmpi ne, %convert_element_type3A_145, %cond3A_146 : i32
      scf.if %cond3A_147 {
        %dma_wait3A_275 = arith.constant 0 : i32
        %dma_wait3A_276 = tpu.memref_slice %arg8[%add3A_126, %dma_wait3A_275] : memref<157x128xi32, #tpu.memory_space<vmem>> -> memref<1x128xi32, #tpu.memory_space<vmem>>
        %dma_wait3A_277 = tpu.memref_squeeze %dma_wait3A_276 : memref<1x128xi32, #tpu.memory_space<vmem>> -> memref<128xi32, #tpu.memory_space<vmem>>
        %dma_wait3A_278 = arith.constant 0 : i32
        %dma_wait3A_279 = arith.constant 0 : i32
        %dma_wait3A_280 = tpu.memref_slice %arg15[%dma_wait3A_278, %dma_wait3A_279] : memref<10240x64xf32, #tpu.memory_space<vmem_shared>> -> memref<10240x64xf32, #tpu.memory_space<vmem_shared>>
        tpu.wait_indirect_dma semaphore(%arg27 : memref<!tpu.dma_semaphore, #tpu.memory_space<semaphore_mem>>) src(%arg14 : memref<128x64xf32, #tpu.memory_space<vmem>>) dst(%dma_wait3A_280 : memref<10240x64xf32, #tpu.memory_space<vmem_shared>>)
      } else {
      }
      %add3A_148 = arith.constant 4 : i32
      %add3A_149 = arith.addi %add3A_126, %add3A_148 : i32
      %lt3A_150 = arith.constant 157 : i32
      %lt3A_151 = arith.cmpi slt, %add3A_149, %lt3A_150 : i32
      %convert_element_type3A_152 = arith.extui %lt3A_151 : i1 to i32
      %cond3A_153 = arith.constant 0 : i32
      %cond3A_154 = arith.cmpi ne, %convert_element_type3A_152, %cond3A_153 : i32
      scf.if %cond3A_154 {
        %add3A_275 = arith.constant 4 : i32
        %add3A_276 = arith.addi %add3A_126, %add3A_275 : i32
        %dma_start3A_277 = arith.constant 0 : i32
        %dma_start3A_278 = tpu.memref_slice %arg7[%add3A_276, %dma_start3A_277] : memref<157x128xi32, #tpu.memory_space<vmem>> -> memref<1x128xi32, #tpu.memory_space<vmem>>
        %dma_start3A_279 = tpu.memref_squeeze %dma_start3A_278 : memref<1x128xi32, #tpu.memory_space<vmem>> -> memref<128xi32, #tpu.memory_space<vmem>>
        %dma_start3A_280 = arith.constant 0 : i32
        %dma_start3A_281 = arith.constant 0 : i32
        %dma_start3A_282 = tpu.memref_slice %arg2[%arg0, %dma_start3A_280, %dma_start3A_281] : memref<2x10000x64xf32, #tpu.memory_space<hbm>> -> memref<1x10000x64xf32, #tpu.memory_space<hbm>>
        %dma_start3A_283 = tpu.memref_squeeze %dma_start3A_282 : memref<1x10000x64xf32, #tpu.memory_space<hbm>> -> memref<10000x64xf32, #tpu.memory_space<hbm>>
        %dma_start3A_284 = arith.constant 0 : i32
        %dma_start3A_285 = arith.constant 0 : i32
        %dma_start3A_286 = tpu.memref_slice %dma_start3A_283[%dma_start3A_284, %dma_start3A_285] : memref<10000x64xf32, #tpu.memory_space<hbm>> -> memref<10000x64xf32, #tpu.memory_space<hbm>>
        tpu.enqueue_indirect_dma source(%dma_start3A_286 : memref<10000x64xf32, #tpu.memory_space<hbm>>) target(%arg14 : memref<128x64xf32, #tpu.memory_space<vmem>>) offsets(%dma_start3A_279 : memref<128xi32, #tpu.memory_space<vmem>>) semaphore(%arg21 : memref<!tpu.dma_semaphore, #tpu.memory_space<semaphore_mem>>)
      } else {
      }
      %add3A_155 = arith.constant 2 : i32
      %add3A_156 = arith.addi %add3A_98, %add3A_155 : i32
      %dma_wait3A_157 = arith.constant 0 : i32
      %dma_wait3A_158 = tpu.memref_slice %arg7[%add3A_156, %dma_wait3A_157] : memref<157x128xi32, #tpu.memory_space<vmem>> -> memref<1x128xi32, #tpu.memory_space<vmem>>
      %dma_wait3A_159 = tpu.memref_squeeze %dma_wait3A_158 : memref<1x128xi32, #tpu.memory_space<vmem>> -> memref<128xi32, #tpu.memory_space<vmem>>
      %dma_wait3A_160 = arith.constant 0 : i32
      %dma_wait3A_161 = arith.constant 0 : i32
      %dma_wait3A_162 = tpu.memref_slice %arg2[%arg0, %dma_wait3A_160, %dma_wait3A_161] : memref<2x10000x64xf32, #tpu.memory_space<hbm>> -> memref<1x10000x64xf32, #tpu.memory_space<hbm>>
      %dma_wait3A_163 = tpu.memref_squeeze %dma_wait3A_162 : memref<1x10000x64xf32, #tpu.memory_space<hbm>> -> memref<10000x64xf32, #tpu.memory_space<hbm>>
      %dma_wait3A_164 = arith.constant 0 : i32
      %dma_wait3A_165 = arith.constant 0 : i32
      %dma_wait3A_166 = tpu.memref_slice %dma_wait3A_163[%dma_wait3A_164, %dma_wait3A_165] : memref<10000x64xf32, #tpu.memory_space<hbm>> -> memref<10000x64xf32, #tpu.memory_space<hbm>>
      tpu.wait_indirect_dma semaphore(%arg18 : memref<!tpu.dma_semaphore, #tpu.memory_space<semaphore_mem>>) src(%dma_wait3A_166 : memref<10000x64xf32, #tpu.memory_space<hbm>>) dst(%arg11 : memref<128x64xf32, #tpu.memory_space<vmem>>)
      %dma_start3A_167 = arith.constant 0 : i32
      %dma_start3A_168 = tpu.memref_slice %arg8[%add3A_156, %dma_start3A_167] : memref<157x128xi32, #tpu.memory_space<vmem>> -> memref<1x128xi32, #tpu.memory_space<vmem>>
      %dma_start3A_169 = tpu.memref_squeeze %dma_start3A_168 : memref<1x128xi32, #tpu.memory_space<vmem>> -> memref<128xi32, #tpu.memory_space<vmem>>
      %dma_start3A_170 = arith.constant 0 : i32
      %dma_start3A_171 = arith.constant 0 : i32
      %dma_start3A_172 = tpu.memref_slice %arg15[%dma_start3A_170, %dma_start3A_171] : memref<10240x64xf32, #tpu.memory_space<vmem_shared>> -> memref<10240x64xf32, #tpu.memory_space<vmem_shared>>
      tpu.enqueue_indirect_dma source(%arg11 : memref<128x64xf32, #tpu.memory_space<vmem>>) target(%dma_start3A_172 : memref<10240x64xf32, #tpu.memory_space<vmem_shared>>) offsets(%dma_start3A_169 : memref<128xi32, #tpu.memory_space<vmem>>) semaphore(%arg24 : memref<!tpu.dma_semaphore, #tpu.memory_space<semaphore_mem>>) {add = true}
      %ge3A_173 = arith.constant 2 : i32
      %ge3A_174 = arith.cmpi sge, %add3A_156, %ge3A_173 : i32
      %convert_element_type3A_175 = arith.extui %ge3A_174 : i1 to i32
      %cond3A_176 = arith.constant 0 : i32
      %cond3A_177 = arith.cmpi ne, %convert_element_type3A_175, %cond3A_176 : i32
      scf.if %cond3A_177 {
        %dma_wait3A_275 = arith.constant 0 : i32
        %dma_wait3A_276 = tpu.memref_slice %arg8[%add3A_156, %dma_wait3A_275] : memref<157x128xi32, #tpu.memory_space<vmem>> -> memref<1x128xi32, #tpu.memory_space<vmem>>
        %dma_wait3A_277 = tpu.memref_squeeze %dma_wait3A_276 : memref<1x128xi32, #tpu.memory_space<vmem>> -> memref<128xi32, #tpu.memory_space<vmem>>
        %dma_wait3A_278 = arith.constant 0 : i32
        %dma_wait3A_279 = arith.constant 0 : i32
        %dma_wait3A_280 = tpu.memref_slice %arg15[%dma_wait3A_278, %dma_wait3A_279] : memref<10240x64xf32, #tpu.memory_space<vmem_shared>> -> memref<10240x64xf32, #tpu.memory_space<vmem_shared>>
        tpu.wait_indirect_dma semaphore(%arg22 : memref<!tpu.dma_semaphore, #tpu.memory_space<semaphore_mem>>) src(%arg9 : memref<128x64xf32, #tpu.memory_space<vmem>>) dst(%dma_wait3A_280 : memref<10240x64xf32, #tpu.memory_space<vmem_shared>>)
      } else {
      }
      %add3A_178 = arith.constant 4 : i32
      %add3A_179 = arith.addi %add3A_156, %add3A_178 : i32
      %lt3A_180 = arith.constant 157 : i32
      %lt3A_181 = arith.cmpi slt, %add3A_179, %lt3A_180 : i32
      %convert_element_type3A_182 = arith.extui %lt3A_181 : i1 to i32
      %cond3A_183 = arith.constant 0 : i32
      %cond3A_184 = arith.cmpi ne, %convert_element_type3A_182, %cond3A_183 : i32
      scf.if %cond3A_184 {
        %add3A_275 = arith.constant 4 : i32
        %add3A_276 = arith.addi %add3A_156, %add3A_275 : i32
        %dma_start3A_277 = arith.constant 0 : i32
        %dma_start3A_278 = tpu.memref_slice %arg7[%add3A_276, %dma_start3A_277] : memref<157x128xi32, #tpu.memory_space<vmem>> -> memref<1x128xi32, #tpu.memory_space<vmem>>
        %dma_start3A_279 = tpu.memref_squeeze %dma_start3A_278 : memref<1x128xi32, #tpu.memory_space<vmem>> -> memref<128xi32, #tpu.memory_space<vmem>>
        %dma_start3A_280 = arith.constant 0 : i32
        %dma_start3A_281 = arith.constant 0 : i32
        %dma_start3A_282 = tpu.memref_slice %arg2[%arg0, %dma_start3A_280, %dma_start3A_281] : memref<2x10000x64xf32, #tpu.memory_space<hbm>> -> memref<1x10000x64xf32, #tpu.memory_space<hbm>>
        %dma_start3A_283 = tpu.memref_squeeze %dma_start3A_282 : memref<1x10000x64xf32, #tpu.memory_space<hbm>> -> memref<10000x64xf32, #tpu.memory_space<hbm>>
        %dma_start3A_284 = arith.constant 0 : i32
        %dma_start3A_285 = arith.constant 0 : i32
        %dma_start3A_286 = tpu.memref_slice %dma_start3A_283[%dma_start3A_284, %dma_start3A_285] : memref<10000x64xf32, #tpu.memory_space<hbm>> -> memref<10000x64xf32, #tpu.memory_space<hbm>>
        tpu.enqueue_indirect_dma source(%dma_start3A_286 : memref<10000x64xf32, #tpu.memory_space<hbm>>) target(%arg9 : memref<128x64xf32, #tpu.memory_space<vmem>>) offsets(%dma_start3A_279 : memref<128xi32, #tpu.memory_space<vmem>>) semaphore(%arg16 : memref<!tpu.dma_semaphore, #tpu.memory_space<semaphore_mem>>)
      } else {
      }
      %add3A_185 = arith.constant 3 : i32
      %add3A_186 = arith.addi %add3A_98, %add3A_185 : i32
      %dma_wait3A_187 = arith.constant 0 : i32
      %dma_wait3A_188 = tpu.memref_slice %arg7[%add3A_186, %dma_wait3A_187] : memref<157x128xi32, #tpu.memory_space<vmem>> -> memref<1x128xi32, #tpu.memory_space<vmem>>
      %dma_wait3A_189 = tpu.memref_squeeze %dma_wait3A_188 : memref<1x128xi32, #tpu.memory_space<vmem>> -> memref<128xi32, #tpu.memory_space<vmem>>
      %dma_wait3A_190 = arith.constant 0 : i32
      %dma_wait3A_191 = arith.constant 0 : i32
      %dma_wait3A_192 = tpu.memref_slice %arg2[%arg0, %dma_wait3A_190, %dma_wait3A_191] : memref<2x10000x64xf32, #tpu.memory_space<hbm>> -> memref<1x10000x64xf32, #tpu.memory_space<hbm>>
      %dma_wait3A_193 = tpu.memref_squeeze %dma_wait3A_192 : memref<1x10000x64xf32, #tpu.memory_space<hbm>> -> memref<10000x64xf32, #tpu.memory_space<hbm>>
      %dma_wait3A_194 = arith.constant 0 : i32
      %dma_wait3A_195 = arith.constant 0 : i32
      %dma_wait3A_196 = tpu.memref_slice %dma_wait3A_193[%dma_wait3A_194, %dma_wait3A_195] : memref<10000x64xf32, #tpu.memory_space<hbm>> -> memref<10000x64xf32, #tpu.memory_space<hbm>>
      tpu.wait_indirect_dma semaphore(%arg19 : memref<!tpu.dma_semaphore, #tpu.memory_space<semaphore_mem>>) src(%dma_wait3A_196 : memref<10000x64xf32, #tpu.memory_space<hbm>>) dst(%arg12 : memref<128x64xf32, #tpu.memory_space<vmem>>)
      %dma_start3A_197 = arith.constant 0 : i32
      %dma_start3A_198 = tpu.memref_slice %arg8[%add3A_186, %dma_start3A_197] : memref<157x128xi32, #tpu.memory_space<vmem>> -> memref<1x128xi32, #tpu.memory_space<vmem>>
      %dma_start3A_199 = tpu.memref_squeeze %dma_start3A_198 : memref<1x128xi32, #tpu.memory_space<vmem>> -> memref<128xi32, #tpu.memory_space<vmem>>
      %dma_start3A_200 = arith.constant 0 : i32
      %dma_start3A_201 = arith.constant 0 : i32
      %dma_start3A_202 = tpu.memref_slice %arg15[%dma_start3A_200, %dma_start3A_201] : memref<10240x64xf32, #tpu.memory_space<vmem_shared>> -> memref<10240x64xf32, #tpu.memory_space<vmem_shared>>
      tpu.enqueue_indirect_dma source(%arg12 : memref<128x64xf32, #tpu.memory_space<vmem>>) target(%dma_start3A_202 : memref<10240x64xf32, #tpu.memory_space<vmem_shared>>) offsets(%dma_start3A_199 : memref<128xi32, #tpu.memory_space<vmem>>) semaphore(%arg25 : memref<!tpu.dma_semaphore, #tpu.memory_space<semaphore_mem>>) {add = true}
      %ge3A_203 = arith.constant 2 : i32
      %ge3A_204 = arith.cmpi sge, %add3A_186, %ge3A_203 : i32
      %convert_element_type3A_205 = arith.extui %ge3A_204 : i1 to i32
      %cond3A_206 = arith.constant 0 : i32
      %cond3A_207 = arith.cmpi ne, %convert_element_type3A_205, %cond3A_206 : i32
      scf.if %cond3A_207 {
        %dma_wait3A_275 = arith.constant 0 : i32
        %dma_wait3A_276 = tpu.memref_slice %arg8[%add3A_186, %dma_wait3A_275] : memref<157x128xi32, #tpu.memory_space<vmem>> -> memref<1x128xi32, #tpu.memory_space<vmem>>
        %dma_wait3A_277 = tpu.memref_squeeze %dma_wait3A_276 : memref<1x128xi32, #tpu.memory_space<vmem>> -> memref<128xi32, #tpu.memory_space<vmem>>
        %dma_wait3A_278 = arith.constant 0 : i32
        %dma_wait3A_279 = arith.constant 0 : i32
        %dma_wait3A_280 = tpu.memref_slice %arg15[%dma_wait3A_278, %dma_wait3A_279] : memref<10240x64xf32, #tpu.memory_space<vmem_shared>> -> memref<10240x64xf32, #tpu.memory_space<vmem_shared>>
        tpu.wait_indirect_dma semaphore(%arg23 : memref<!tpu.dma_semaphore, #tpu.memory_space<semaphore_mem>>) src(%arg10 : memref<128x64xf32, #tpu.memory_space<vmem>>) dst(%dma_wait3A_280 : memref<10240x64xf32, #tpu.memory_space<vmem_shared>>)
      } else {
      }
      %add3A_208 = arith.constant 4 : i32
      %add3A_209 = arith.addi %add3A_186, %add3A_208 : i32
      %lt3A_210 = arith.constant 157 : i32
      %lt3A_211 = arith.cmpi slt, %add3A_209, %lt3A_210 : i32
      %convert_element_type3A_212 = arith.extui %lt3A_211 : i1 to i32
      %cond3A_213 = arith.constant 0 : i32
      %cond3A_214 = arith.cmpi ne, %convert_element_type3A_212, %cond3A_213 : i32
      scf.if %cond3A_214 {
        %add3A_275 = arith.constant 4 : i32
        %add3A_276 = arith.addi %add3A_186, %add3A_275 : i32
        %dma_start3A_277 = arith.constant 0 : i32
        %dma_start3A_278 = tpu.memref_slice %arg7[%add3A_276, %dma_start3A_277] : memref<157x128xi32, #tpu.memory_space<vmem>> -> memref<1x128xi32, #tpu.memory_space<vmem>>
        %dma_start3A_279 = tpu.memref_squeeze %dma_start3A_278 : memref<1x128xi32, #tpu.memory_space<vmem>> -> memref<128xi32, #tpu.memory_space<vmem>>
        %dma_start3A_280 = arith.constant 0 : i32
        %dma_start3A_281 = arith.constant 0 : i32
        %dma_start3A_282 = tpu.memref_slice %arg2[%arg0, %dma_start3A_280, %dma_start3A_281] : memref<2x10000x64xf32, #tpu.memory_space<hbm>> -> memref<1x10000x64xf32, #tpu.memory_space<hbm>>
        %dma_start3A_283 = tpu.memref_squeeze %dma_start3A_282 : memref<1x10000x64xf32, #tpu.memory_space<hbm>> -> memref<10000x64xf32, #tpu.memory_space<hbm>>
        %dma_start3A_284 = arith.constant 0 : i32
        %dma_start3A_285 = arith.constant 0 : i32
        %dma_start3A_286 = tpu.memref_slice %dma_start3A_283[%dma_start3A_284, %dma_start3A_285] : memref<10000x64xf32, #tpu.memory_space<hbm>> -> memref<10000x64xf32, #tpu.memory_space<hbm>>
        tpu.enqueue_indirect_dma source(%dma_start3A_286 : memref<10000x64xf32, #tpu.memory_space<hbm>>) target(%arg10 : memref<128x64xf32, #tpu.memory_space<vmem>>) offsets(%dma_start3A_279 : memref<128xi32, #tpu.memory_space<vmem>>) semaphore(%arg17 : memref<!tpu.dma_semaphore, #tpu.memory_space<semaphore_mem>>)
      } else {
      }
      %add3A_215 = arith.constant 4 : i32
      %add3A_216 = arith.addi %add3A_98, %add3A_215 : i32
      %dma_wait3A_217 = arith.constant 0 : i32
      %dma_wait3A_218 = tpu.memref_slice %arg7[%add3A_216, %dma_wait3A_217] : memref<157x128xi32, #tpu.memory_space<vmem>> -> memref<1x128xi32, #tpu.memory_space<vmem>>
      %dma_wait3A_219 = tpu.memref_squeeze %dma_wait3A_218 : memref<1x128xi32, #tpu.memory_space<vmem>> -> memref<128xi32, #tpu.memory_space<vmem>>
      %dma_wait3A_220 = arith.constant 0 : i32
      %dma_wait3A_221 = arith.constant 0 : i32
      %dma_wait3A_222 = tpu.memref_slice %arg2[%arg0, %dma_wait3A_220, %dma_wait3A_221] : memref<2x10000x64xf32, #tpu.memory_space<hbm>> -> memref<1x10000x64xf32, #tpu.memory_space<hbm>>
      %dma_wait3A_223 = tpu.memref_squeeze %dma_wait3A_222 : memref<1x10000x64xf32, #tpu.memory_space<hbm>> -> memref<10000x64xf32, #tpu.memory_space<hbm>>
      %dma_wait3A_224 = arith.constant 0 : i32
      %dma_wait3A_225 = arith.constant 0 : i32
      %dma_wait3A_226 = tpu.memref_slice %dma_wait3A_223[%dma_wait3A_224, %dma_wait3A_225] : memref<10000x64xf32, #tpu.memory_space<hbm>> -> memref<10000x64xf32, #tpu.memory_space<hbm>>
      tpu.wait_indirect_dma semaphore(%arg20 : memref<!tpu.dma_semaphore, #tpu.memory_space<semaphore_mem>>) src(%dma_wait3A_226 : memref<10000x64xf32, #tpu.memory_space<hbm>>) dst(%arg13 : memref<128x64xf32, #tpu.memory_space<vmem>>)
      %dma_start3A_227 = arith.constant 0 : i32
      %dma_start3A_228 = tpu.memref_slice %arg8[%add3A_216, %dma_start3A_227] : memref<157x128xi32, #tpu.memory_space<vmem>> -> memref<1x128xi32, #tpu.memory_space<vmem>>
      %dma_start3A_229 = tpu.memref_squeeze %dma_start3A_228 : memref<1x128xi32, #tpu.memory_space<vmem>> -> memref<128xi32, #tpu.memory_space<vmem>>
      %dma_start3A_230 = arith.constant 0 : i32
      %dma_start3A_231 = arith.constant 0 : i32
      %dma_start3A_232 = tpu.memref_slice %arg15[%dma_start3A_230, %dma_start3A_231] : memref<10240x64xf32, #tpu.memory_space<vmem_shared>> -> memref<10240x64xf32, #tpu.memory_space<vmem_shared>>
      tpu.enqueue_indirect_dma source(%arg13 : memref<128x64xf32, #tpu.memory_space<vmem>>) target(%dma_start3A_232 : memref<10240x64xf32, #tpu.memory_space<vmem_shared>>) offsets(%dma_start3A_229 : memref<128xi32, #tpu.memory_space<vmem>>) semaphore(%arg26 : memref<!tpu.dma_semaphore, #tpu.memory_space<semaphore_mem>>) {add = true}
      %ge3A_233 = arith.constant 2 : i32
      %ge3A_234 = arith.cmpi sge, %add3A_216, %ge3A_233 : i32
      %convert_element_type3A_235 = arith.extui %ge3A_234 : i1 to i32
      %cond3A_236 = arith.constant 0 : i32
      %cond3A_237 = arith.cmpi ne, %convert_element_type3A_235, %cond3A_236 : i32
      scf.if %cond3A_237 {
        %dma_wait3A_275 = arith.constant 0 : i32
        %dma_wait3A_276 = tpu.memref_slice %arg8[%add3A_216, %dma_wait3A_275] : memref<157x128xi32, #tpu.memory_space<vmem>> -> memref<1x128xi32, #tpu.memory_space<vmem>>
        %dma_wait3A_277 = tpu.memref_squeeze %dma_wait3A_276 : memref<1x128xi32, #tpu.memory_space<vmem>> -> memref<128xi32, #tpu.memory_space<vmem>>
        %dma_wait3A_278 = arith.constant 0 : i32
        %dma_wait3A_279 = arith.constant 0 : i32
        %dma_wait3A_280 = tpu.memref_slice %arg15[%dma_wait3A_278, %dma_wait3A_279] : memref<10240x64xf32, #tpu.memory_space<vmem_shared>> -> memref<10240x64xf32, #tpu.memory_space<vmem_shared>>
        tpu.wait_indirect_dma semaphore(%arg24 : memref<!tpu.dma_semaphore, #tpu.memory_space<semaphore_mem>>) src(%arg11 : memref<128x64xf32, #tpu.memory_space<vmem>>) dst(%dma_wait3A_280 : memref<10240x64xf32, #tpu.memory_space<vmem_shared>>)
      } else {
      }
      %add3A_238 = arith.constant 4 : i32
      %add3A_239 = arith.addi %add3A_216, %add3A_238 : i32
      %lt3A_240 = arith.constant 157 : i32
      %lt3A_241 = arith.cmpi slt, %add3A_239, %lt3A_240 : i32
      %convert_element_type3A_242 = arith.extui %lt3A_241 : i1 to i32
      %cond3A_243 = arith.constant 0 : i32
      %cond3A_244 = arith.cmpi ne, %convert_element_type3A_242, %cond3A_243 : i32
      scf.if %cond3A_244 {
        %add3A_275 = arith.constant 4 : i32
        %add3A_276 = arith.addi %add3A_216, %add3A_275 : i32
        %dma_start3A_277 = arith.constant 0 : i32
        %dma_start3A_278 = tpu.memref_slice %arg7[%add3A_276, %dma_start3A_277] : memref<157x128xi32, #tpu.memory_space<vmem>> -> memref<1x128xi32, #tpu.memory_space<vmem>>
        %dma_start3A_279 = tpu.memref_squeeze %dma_start3A_278 : memref<1x128xi32, #tpu.memory_space<vmem>> -> memref<128xi32, #tpu.memory_space<vmem>>
        %dma_start3A_280 = arith.constant 0 : i32
        %dma_start3A_281 = arith.constant 0 : i32
        %dma_start3A_282 = tpu.memref_slice %arg2[%arg0, %dma_start3A_280, %dma_start3A_281] : memref<2x10000x64xf32, #tpu.memory_space<hbm>> -> memref<1x10000x64xf32, #tpu.memory_space<hbm>>
        %dma_start3A_283 = tpu.memref_squeeze %dma_start3A_282 : memref<1x10000x64xf32, #tpu.memory_space<hbm>> -> memref<10000x64xf32, #tpu.memory_space<hbm>>
        %dma_start3A_284 = arith.constant 0 : i32
        %dma_start3A_285 = arith.constant 0 : i32
        %dma_start3A_286 = tpu.memref_slice %dma_start3A_283[%dma_start3A_284, %dma_start3A_285] : memref<10000x64xf32, #tpu.memory_space<hbm>> -> memref<10000x64xf32, #tpu.memory_space<hbm>>
        tpu.enqueue_indirect_dma source(%dma_start3A_286 : memref<10000x64xf32, #tpu.memory_space<hbm>>) target(%arg11 : memref<128x64xf32, #tpu.memory_space<vmem>>) offsets(%dma_start3A_279 : memref<128xi32, #tpu.memory_space<vmem>>) semaphore(%arg18 : memref<!tpu.dma_semaphore, #tpu.memory_space<semaphore_mem>>)
      } else {
      }
      %add3A_245 = arith.constant 5 : i32
      %add3A_246 = arith.addi %add3A_98, %add3A_245 : i32
      %dma_wait3A_247 = arith.constant 0 : i32
      %dma_wait3A_248 = tpu.memref_slice %arg7[%add3A_246, %dma_wait3A_247] : memref<157x128xi32, #tpu.memory_space<vmem>> -> memref<1x128xi32, #tpu.memory_space<vmem>>
      %dma_wait3A_249 = tpu.memref_squeeze %dma_wait3A_248 : memref<1x128xi32, #tpu.memory_space<vmem>> -> memref<128xi32, #tpu.memory_space<vmem>>
      %dma_wait3A_250 = arith.constant 0 : i32
      %dma_wait3A_251 = arith.constant 0 : i32
      %dma_wait3A_252 = tpu.memref_slice %arg2[%arg0, %dma_wait3A_250, %dma_wait3A_251] : memref<2x10000x64xf32, #tpu.memory_space<hbm>> -> memref<1x10000x64xf32, #tpu.memory_space<hbm>>
      %dma_wait3A_253 = tpu.memref_squeeze %dma_wait3A_252 : memref<1x10000x64xf32, #tpu.memory_space<hbm>> -> memref<10000x64xf32, #tpu.memory_space<hbm>>
      %dma_wait3A_254 = arith.constant 0 : i32
      %dma_wait3A_255 = arith.constant 0 : i32
      %dma_wait3A_256 = tpu.memref_slice %dma_wait3A_253[%dma_wait3A_254, %dma_wait3A_255] : memref<10000x64xf32, #tpu.memory_space<hbm>> -> memref<10000x64xf32, #tpu.memory_space<hbm>>
      tpu.wait_indirect_dma semaphore(%arg21 : memref<!tpu.dma_semaphore, #tpu.memory_space<semaphore_mem>>) src(%dma_wait3A_256 : memref<10000x64xf32, #tpu.memory_space<hbm>>) dst(%arg14 : memref<128x64xf32, #tpu.memory_space<vmem>>)
      %dma_start3A_257 = arith.constant 0 : i32
      %dma_start3A_258 = tpu.memref_slice %arg8[%add3A_246, %dma_start3A_257] : memref<157x128xi32, #tpu.memory_space<vmem>> -> memref<1x128xi32, #tpu.memory_space<vmem>>
      %dma_start3A_259 = tpu.memref_squeeze %dma_start3A_258 : memref<1x128xi32, #tpu.memory_space<vmem>> -> memref<128xi32, #tpu.memory_space<vmem>>
      %dma_start3A_260 = arith.constant 0 : i32
      %dma_start3A_261 = arith.constant 0 : i32
      %dma_start3A_262 = tpu.memref_slice %arg15[%dma_start3A_260, %dma_start3A_261] : memref<10240x64xf32, #tpu.memory_space<vmem_shared>> -> memref<10240x64xf32, #tpu.memory_space<vmem_shared>>
      tpu.enqueue_indirect_dma source(%arg14 : memref<128x64xf32, #tpu.memory_space<vmem>>) target(%dma_start3A_262 : memref<10240x64xf32, #tpu.memory_space<vmem_shared>>) offsets(%dma_start3A_259 : memref<128xi32, #tpu.memory_space<vmem>>) semaphore(%arg27 : memref<!tpu.dma_semaphore, #tpu.memory_space<semaphore_mem>>) {add = true}
      %ge3A_263 = arith.constant 2 : i32
      %ge3A_264 = arith.cmpi sge, %add3A_246, %ge3A_263 : i32
      %convert_element_type3A_265 = arith.extui %ge3A_264 : i1 to i32
      %cond3A_266 = arith.constant 0 : i32
      %cond3A_267 = arith.cmpi ne, %convert_element_type3A_265, %cond3A_266 : i32
      scf.if %cond3A_267 {
        %dma_wait3A_275 = arith.constant 0 : i32
        %dma_wait3A_276 = tpu.memref_slice %arg8[%add3A_246, %dma_wait3A_275] : memref<157x128xi32, #tpu.memory_space<vmem>> -> memref<1x128xi32, #tpu.memory_space<vmem>>
        %dma_wait3A_277 = tpu.memref_squeeze %dma_wait3A_276 : memref<1x128xi32, #tpu.memory_space<vmem>> -> memref<128xi32, #tpu.memory_space<vmem>>
        %dma_wait3A_278 = arith.constant 0 : i32
        %dma_wait3A_279 = arith.constant 0 : i32
        %dma_wait3A_280 = tpu.memref_slice %arg15[%dma_wait3A_278, %dma_wait3A_279] : memref<10240x64xf32, #tpu.memory_space<vmem_shared>> -> memref<10240x64xf32, #tpu.memory_space<vmem_shared>>
        tpu.wait_indirect_dma semaphore(%arg25 : memref<!tpu.dma_semaphore, #tpu.memory_space<semaphore_mem>>) src(%arg12 : memref<128x64xf32, #tpu.memory_space<vmem>>) dst(%dma_wait3A_280 : memref<10240x64xf32, #tpu.memory_space<vmem_shared>>)
      } else {
      }
      %add3A_268 = arith.constant 4 : i32
      %add3A_269 = arith.addi %add3A_246, %add3A_268 : i32
      %lt3A_270 = arith.constant 157 : i32
      %lt3A_271 = arith.cmpi slt, %add3A_269, %lt3A_270 : i32
      %convert_element_type3A_272 = arith.extui %lt3A_271 : i1 to i32
      %cond3A_273 = arith.constant 0 : i32
      %cond3A_274 = arith.cmpi ne, %convert_element_type3A_272, %cond3A_273 : i32
      scf.if %cond3A_274 {
        %add3A_275 = arith.constant 4 : i32
        %add3A_276 = arith.addi %add3A_246, %add3A_275 : i32
        %dma_start3A_277 = arith.constant 0 : i32
        %dma_start3A_278 = tpu.memref_slice %arg7[%add3A_276, %dma_start3A_277] : memref<157x128xi32, #tpu.memory_space<vmem>> -> memref<1x128xi32, #tpu.memory_space<vmem>>
        %dma_start3A_279 = tpu.memref_squeeze %dma_start3A_278 : memref<1x128xi32, #tpu.memory_space<vmem>> -> memref<128xi32, #tpu.memory_space<vmem>>
        %dma_start3A_280 = arith.constant 0 : i32
        %dma_start3A_281 = arith.constant 0 : i32
        %dma_start3A_282 = tpu.memref_slice %arg2[%arg0, %dma_start3A_280, %dma_start3A_281] : memref<2x10000x64xf32, #tpu.memory_space<hbm>> -> memref<1x10000x64xf32, #tpu.memory_space<hbm>>
        %dma_start3A_283 = tpu.memref_squeeze %dma_start3A_282 : memref<1x10000x64xf32, #tpu.memory_space<hbm>> -> memref<10000x64xf32, #tpu.memory_space<hbm>>
        %dma_start3A_284 = arith.constant 0 : i32
        %dma_start3A_285 = arith.constant 0 : i32
        %dma_start3A_286 = tpu.memref_slice %dma_start3A_283[%dma_start3A_284, %dma_start3A_285] : memref<10000x64xf32, #tpu.memory_space<hbm>> -> memref<10000x64xf32, #tpu.memory_space<hbm>>
        tpu.enqueue_indirect_dma source(%dma_start3A_286 : memref<10000x64xf32, #tpu.memory_space<hbm>>) target(%arg12 : memref<128x64xf32, #tpu.memory_space<vmem>>) offsets(%dma_start3A_279 : memref<128xi32, #tpu.memory_space<vmem>>) semaphore(%arg19 : memref<!tpu.dma_semaphore, #tpu.memory_space<semaphore_mem>>)
      } else {
      }
    }
    %scan3A_50 = arith.constant 26 : i32
    %dma_wait3A_51 = arith.constant 156 : i32
    %dma_wait3A_52 = arith.constant 0 : i32
    %dma_wait3A_53 = tpu.memref_slice %arg7[%dma_wait3A_51, %dma_wait3A_52] : memref<157x128xi32, #tpu.memory_space<vmem>> -> memref<1x128xi32, #tpu.memory_space<vmem>>
    %dma_wait3A_54 = tpu.memref_squeeze %dma_wait3A_53 : memref<1x128xi32, #tpu.memory_space<vmem>> -> memref<128xi32, #tpu.memory_space<vmem>>
    %dma_wait3A_55 = arith.constant 0 : i32
    %dma_wait3A_56 = arith.constant 0 : i32
    %dma_wait3A_57 = tpu.memref_slice %arg2[%arg0, %dma_wait3A_55, %dma_wait3A_56] : memref<2x10000x64xf32, #tpu.memory_space<hbm>> -> memref<1x10000x64xf32, #tpu.memory_space<hbm>>
    %dma_wait3A_58 = tpu.memref_squeeze %dma_wait3A_57 : memref<1x10000x64xf32, #tpu.memory_space<hbm>> -> memref<10000x64xf32, #tpu.memory_space<hbm>>
    %dma_wait3A_59 = arith.constant 0 : i32
    %dma_wait3A_60 = arith.constant 0 : i32
    %dma_wait3A_61 = tpu.memref_slice %dma_wait3A_58[%dma_wait3A_59, %dma_wait3A_60] : memref<10000x64xf32, #tpu.memory_space<hbm>> -> memref<10000x64xf32, #tpu.memory_space<hbm>>
    tpu.wait_indirect_dma semaphore(%arg16 : memref<!tpu.dma_semaphore, #tpu.memory_space<semaphore_mem>>) src(%dma_wait3A_61 : memref<10000x64xf32, #tpu.memory_space<hbm>>) dst(%arg9 : memref<128x64xf32, #tpu.memory_space<vmem>>)
    %dma_start3A_62 = arith.constant 156 : i32
    %dma_start3A_63 = arith.constant 0 : i32
    %dma_start3A_64 = tpu.memref_slice %arg8[%dma_start3A_62, %dma_start3A_63] : memref<157x128xi32, #tpu.memory_space<vmem>> -> memref<1x128xi32, #tpu.memory_space<vmem>>
    %dma_start3A_65 = tpu.memref_squeeze %dma_start3A_64 : memref<1x128xi32, #tpu.memory_space<vmem>> -> memref<128xi32, #tpu.memory_space<vmem>>
    %dma_start3A_66 = arith.constant 0 : i32
    %dma_start3A_67 = arith.constant 0 : i32
    %dma_start3A_68 = tpu.memref_slice %arg15[%dma_start3A_66, %dma_start3A_67] : memref<10240x64xf32, #tpu.memory_space<vmem_shared>> -> memref<10240x64xf32, #tpu.memory_space<vmem_shared>>
    tpu.enqueue_indirect_dma source(%arg9 : memref<128x64xf32, #tpu.memory_space<vmem>>) target(%dma_start3A_68 : memref<10240x64xf32, #tpu.memory_space<vmem_shared>>) offsets(%dma_start3A_65 : memref<128xi32, #tpu.memory_space<vmem>>) semaphore(%arg22 : memref<!tpu.dma_semaphore, #tpu.memory_space<semaphore_mem>>) {add = true}
    %dma_wait3A_69 = arith.constant 0 : i32
    %dma_wait3A_70 = arith.constant 0 : i32
    %dma_wait3A_71 = tpu.memref_slice %arg8[%dma_wait3A_69, %dma_wait3A_70] : memref<157x128xi32, #tpu.memory_space<vmem>> -> memref<1x128xi32, #tpu.memory_space<vmem>>
    %dma_wait3A_72 = tpu.memref_squeeze %dma_wait3A_71 : memref<1x128xi32, #tpu.memory_space<vmem>> -> memref<128xi32, #tpu.memory_space<vmem>>
    %dma_wait3A_73 = arith.constant 0 : i32
    %dma_wait3A_74 = arith.constant 0 : i32
    %dma_wait3A_75 = tpu.memref_slice %arg15[%dma_wait3A_73, %dma_wait3A_74] : memref<10240x64xf32, #tpu.memory_space<vmem_shared>> -> memref<10240x64xf32, #tpu.memory_space<vmem_shared>>
    tpu.wait_indirect_dma semaphore(%arg26 : memref<!tpu.dma_semaphore, #tpu.memory_space<semaphore_mem>>) src(%arg13 : memref<128x64xf32, #tpu.memory_space<vmem>>) dst(%dma_wait3A_75 : memref<10240x64xf32, #tpu.memory_space<vmem_shared>>)
    %dma_wait3A_76 = arith.constant 0 : i32
    %dma_wait3A_77 = arith.constant 0 : i32
    %dma_wait3A_78 = tpu.memref_slice %arg8[%dma_wait3A_76, %dma_wait3A_77] : memref<157x128xi32, #tpu.memory_space<vmem>> -> memref<1x128xi32, #tpu.memory_space<vmem>>
    %dma_wait3A_79 = tpu.memref_squeeze %dma_wait3A_78 : memref<1x128xi32, #tpu.memory_space<vmem>> -> memref<128xi32, #tpu.memory_space<vmem>>
    %dma_wait3A_80 = arith.constant 0 : i32
    %dma_wait3A_81 = arith.constant 0 : i32
    %dma_wait3A_82 = tpu.memref_slice %arg15[%dma_wait3A_80, %dma_wait3A_81] : memref<10240x64xf32, #tpu.memory_space<vmem_shared>> -> memref<10240x64xf32, #tpu.memory_space<vmem_shared>>
    tpu.wait_indirect_dma semaphore(%arg27 : memref<!tpu.dma_semaphore, #tpu.memory_space<semaphore_mem>>) src(%arg14 : memref<128x64xf32, #tpu.memory_space<vmem>>) dst(%dma_wait3A_82 : memref<10240x64xf32, #tpu.memory_space<vmem_shared>>)
    %dma_wait3A_83 = arith.constant 0 : i32
    %dma_wait3A_84 = arith.constant 0 : i32
    %dma_wait3A_85 = tpu.memref_slice %arg8[%dma_wait3A_83, %dma_wait3A_84] : memref<157x128xi32, #tpu.memory_space<vmem>> -> memref<1x128xi32, #tpu.memory_space<vmem>>
    %dma_wait3A_86 = tpu.memref_squeeze %dma_wait3A_85 : memref<1x128xi32, #tpu.memory_space<vmem>> -> memref<128xi32, #tpu.memory_space<vmem>>
    %dma_wait3A_87 = arith.constant 0 : i32
    %dma_wait3A_88 = arith.constant 0 : i32
    %dma_wait3A_89 = tpu.memref_slice %arg15[%dma_wait3A_87, %dma_wait3A_88] : memref<10240x64xf32, #tpu.memory_space<vmem_shared>> -> memref<10240x64xf32, #tpu.memory_space<vmem_shared>>
    tpu.wait_indirect_dma semaphore(%arg22 : memref<!tpu.dma_semaphore, #tpu.memory_space<semaphore_mem>>) src(%arg9 : memref<128x64xf32, #tpu.memory_space<vmem>>) dst(%dma_wait3A_89 : memref<10240x64xf32, #tpu.memory_space<vmem_shared>>)
    %barrier3A_90 = arith.constant 0 : index
    tpu.barrier barrier_id(%barrier3A_90)
    %mul3A_91 = arith.constant 640 : i32
    %mul3A_92 = arith.muli %arg1, %mul3A_91 : i32
    %mul3A_93 = arith.constant 640 : i32
    %mul3A_94 = arith.muli %arg1, %mul3A_93 : i32
    "tpu.region"() ({
      %run_scoped3A = tpu.sem_alloc : memref<!tpu.dma_semaphore, #tpu.memory_space<semaphore_mem>>
      %dma_start3A_95 = arith.constant 0 : i32
      %dma_start3A_96 = tpu.memref_slice %arg6[%arg0, %mul3A_94, %dma_start3A_95] : memref<2x10240x64xf32, #tpu.memory_space<hbm>> -> memref<1x640x64xf32, #tpu.memory_space<hbm>>
      %dma_start3A_97 = tpu.memref_squeeze %dma_start3A_96 : memref<1x640x64xf32, #tpu.memory_space<hbm>> -> memref<640x64xf32, #tpu.memory_space<hbm>>
      %dma_start3A_98 = arith.constant 0 : i32
      %dma_start3A_99 = tpu.memref_slice %arg15[%mul3A_92, %dma_start3A_98] : memref<10240x64xf32, #tpu.memory_space<vmem_shared>> -> memref<640x64xf32, #tpu.memory_space<vmem_shared>>
      tpu.enqueue_dma source(%dma_start3A_99 : memref<640x64xf32, #tpu.memory_space<vmem_shared>>) target(%dma_start3A_97 : memref<640x64xf32, #tpu.memory_space<hbm>>) target_semaphore(%run_scoped3A : memref<!tpu.dma_semaphore, #tpu.memory_space<semaphore_mem>>)
      %dma_wait3A_100 = arith.constant 0 : i32
      %dma_wait3A_101 = tpu.memref_slice %arg6[%arg0, %mul3A_94, %dma_wait3A_100] : memref<2x10240x64xf32, #tpu.memory_space<hbm>> -> memref<1x640x64xf32, #tpu.memory_space<hbm>>
      %dma_wait3A_102 = tpu.memref_squeeze %dma_wait3A_101 : memref<1x640x64xf32, #tpu.memory_space<hbm>> -> memref<640x64xf32, #tpu.memory_space<hbm>>
      %dma_wait3A_103 = arith.constant 0 : i32
      %dma_wait3A_104 = tpu.memref_slice %arg15[%mul3A_92, %dma_wait3A_103] : memref<10240x64xf32, #tpu.memory_space<vmem_shared>> -> memref<640x64xf32, #tpu.memory_space<vmem_shared>>
      tpu.wait_dma2 semaphore(%run_scoped3A : memref<!tpu.dma_semaphore, #tpu.memory_space<semaphore_mem>>) src(%dma_wait3A_104 : memref<640x64xf32, #tpu.memory_space<vmem_shared>>) dst(%dma_wait3A_102 : memref<640x64xf32, #tpu.memory_space<hbm>>)
      tpu.yield
    }) : () -> ()
    return
  }
}

module attributes {stable_mosaic.version = 14 : i64} {
  func.func @_tc_body(%arg0: i32, %arg1: memref<2x2000x64xf32, #tpu.memory_space<vmem>>, %arg2: memref<1x128xf32, #tpu.memory_space<vmem>>, %arg3: memref<1x128xf32, #tpu.memory_space<vmem>>, %arg4: memref<128x128xf32, #tpu.memory_space<vmem>>, %arg5: memref<1x128xf32, #tpu.memory_space<vmem>>, %arg6: memref<2x2000x64xf32, #tpu.memory_space<vmem>>) attributes {dimension_semantics = [#tpu.dimension_semantics<arbitrary>], iteration_bounds = array<i64: 5>, scalar_prefetch = 0 : i64, scratch_operands = 0 : i64, tpu.core_type = #tpu.core_type<tc>, window_params = [{transform_indices = @transform_0, window_bounds = array<i64: 2, 2000, 64>}, {pipeline_mode = #tpu.pipeline_mode<synchronous>, transform_indices = @transform_1, window_bounds = array<i64: 1, 128>}, {pipeline_mode = #tpu.pipeline_mode<synchronous>, transform_indices = @transform_2, window_bounds = array<i64: 1, 128>}, {pipeline_mode = #tpu.pipeline_mode<synchronous>, transform_indices = @transform_3, window_bounds = array<i64: 128, 128>}, {pipeline_mode = #tpu.pipeline_mode<synchronous>, transform_indices = @transform_4, window_bounds = array<i64: 1, 128>}, {transform_indices = @transform_5, window_bounds = array<i64: 2, 2000, 64>}]} {
    %get3A = arith.constant 0 : index
    %get3A_0 = arith.constant 0 : index
    %get3A_1 = arith.constant 0 : index
    %get3A_2 = vector.load %arg1[%get3A, %get3A_0, %get3A_1] : memref<2x2000x64xf32, #tpu.memory_space<vmem>>, vector<1x2000x64xf32>
    %get3A_3 = vector.shape_cast %get3A_2 : vector<1x2000x64xf32> to vector<2000x64xf32>
    %get3A_4 = arith.constant 1 : index
    %get3A_5 = arith.constant 0 : index
    %get3A_6 = arith.constant 0 : index
    %get3A_7 = vector.load %arg1[%get3A_4, %get3A_5, %get3A_6] : memref<2x2000x64xf32, #tpu.memory_space<vmem>>, vector<1x2000x64xf32>
    %get3A_8 = vector.shape_cast %get3A_7 : vector<1x2000x64xf32> to vector<2000x64xf32>
    %concatenate3A = tpu.concatenate %get3A_3, %get3A_8 in 1 : vector<2000x64xf32>, vector<2000x64xf32> -> vector<2000x128xf32>
    %reduce_sum3A = arith.constant dense<0.000000e+00> : vector<2000xf32>
    %reduce_sum3A_9 = vector.multi_reduction <add>, %concatenate3A, %reduce_sum3A [1] : vector<2000x128xf32> to vector<2000xf32>
    %broadcast_in_dim3A = vector.shape_cast %reduce_sum3A_9 : vector<2000xf32> to vector<2000x1xf32>
    %div3A = arith.constant 1.280000e+02 : f32
    %div3A_10 = vector.broadcast %div3A : f32 to vector<2000x1xf32>
    %div3A_11 = arith.divf %broadcast_in_dim3A, %div3A_10 : vector<2000x1xf32>
    %sub3A = vector.broadcast %div3A_11 : vector<2000x1xf32> to vector<2000x128xf32>
    %sub3A_12 = arith.subf %concatenate3A, %sub3A : vector<2000x128xf32>
    %integer_pow3A = arith.mulf %sub3A_12, %sub3A_12 : vector<2000x128xf32>
    %reduce_sum3A_13 = arith.constant dense<0.000000e+00> : vector<2000xf32>
    %reduce_sum3A_14 = vector.multi_reduction <add>, %integer_pow3A, %reduce_sum3A_13 [1] : vector<2000x128xf32> to vector<2000xf32>
    %broadcast_in_dim3A_15 = vector.shape_cast %reduce_sum3A_14 : vector<2000xf32> to vector<2000x1xf32>
    %div3A_16 = arith.constant 1.280000e+02 : f32
    %div3A_17 = vector.broadcast %div3A_16 : f32 to vector<2000x1xf32>
    %div3A_18 = arith.divf %broadcast_in_dim3A_15, %div3A_17 : vector<2000x1xf32>
    %sub3A_19 = vector.broadcast %div3A_11 : vector<2000x1xf32> to vector<2000x128xf32>
    %sub3A_20 = arith.subf %concatenate3A, %sub3A_19 : vector<2000x128xf32>
    %add3A = arith.constant 9.99999974E-6 : f32
    %add3A_21 = vector.broadcast %add3A : f32 to vector<2000x1xf32>
    %add3A_22 = arith.addf %div3A_18, %add3A_21 : vector<2000x1xf32>
    %rsqrt3A = math.rsqrt %add3A_22 : vector<2000x1xf32>
    %mul3A = vector.broadcast %rsqrt3A : vector<2000x1xf32> to vector<2000x128xf32>
    %mul3A_23 = arith.mulf %sub3A_20, %mul3A : vector<2000x128xf32>
    %get3A_24 = arith.constant 0 : index
    %get3A_25 = arith.constant 0 : index
    %get3A_26 = vector.load %arg2[%get3A_24, %get3A_25] : memref<1x128xf32, #tpu.memory_space<vmem>>, vector<1x128xf32>
    %mul3A_27 = vector.broadcast %get3A_26 : vector<1x128xf32> to vector<2000x128xf32>
    %mul3A_28 = arith.mulf %mul3A_23, %mul3A_27 : vector<2000x128xf32>
    %get3A_29 = arith.constant 0 : index
    %get3A_30 = arith.constant 0 : index
    %get3A_31 = vector.load %arg3[%get3A_29, %get3A_30] : memref<1x128xf32, #tpu.memory_space<vmem>>, vector<1x128xf32>
    %add3A_32 = vector.broadcast %get3A_31 : vector<1x128xf32> to vector<2000x128xf32>
    %add3A_33 = arith.addf %mul3A_28, %add3A_32 : vector<2000x128xf32>
    %get3A_34 = arith.constant 0 : index
    %get3A_35 = arith.constant 0 : index
    %get3A_36 = vector.load %arg4[%get3A_34, %get3A_35] : memref<128x128xf32, #tpu.memory_space<vmem>>, vector<128x128xf32>
    %dot_general3A = arith.constant dense<0.000000e+00> : vector<2000x128xf32>
    %dot_general3A_37 = tpu.matmul %add3A_33, %get3A_36, %dot_general3A {dimension_numbers = #tpu.dot_dimension_numbers<[1], [1], [0], [0], [0, 0, 1, 0], [], []>, transpose_lhs_hint = false} : vector<2000x128xf32>, vector<128x128xf32>, vector<2000x128xf32> -> vector<2000x128xf32>
    %get3A_38 = arith.constant 0 : index
    %get3A_39 = arith.constant 0 : index
    %get3A_40 = vector.load %arg5[%get3A_38, %get3A_39] : memref<1x128xf32, #tpu.memory_space<vmem>>, vector<1x128xf32>
    %add3A_41 = vector.broadcast %get3A_40 : vector<1x128xf32> to vector<2000x128xf32>
    %add3A_42 = arith.addf %dot_general3A_37, %add3A_41 : vector<2000x128xf32>
    %max3A = arith.constant 0.000000e+00 : f32
    %max3A_43 = vector.broadcast %max3A : f32 to vector<2000x128xf32>
    %max3A_44 = arith.maximumf %add3A_42, %max3A_43 : vector<2000x128xf32>
    %slice3A = vector.extract_strided_slice %max3A_44 {offsets = [0, 0], sizes = [2000, 64], strides = [1, 1]} : vector<2000x128xf32> to vector<2000x64xf32>
    %swap3A = arith.constant 0 : index
    %swap3A_45 = arith.constant 0 : index
    %swap3A_46 = arith.constant 0 : index
    %swap3A_47 = vector.load %arg6[%swap3A, %swap3A_45, %swap3A_46] : memref<2x2000x64xf32, #tpu.memory_space<vmem>>, vector<1x2000x64xf32>
    %swap3A_48 = vector.shape_cast %swap3A_47 : vector<1x2000x64xf32> to vector<2000x64xf32>
    %swap3A_49 = vector.shape_cast %slice3A : vector<2000x64xf32> to vector<1x2000x64xf32>
    tpu.vector_store %arg6[%swap3A, %swap3A_45, %swap3A_46], %swap3A_49 {strides = array<i32>} : memref<2x2000x64xf32, #tpu.memory_space<vmem>>, vector<1x2000x64xf32>,
    %slice3A_50 = vector.extract_strided_slice %max3A_44 {offsets = [0, 64], sizes = [2000, 64], strides = [1, 1]} : vector<2000x128xf32> to vector<2000x64xf32>
    %swap3A_51 = arith.constant 1 : index
    %swap3A_52 = arith.constant 0 : index
    %swap3A_53 = arith.constant 0 : index
    %swap3A_54 = vector.load %arg6[%swap3A_51, %swap3A_52, %swap3A_53] : memref<2x2000x64xf32, #tpu.memory_space<vmem>>, vector<1x2000x64xf32>
    %swap3A_55 = vector.shape_cast %swap3A_54 : vector<1x2000x64xf32> to vector<2000x64xf32>
    %swap3A_56 = vector.shape_cast %slice3A_50 : vector<2000x64xf32> to vector<1x2000x64xf32>
    tpu.vector_store %arg6[%swap3A_51, %swap3A_52, %swap3A_53], %swap3A_56 {strides = array<i32>} : memref<2x2000x64xf32, #tpu.memory_space<vmem>>, vector<1x2000x64xf32>,
    return
  }
  func.func @transform_0(%arg0: i32) -> (i32, i32, i32) {
    %c0_i32 = arith.constant 0 : i32
    %c0_i32_0 = arith.constant 0 : i32
    %c0_i32_1 = arith.constant 0 : i32
    return %c0_i32, %arg0, %c0_i32_0 : i32, i32, i32
  }
  func.func @transform_1(%arg0: i32) -> (i32, i32) {
    %c0_i32 = arith.constant 0 : i32
    %c0_i32_0 = arith.constant 0 : i32
    %c0_i32_1 = arith.constant 0 : i32
    return %c0_i32, %c0_i32_0 : i32, i32
  }
  func.func @transform_2(%arg0: i32) -> (i32, i32) {
    %c0_i32 = arith.constant 0 : i32
    %c0_i32_0 = arith.constant 0 : i32
    %c0_i32_1 = arith.constant 0 : i32
    return %c0_i32, %c0_i32_0 : i32, i32
  }
  func.func @transform_3(%arg0: i32) -> (i32, i32) {
    %c0_i32 = arith.constant 0 : i32
    %c0_i32_0 = arith.constant 0 : i32
    %c0_i32_1 = arith.constant 0 : i32
    return %c0_i32, %c0_i32_0 : i32, i32
  }
  func.func @transform_4(%arg0: i32) -> (i32, i32) {
    %c0_i32 = arith.constant 0 : i32
    %c0_i32_0 = arith.constant 0 : i32
    %c0_i32_1 = arith.constant 0 : i32
    return %c0_i32, %c0_i32_0 : i32, i32
  }
  func.func @transform_5(%arg0: i32) -> (i32, i32, i32) {
    %c0_i32 = arith.constant 0 : i32
    %c0_i32_0 = arith.constant 0 : i32
    %c0_i32_1 = arith.constant 0 : i32
    return %c0_i32, %arg0, %c0_i32_0 : i32, i32, i32
  }
}

module attributes {stable_mosaic.version = 14 : i64} {
  func.func @_tc_body(%arg0: i32, %arg1: memref<2x2000x64xf32, #tpu.memory_space<vmem>>, %arg2: memref<1x128xf32, #tpu.memory_space<vmem>>, %arg3: memref<1x128xf32, #tpu.memory_space<vmem>>, %arg4: memref<128x128xf32, #tpu.memory_space<vmem>>, %arg5: memref<1x128xf32, #tpu.memory_space<vmem>>, %arg6: memref<2000x128xf32, #tpu.memory_space<vmem>>) attributes {dimension_semantics = [#tpu.dimension_semantics<arbitrary>], iteration_bounds = array<i64: 5>, scalar_prefetch = 0 : i64, scratch_operands = 0 : i64, tpu.core_type = #tpu.core_type<tc>, window_params = [{transform_indices = @transform_0, window_bounds = array<i64: 2, 2000, 64>}, {pipeline_mode = #tpu.pipeline_mode<synchronous>, transform_indices = @transform_1, window_bounds = array<i64: 1, 128>}, {pipeline_mode = #tpu.pipeline_mode<synchronous>, transform_indices = @transform_2, window_bounds = array<i64: 1, 128>}, {pipeline_mode = #tpu.pipeline_mode<synchronous>, transform_indices = @transform_3, window_bounds = array<i64: 128, 128>}, {pipeline_mode = #tpu.pipeline_mode<synchronous>, transform_indices = @transform_4, window_bounds = array<i64: 1, 128>}, {transform_indices = @transform_5, window_bounds = array<i64: 2000, 128>}]} {
    %get3A = arith.constant 0 : index
    %get3A_0 = arith.constant 0 : index
    %get3A_1 = arith.constant 0 : index
    %get3A_2 = vector.load %arg1[%get3A, %get3A_0, %get3A_1] : memref<2x2000x64xf32, #tpu.memory_space<vmem>>, vector<1x2000x64xf32>
    %get3A_3 = vector.shape_cast %get3A_2 : vector<1x2000x64xf32> to vector<2000x64xf32>
    %get3A_4 = arith.constant 1 : index
    %get3A_5 = arith.constant 0 : index
    %get3A_6 = arith.constant 0 : index
    %get3A_7 = vector.load %arg1[%get3A_4, %get3A_5, %get3A_6] : memref<2x2000x64xf32, #tpu.memory_space<vmem>>, vector<1x2000x64xf32>
    %get3A_8 = vector.shape_cast %get3A_7 : vector<1x2000x64xf32> to vector<2000x64xf32>
    %concatenate3A = tpu.concatenate %get3A_3, %get3A_8 in 1 : vector<2000x64xf32>, vector<2000x64xf32> -> vector<2000x128xf32>
    %reduce_sum3A = arith.constant dense<0.000000e+00> : vector<2000xf32>
    %reduce_sum3A_9 = vector.multi_reduction <add>, %concatenate3A, %reduce_sum3A [1] : vector<2000x128xf32> to vector<2000xf32>
    %broadcast_in_dim3A = vector.shape_cast %reduce_sum3A_9 : vector<2000xf32> to vector<2000x1xf32>
    %div3A = arith.constant 1.280000e+02 : f32
    %div3A_10 = vector.broadcast %div3A : f32 to vector<2000x1xf32>
    %div3A_11 = arith.divf %broadcast_in_dim3A, %div3A_10 : vector<2000x1xf32>
    %sub3A = vector.broadcast %div3A_11 : vector<2000x1xf32> to vector<2000x128xf32>
    %sub3A_12 = arith.subf %concatenate3A, %sub3A : vector<2000x128xf32>
    %integer_pow3A = arith.mulf %sub3A_12, %sub3A_12 : vector<2000x128xf32>
    %reduce_sum3A_13 = arith.constant dense<0.000000e+00> : vector<2000xf32>
    %reduce_sum3A_14 = vector.multi_reduction <add>, %integer_pow3A, %reduce_sum3A_13 [1] : vector<2000x128xf32> to vector<2000xf32>
    %broadcast_in_dim3A_15 = vector.shape_cast %reduce_sum3A_14 : vector<2000xf32> to vector<2000x1xf32>
    %div3A_16 = arith.constant 1.280000e+02 : f32
    %div3A_17 = vector.broadcast %div3A_16 : f32 to vector<2000x1xf32>
    %div3A_18 = arith.divf %broadcast_in_dim3A_15, %div3A_17 : vector<2000x1xf32>
    %sub3A_19 = vector.broadcast %div3A_11 : vector<2000x1xf32> to vector<2000x128xf32>
    %sub3A_20 = arith.subf %concatenate3A, %sub3A_19 : vector<2000x128xf32>
    %add3A = arith.constant 9.99999974E-6 : f32
    %add3A_21 = vector.broadcast %add3A : f32 to vector<2000x1xf32>
    %add3A_22 = arith.addf %div3A_18, %add3A_21 : vector<2000x1xf32>
    %rsqrt3A = math.rsqrt %add3A_22 : vector<2000x1xf32>
    %mul3A = vector.broadcast %rsqrt3A : vector<2000x1xf32> to vector<2000x128xf32>
    %mul3A_23 = arith.mulf %sub3A_20, %mul3A : vector<2000x128xf32>
    %get3A_24 = arith.constant 0 : index
    %get3A_25 = arith.constant 0 : index
    %get3A_26 = vector.load %arg2[%get3A_24, %get3A_25] : memref<1x128xf32, #tpu.memory_space<vmem>>, vector<1x128xf32>
    %mul3A_27 = vector.broadcast %get3A_26 : vector<1x128xf32> to vector<2000x128xf32>
    %mul3A_28 = arith.mulf %mul3A_23, %mul3A_27 : vector<2000x128xf32>
    %get3A_29 = arith.constant 0 : index
    %get3A_30 = arith.constant 0 : index
    %get3A_31 = vector.load %arg3[%get3A_29, %get3A_30] : memref<1x128xf32, #tpu.memory_space<vmem>>, vector<1x128xf32>
    %add3A_32 = vector.broadcast %get3A_31 : vector<1x128xf32> to vector<2000x128xf32>
    %add3A_33 = arith.addf %mul3A_28, %add3A_32 : vector<2000x128xf32>
    %get3A_34 = arith.constant 0 : index
    %get3A_35 = arith.constant 0 : index
    %get3A_36 = vector.load %arg4[%get3A_34, %get3A_35] : memref<128x128xf32, #tpu.memory_space<vmem>>, vector<128x128xf32>
    %dot_general3A = arith.constant dense<0.000000e+00> : vector<2000x128xf32>
    %dot_general3A_37 = tpu.matmul %add3A_33, %get3A_36, %dot_general3A {dimension_numbers = #tpu.dot_dimension_numbers<[1], [1], [0], [0], [0, 0, 1, 0], [], []>, transpose_lhs_hint = false} : vector<2000x128xf32>, vector<128x128xf32>, vector<2000x128xf32> -> vector<2000x128xf32>
    %get3A_38 = arith.constant 0 : index
    %get3A_39 = arith.constant 0 : index
    %get3A_40 = vector.load %arg5[%get3A_38, %get3A_39] : memref<1x128xf32, #tpu.memory_space<vmem>>, vector<1x128xf32>
    %add3A_41 = vector.broadcast %get3A_40 : vector<1x128xf32> to vector<2000x128xf32>
    %add3A_42 = arith.addf %dot_general3A_37, %add3A_41 : vector<2000x128xf32>
    %swap3A = arith.constant 0 : index
    %swap3A_43 = arith.constant 0 : index
    %swap3A_44 = vector.load %arg6[%swap3A, %swap3A_43] : memref<2000x128xf32, #tpu.memory_space<vmem>>, vector<2000x128xf32>
    tpu.vector_store %arg6[%swap3A, %swap3A_43], %add3A_42 {strides = array<i32>} : memref<2000x128xf32, #tpu.memory_space<vmem>>, vector<2000x128xf32>,
    return
  }
  func.func @transform_0(%arg0: i32) -> (i32, i32, i32) {
    %c0_i32 = arith.constant 0 : i32
    %c0_i32_0 = arith.constant 0 : i32
    %c0_i32_1 = arith.constant 0 : i32
    return %c0_i32, %arg0, %c0_i32_0 : i32, i32, i32
  }
  func.func @transform_1(%arg0: i32) -> (i32, i32) {
    %c0_i32 = arith.constant 0 : i32
    %c0_i32_0 = arith.constant 0 : i32
    %c0_i32_1 = arith.constant 0 : i32
    return %c0_i32, %c0_i32_0 : i32, i32
  }
  func.func @transform_2(%arg0: i32) -> (i32, i32) {
    %c0_i32 = arith.constant 0 : i32
    %c0_i32_0 = arith.constant 0 : i32
    %c0_i32_1 = arith.constant 0 : i32
    return %c0_i32, %c0_i32_0 : i32, i32
  }
  func.func @transform_3(%arg0: i32) -> (i32, i32) {
    %c0_i32 = arith.constant 0 : i32
    %c0_i32_0 = arith.constant 0 : i32
    %c0_i32_1 = arith.constant 0 : i32
    return %c0_i32, %c0_i32_0 : i32, i32
  }
  func.func @transform_4(%arg0: i32) -> (i32, i32) {
    %c0_i32 = arith.constant 0 : i32
    %c0_i32_0 = arith.constant 0 : i32
    %c0_i32_1 = arith.constant 0 : i32
    return %c0_i32, %c0_i32_0 : i32, i32
  }
  func.func @transform_5(%arg0: i32) -> (i32, i32) {
    %c0_i32 = arith.constant 0 : i32
    %c0_i32_0 = arith.constant 0 : i32
    return %arg0, %c0_i32 : i32, i32
  }
}

</mosaic_0001>

<sc_bundles>
// kernel: kernel.11.cloned.1.call-start
scs
__scs_entry_jumppad:
0x0: {  	(pc) =	sbr.rel $0x88, $3  }
0x1: {  	(tag) =	ssettag $0x0;
	lr =	simm.s32 $0x1  }
0x2: {  	[smem:$0x3F93] =	sst lr;
	_ =	strace $0xD0000000  }
0x3: {  	_ = 	snop  }
0x4: {  	_ = 	snop  }
0x5: {  	_ = 	snop  }
0x6: {  	_ = 	snop  }
0x7: {  	_ = 	snop  }
__scs_overlays_trampoline_lowered:
0x8: {  	[smem:$0x3FA2] =	sst s0  }
0x9: {  	[smem:$0x3FA3] =	sst s1  }
0xa: {  	[smem:$0x3FA4] =	sst s2  }
0xb: {  	[smem:$0x3FA5] =	sst s3  }
0xc: {  	[smem:$0x3FA6] =	sst s4  }
0xd: {  	[smem:$0x3FA7] =	sst s5  }
0xe: {  	[smem:$0x3FA8] =	sst s6  }
0xf: {  	[smem:$0x3FA9] =	sst s7  }
0x10: {  	[smem:$0x3FAA] =	sst s8  }
0x11: {  	[smem:$0x3FAB] =	sst s9;
	s0 =	simm.s32 @!p0 $0x0  }
0x12: {  	s1 =	sld [smem:$0x3F91];
	s0 =	simm.s32 @p0 $0x1  }
0x13: {  	[smem:$0x3FAC] =	sst s0;
	s0 =	simm.s32 @!p1 $0x0  }
0x14: {  	s2 =	sld [smem:$0x3F90];
	s0 =	simm.s32 @p1 $0x1  }
0x15: {  	[smem:$0x3FAD] =	sst s0;
	s0 =	simm.s32 @!p2 $0x0  }
0x16: {  	s3 =	sld [smem:$0x3FDB];
	s0 =	simm.s32 @p2 $0x1  }
0x17: {  	s4 =	simm.s32 $0x1BF5;
	[smem:$0x3FAF] =	sst s0  }
0x18: {  	s0 =	sld [smem:$0x3F92];
	_ =	swait.ge [sflag:s4], $0x0  }
0x19: {  	s7 =	sld [smem:$0x3F93]  }
0x1a: {  	s8 =	sadd.s32 $0xFFFFE003, lr  }
0x1b: {  	s9 =	sadd.s32 $0xFFFFFEF7, lr;
	s5 =	simm.s32 $0xFFFFFFFF;
	p2 =	slt.u32 s8, $0xFFFFF086  }
0x1c: {  	p1 =	slt.u32 s9, $0xF7A;
	s5 =	simm.s32 @!p2 $0x0  }
0x1d: {  	s5 =	simm.s32 @p1 $0x1;
	p0 =	seq.s32 s7, s2  }
0x1e: {  	s7 =	smul.u32 @!p0 $0xF7A, s2;
	p2 =	seq.s32 @!p0 s5, $0x0  }
0x1f: {  	s9 =	smul.u32 $0xF7A, s1;
	s8 =	simm.s32 @!p0 $0x1BF5;
	p2 =	por !p2, p0  }
0x20: {  	[sflag:s8] =	ssyncset.s32 @!p0 $0xFFFFF086;
	s6 =	sadd.s32 @!p0 s3, s7;
	s7 =	simm.s32 @!p0 $0x108  }
0x21: {  	s3 =	sadd.s32 s3, s9;
	s6 =	sadd.s32 @!p0 $0x88, s6;
	s7 =	simm.s32 @p2 $0x1082  }
0x22: {  	[simem:s7], [sflag:s8] =	dma.local @!p0 [hbm:s6], $0xF7A  }
0x23: {  	s9 =	sor.u32 $0xD0000000, s2;
	s6 =	simm.s32 $0x108;
	_ =	swait.ge @!p0 [sflag:s8], $0x0  }
0x24: {  	s3 =	sadd.s32 $0x88, s3;
	s6 =	simm.s32 @!p1 $0x1082;
	[sflag:s4] =	ssyncset.s32 $0xFFFFF086  }
0x25: {  	[simem:s6], [sflag:s4] =	dma.local [hbm:s3], $0xF7A  }
0x26: {  	[smem:$0x3F93] =	sst s1;
	(tag) =	ssettag s2;
	_ =	strace s9  }
0x27: {  	s1 =	sld [smem:$0x3FA3]  }
0x28: {  	s2 =	sld [smem:$0x3FA4]  }
0x29: {  	s4 =	sld [smem:$0x3FA6]  }
0x2a: {  	p0 =	seq.s32 s5, $0x0;
	s5 =	sld [smem:$0x3FA7]  }
0x2b: {  	s6 =	sld [smem:$0x3FA8]  }
0x2c: {  	s7 =	sld [smem:$0x3FA9]  }
0x2d: {  	s3 =	simm.s32 $0x108;
	s8 =	sld [smem:$0x3FAA]  }
0x2e: {  	s3 =	simm.s32 @!p0 $0x1082;
	s9 =	sld [smem:$0x3FAB]  }
0x2f: {  	lr =	sadd.s32 s0, s3;
	s0 =	sld [smem:$0x3FA2]  }
0x30: {  	s3 =	sld [smem:$0x3FA5]  }
0x31: {  	[smem:$0x3FAE] =	sst s10  }
0x32: {  	s10 =	sld [smem:$0x3FAC];
	_ =	sdelay $0x3  }
0x33: {  	p0 =	seq.s32 s10, $0x1;
	s10 =	sld [smem:$0x3FAE];
	_ =	sdelay $0x3  }
0x34: {  	[smem:$0x3FAE] =	sst s10  }
0x35: {  	s10 =	sld [smem:$0x3FAD];
	_ =	sdelay $0x3  }
0x36: {  	p1 =	seq.s32 s10, $0x1;
	s10 =	sld [smem:$0x3FAE];
	_ =	sdelay $0x3  }
0x37: {  	[smem:$0x3FAE] =	sst s10  }
0x38: {  	s10 =	sld [smem:$0x3FAF]  }
0x39: {  	_ = 	snop;
	(pc) =	sbr.ind lr, $3  }
0x3a: {  	_ = 	snop  }
0x3b: {  	_ = 	snop  }
0x3c: {  	p2 =	seq.s32 s10, $0x1;
	s10 =	sld [smem:$0x3FAE]  }
0x3d: {  	_ =	shalt  }
0x3e: {  	_ =	shalt  }
0x3f: {  	_ =	shalt  }
0x40: {  	_ =	shalt  }
0x41: {  	_ =	shalt  }
0x42: {  	_ =	shalt  }
0x43: {  	_ =	shalt  }
0x44: {  	_ =	shalt  }
0x45: {  	_ =	shalt  }
0x46: {  	_ =	shalt  }
0x47: {  	_ =	shalt  }
0x48: {  	_ =	shalt  }
0x49: {  	_ =	shalt  }
0x4a: {  	_ =	shalt  }
0x4b: {  	_ =	shalt  }
0x4c: {  	_ =	shalt  }
0x4d: {  	_ =	shalt  }
0x4e: {  	_ =	shalt  }
0x4f: {  	_ =	shalt  }
0x50: {  	_ =	shalt  }
0x51: {  	_ =	shalt  }
0x52: {  	_ =	shalt  }
0x53: {  	_ =	shalt  }
0x54: {  	_ =	shalt  }
0x55: {  	_ =	shalt  }
0x56: {  	_ =	shalt  }
0x57: {  	_ =	shalt  }
0x58: {  	_ =	shalt  }
0x59: {  	_ =	shalt  }
0x5a: {  	_ =	shalt  }
0x5b: {  	_ =	shalt  }
0x5c: {  	_ =	shalt  }
0x5d: {  	_ =	shalt  }
0x5e: {  	_ =	shalt  }
0x5f: {  	_ =	shalt  }
0x60: {  	_ =	shalt  }
0x61: {  	_ =	shalt  }
0x62: {  	_ =	shalt  }
0x63: {  	_ =	shalt  }
0x64: {  	_ =	shalt  }
0x65: {  	_ =	shalt  }
0x66: {  	_ =	shalt  }
0x67: {  	_ =	shalt  }
0x68: {  	_ =	shalt  }
0x69: {  	_ =	shalt  }
0x6a: {  	_ =	shalt  }
0x6b: {  	_ =	shalt  }
0x6c: {  	_ =	shalt  }
0x6d: {  	_ =	shalt  }
0x6e: {  	_ =	shalt  }
0x6f: {  	_ =	shalt  }
0x70: {  	_ =	shalt  }
0x71: {  	_ =	shalt  }
0x72: {  	_ =	shalt  }
0x73: {  	_ =	shalt  }
0x74: {  	_ =	shalt  }
0x75: {  	_ =	shalt  }
0x76: {  	_ =	shalt  }
0x77: {  	_ =	shalt  }
0x78: {  	_ =	shalt  }
0x79: {  	_ =	shalt  }
0x7a: {  	_ =	shalt  }
0x7b: {  	_ =	shalt  }
0x7c: {  	_ =	shalt  }
0x7d: {  	_ =	shalt  }
0x7e: {  	_ =	shalt  }
0x7f: {  	_ =	shalt  }
0x80: {  	_ =	shalt  }
0x81: {  	_ =	shalt  }
0x82: {  	_ =	shalt  }
0x83: {  	_ =	shalt  }
0x84: {  	_ =	shalt  }
0x85: {  	_ =	shalt  }
0x86: {  	_ =	shalt  }
0x87: {  	_ =	shalt  }
.Lfunc_end0:
.L_simem_size_0:
called_computation.1_lowered:
.L_overlay_start_0:
0x88: {  	s2 =	sld [smem:$0x3FD9]  }
0x89: {  	s3 =	sld [smem:$0x3FFE];
	_ =	sdelay $0x1  }
0x8a: {  	s1 =	srdreg.scid  }
0x8b: {  	s0 =	sand.u32 $0x1, s1  }
0x8c: {  	s17 =	sshll.u32 s0, $0xA;
	s2 =	sadd.s32 s3, s2  }
0x8d: {  	s2 =	sadd.s32 s2, s17  }
0x8e: {  	[smem:$0x3FBA] =	sst s2  }
0x8f: {  	_ = 	snop  }
0x90: {  	s2 =	sld [smem:$0x3FD0];
	(tm) =	ssettm $0x1  }
0x91: {  	s18 =	sld [smem:$0x3FFB];
	_ =	sdelay $0x3  }
0x92: {  	_ =	strace s18  }
0x93: {  	s3 =	sld [smem:$0x3FFC];
	_ =	sdelay $0x3  }
0x94: {  	_ =	strace s3  }
0x95: {  	s3 =	sld [smem:$0x3FFD];
	_ =	sdelay $0x3  }
0x96: {  	_ =	strace s3  }
0x97: {  	_ =	strace $0x8FFFFFFF  }
0x98: {  	s19 =	sld [smem:$0x3FDB];
	_ =	sdelay $0x1  }
0x99: {  	s4 =	simm.s32 $_scs_section_size  }
0x9a: {  	s5 =	simm.s32 $_size__tile_overlayer_lowered;
	s6 =	simm.s32 $_tile_overlayer_lowered  }
0x9b: {  	s22 =	simm.s32 $0x1BFF;
	s21 =	sshll.u32 s6, $0x1;
	s3 =	sadd.s32 s4, s19  }
0x9c: {  	s7 =	simm.s32 $0x0;
	s20 =	sshll.u32 s5, $0x1;
	s5 =	sadd.s32 s21, s3  }
0x9d: {  	[timem:s7], [sflag:s22] =	dma.local [hbm:s5], s20  }
0x9e: {  	_ =	swait.ge [sflag:s22], s20  }
0x9f: {  	s4 =	ssub.s32 $0x0, s20;
	[sflag:s22] =	ssyncset.done $0x0  }
0xa0: {  	[sflag:s22] =	ssyncadd.s32 s4;
	_ =	sdelay $0x1  }
0xa1: {  	s23 =	simm.s32 $0x1B8B  }
0xa2: {  	_ =	swait.ge [sflag:s23], $0x1  }
0xa3: {  	[sflag:s23] =	ssyncset.done $0x0  }
0xa4: {  	s25 =	simm.s32 $0x1B8E;
	s24 =	sld [smem:$0x3FFE];
	[sflag:s23] =	ssyncadd.s32 $0xFFFFFFFF  }
0xa5: {  	s26 =	simm.s32 $execute0_lowered;
	[smem:$0x3FD2] =	sst s25  }
0xa6: {  	s5 =	sshll.u32 s26, $0x1;
	_ =	strace $0x80000049;
	[dreg:$0x1] =	wrdreg $0xFFFFFFFF  }
0xa7: {  	s28 =	simm.s32 $_size_execute0_lowered;
	s3 =	sadd.s32 s3, s5;
	[dreg:$0x0] =	wrdreg $0x0  }
0xa8: {  	s5 =	sshll.u32 s28, $0x1;
	[dreg:$0x2] =	wrdreg s3  }
0xa9: {  	[dreg:$0x3] =	wrdreg s5  }
0xaa: {  	[dreg:$0x4] =	wrdreg $0xC0  }
0xab: {  	_ =	task [dreg:s7], $0x5FFFF  }
0xac: {  	[dreg:$0x1] =	wrdreg $0xFFFFFFFF  }
0xad: {  	[dreg:$0x0] =	wrdreg $0x60  }
0xae: {  	[dreg:$0x2] =	wrdreg s2  }
0xaf: {  	[dreg:$0x3] =	wrdreg s24  }
0xb0: {  	[dreg:$0x4] =	wrdreg $0x15D000  }
0xb1: {  	[dreg:$0x5] =	wrdreg $0x9  }
0xb2: {  	_ =	task.clear_ibuf [dreg:s7], $0x6FFFF;
	_ =	strace $0x90000049  }
0xb3: {  	s29 =	simm.s32 $0x9;
	_ =	strace $0x8000004B  }
0xb4: {  	_ =	swait.ge [sflag:s29], $0x1  }
0xb5: {  	[sflag:s29] =	ssyncadd.s32 $0xFFFFFFFF  }
0xb6: {  	_ =	strace $0x9000004B  }
0xb7: {  	_ =	sfence  }
0xb8: {  	s30 =	sld [smem:$0x0];
	_ =	sdelay $0x2  }
0xb9: {  	s31 =	sshll.u32 s1, $0xD;
	s1 =	sshrl.u32 s1, $0x2  }
0xba: {  	s3 =	sand.u32 $0x4000, s31;
	s1 =	sadd.s32 s1, s30  }
0xbb: {  	s0 =	sor.u32 s3, s0;
	s1 =	sshll.u32 s1, $0x11  }
0xbc: {  	s0 =	sor.u32 s1, s0  }
0xbd: {  	s0 =	sadd.s32 $0x8F2B, s0  }
0xbe: {  	[sflag:s0] =	ssyncadd.remote.s32 $0x1  }
0xbf: {  	_ =	sfence.sel $0xFFFF  }
0xc0: {  	[dreg:$0x0] =	wrdreg $0xFFFFFFFF;
	(pc) =	sbr.abs _section_cstart, $3  }
0xc1: {  	[dreg:$0x1] =	wrdreg $0xFFFFFFFF  }
0xc2: {  	_ =	task.clear_ibuf [dreg:s7], $0x2FFFF;
	_ =	strace $0x9FFFFFFF  }
0xc3: {  	(tm) =	ssettm $0x7FFFFFFF  }
tec
execute0_lowered:
.L_overlay_start_1:
0x0: {  	(tag) =	ssettag $0x1  }
0x1: {  	s0 =	rddreg [dreg:$0x0]  }
0x2: {  	s1 =	rddreg [dreg:$0x1];
	s9 =	stileid.u32  }
0x3: {  	s3 =	srdreg.scid;
	s2 =	rddreg [dreg:$0x2];
	s19 =	simm.s32 $0x0  }
0x4: {  	s13 =	simm.s32 $0xE;
	s15 =	simm.s32 $0x80;
	s16 =	simm.s32 $0x9D00  }
0x5: {  	s17 =	simm.s32 $0xBD00;
	s30 =	simm.s32 $0x13D00;
	s31 =	simm.s32 $0x3  }
0x6: {  	s28 =	simm.s32 $0x8;
	s18 =	simm.s32 $0x6;
	s29 =	simm.s32 $0xA  }
0x7: {  	s4 =	sand.u32 $0x1, s3;
	s6 =	smul.u32 $0xA000, s9;
	[smem:$0x7FF] =	sst s19  }
0x8: {  	s7 =	smul.u32 $0x9D0, s9;
	s20 =	sadd.s32 $0x15C00, s1;
	s22 =	sshll.u32 s9, $0x6  }
0x9: {  	s19 =	simm.s32 $0xDD00;
	s5 =	smul.u32 $0xA0000, s4;
	_ =	strace $0x8000004A  }
0xa: {  	s8 =	ssub.s32 $0x2, s4;
	[dreg:$0x4] =	wrdreg s20;
	s4 =	smul.u32 $0x13880, s4  }
0xb: {  	[dreg:$0x5] =	wrdreg s22;
	s3 =	sor.u32 $0x1C0D, s22;
	s22 =	simm.s32 $0xD  }
0xc: {  	s20 =	simm.s32 $0x4;
	s7 =	sadd.s32 s7, s1;
	s21 =	sshrl.u32 s8, $0x1  }
0xd: {  	[dreg:$0x6] =	wrdreg s3;
	s5 =	sadd.s32 s6, s5;
	s8 =	ssub.s32 s8, s21  }
0xe: {  	s6 =	sadd.s32 s6, s2;
	s23 =	sadd.s32 $0xBE00, s7;
	s24 =	sadd.s32 $0x2000, s7  }
0xf: {  	s9 =	sadd.s32 s0, s4;
	s21 =	simm.s32 $0xFD00;
	s0 =	simm.s32 $0x7  }
0x10: {  	s4 =	simm.s32 $0xB;
	s7 =	simm.s32 $0x0;
	[dreg:$0x7] =	wrdreg s23  }
.Ltmp0:
0x11: {  	s5 =	sshrl.u32 s5, $0x3;
	[dreg:$0x8] =	wrdreg s24;
	(pc) =	sbr.rel .LBB2_1-.Ltmp0, $4  }
0x12: {  	s26 =	smax.u32 s8, $0x1;
	s12 =	sshrl.u32 s6, $0x3;
	s23 =	simm.s32 $0x1  }
0x13: {  	s24 =	simm.s32 $0x9;
	s6 =	simm.s32 $0xC;
	s1 =	sadd.s32 s5, s1  }
0x14: {  	[dreg:$0xa] =	wrdreg s26;
	s26 =	simm.s32 $0x2;
	s25 =	sadd.s32 $0x17000, s1  }
0x15: {  	s1 =	simm.s32 $0x5;
	[dreg:$0x9] =	wrdreg s25;
	s25 =	simm.s32 $0x11D00  }
.LBB2_4:
0x16: {  	_ =	swait.ge [sflag:s23], $0x2000  }
0x17: {  	[sflag:s23] =	ssyncset.done $0x0  }
0x18: {  	s3 =	simm.s32 $0x9C80;
	[sflag:s23] =	ssyncadd.s32 $0xFFFFE000  }
0x19: {  	[spmem:s2] =	stream.indirect.scatter.add.f32 [tilespmem:s16], [sflag:$0x7], $0x40, s3, s15, $0xb8;
	[tilespmem:$0x1FD00] =	vst v63  }
0x1a: {  	_ =	swait.ge [sflag:s4], $0x2000  }
0x1b: {  	[sflag:s4] =	ssyncset.done $0x0  }
0x1c: {  	[sflag:s4] =	ssyncadd.s32 $0xFFFFE000  }
0x1d: {  	_ =	swait.ge [sflag:s6], $0x2000  }
0x1e: {  	[sflag:s6] =	ssyncset.done $0x0  }
0x1f: {  	[sflag:s6] =	ssyncadd.s32 $0xFFFFE000  }
0x20: {  	_ =	swait.ge [sflag:s0], $0x2000  }
0x21: {  	[sflag:s0] =	ssyncset.done $0x0  }
0x22: {  	[sflag:s0] =	ssyncadd.s32 $0xFFFFE000  }
0x23: {  	[bflag:$0x0] =	sbarrier.arrive $0xFFFF  }
0x24: {  	s11 =	rddreg [dreg:$0x5]  }
0x25: {  	s5 =	rddreg [dreg:$0x9];
	s3 =	sor.u32 $0x1C0E, s11  }
0x26: {  	[hbm:s5], [sflag:s3] =	dma.local [spmem:s12], $0x1400  }
0x27: {  	_ =	swait.ge [sflag:s13], $0x1400  }
0x28: {  	s7 =	sadd.s32 $0x1, s7;
	s14 =	rddreg [dreg:$0xa]  }
0x29: {  	p0 =	sne.s32 s7, s14  }
.Ltmp1:
0x2a: {  	_ = 	snop;
	(pc) =	sbr.rel @!p0 .LBB2_5-.Ltmp1, $3  }
0x2b: {  	_ =	sdelay $0x1  }
0x2c: {  	[sflag:s13] =	ssyncset.done $0x0  }
0x2d: {  	[sflag:s13] =	ssyncadd.s32 $0xFFFFEC00  }
.LBB2_1:
0x2e: {  	s3 =	rddreg [dreg:$0x4]  }
0x2f: {  	s5 =	rddreg [dreg:$0x6]  }
0x30: {  	[spmem:s12], [sflag:s5] =	dma.local [hbm:s3], $0x1400  }
0x31: {  	s11 =	simm.s32 $0x0;
	s5 =	rddreg [dreg:$0x7]  }
0x32: {  	[tilespmem:s11], [sflag:$0xE] =	stream.linear.gather [hbm4b:s5+s11], $0x4E80, $0x38;
	[tilespmem:$0x1FD00] =	vst v63  }
0x33: {  	_ =	swait.ge [sflag:s13], $0x4E80  }
0x34: {  	[sflag:s13] =	ssyncset.done $0x0  }
0x35: {  	s8 =	simm.s32 $0x4E80;
	s14 =	rddreg [dreg:$0x8];
	[sflag:s13] =	ssyncadd.s32 $0xFFFFB180  }
0x36: {  	[tilespmem:s8], [sflag:$0xE] =	stream.linear.gather [hbm4b:s14+s11], $0x4E80, $0x38;
	[tilespmem:$0x1FD00] =	vst v63  }
0x37: {  	_ =	swait.ge [sflag:s13], $0x4E80  }
0x38: {  	[sflag:s13] =	ssyncset.done $0x0  }
0x39: {  	[sflag:s13] =	ssyncadd.s32 $0xFFFFB180  }
0x3a: {  	[tilespmem:s16], [sflag:$0x1] =	stream.indirect.gather [hbm4b:s9+s15], $0x40, s11, s15, $0xb8;
	[tilespmem:$0x1FD00] =	vst v63  }
0x3b: {  	_ = 	snop  }
0x3c: {  	[tilespmem:s17], [sflag:$0x2] =	stream.indirect.gather [hbm4b:s9+s15], $0x40, s15, s15, $0xb8;
	[tilespmem:$0x1FD00] =	vst v63  }
0x3d: {  	s10 =	simm.s32 $0x100  }
0x3e: {  	[tilespmem:s19], [sflag:$0x3] =	stream.indirect.gather [hbm4b:s9+s15], $0x40, s10, s15, $0xb8;
	[tilespmem:$0x1FD00] =	vst v63  }
0x3f: {  	s11 =	simm.s32 $0x180  }
0x40: {  	[tilespmem:s21], [sflag:$0x4] =	stream.indirect.gather [hbm4b:s9+s15], $0x40, s11, s15, $0xb8;
	[tilespmem:$0x1FD00] =	vst v63  }
0x41: {  	_ =	swait.ge [sflag:s22], $0x1400  }
0x42: {  	[sflag:s22] =	ssyncset.done $0x0  }
0x43: {  	[sflag:s22] =	ssyncadd.s32 $0xFFFFEC00  }
0x44: {  	[bflag:$0x0] =	sbarrier.arrive $0xFFFF  }
0x45: {  	_ =	swait.ge [sflag:s23], $0x2000  }
0x46: {  	[sflag:s23] =	ssyncset.done $0x0  }
0x47: {  	[sflag:s23] =	ssyncadd.s32 $0xFFFFE000  }
0x48: {  	[spmem:s2] =	stream.indirect.scatter.add.f32 [tilespmem:s16], [sflag:$0x7], $0x40, s8, s15, $0xb8;
	[tilespmem:$0x1FD00] =	vst v63  }
0x49: {  	s14 =	simm.s32 $0x200  }
0x4a: {  	[tilespmem:s25], [sflag:$0x5] =	stream.indirect.gather [hbm4b:s9+s15], $0x40, s14, s15, $0xb8;
	[tilespmem:$0x1FD00] =	vst v63  }
0x4b: {  	_ =	swait.ge [sflag:s26], $0x2000  }
0x4c: {  	[sflag:s26] =	ssyncset.done $0x0  }
0x4d: {  	s5 =	simm.s32 $0x4F00;
	[sflag:s26] =	ssyncadd.s32 $0xFFFFE000  }
0x4e: {  	[spmem:s2] =	stream.indirect.scatter.add.f32 [tilespmem:s17], [sflag:$0x8], $0x40, s5, s15, $0xb8;
	[tilespmem:$0x1FD00] =	vst v63  }
0x4f: {  	s8 =	simm.s32 $0x280  }
0x50: {  	[tilespmem:s30], [sflag:$0x6] =	stream.indirect.gather [hbm4b:s9+s15], $0x40, s8, s15, $0xb8;
	[tilespmem:$0x1FD00] =	vst v63  }
0x51: {  	_ =	swait.ge [sflag:s31], $0x2000  }
0x52: {  	[sflag:s31] =	ssyncset.done $0x0  }
0x53: {  	s10 =	simm.s32 $0x4F80;
	[sflag:s31] =	ssyncadd.s32 $0xFFFFE000  }
0x54: {  	[spmem:s2] =	stream.indirect.scatter.add.f32 [tilespmem:s19], [sflag:$0x9], $0x40, s10, s15, $0xb8;
	[tilespmem:$0x1FD00] =	vst v63  }
0x55: {  	_ =	swait.ge [sflag:s0], $0x2000  }
0x56: {  	[sflag:s0] =	ssyncset.done $0x0  }
0x57: {  	s11 =	simm.s32 $0x300;
	[sflag:s0] =	ssyncadd.s32 $0xFFFFE000  }
0x58: {  	[tilespmem:s16], [sflag:$0x1] =	stream.indirect.gather [hbm4b:s9+s15], $0x40, s11, s15, $0xb8;
	[tilespmem:$0x1FD00] =	vst v63  }
0x59: {  	_ =	swait.ge [sflag:s20], $0x2000  }
0x5a: {  	[sflag:s20] =	ssyncset.done $0x0  }
0x5b: {  	s14 =	simm.s32 $0x5000;
	[sflag:s20] =	ssyncadd.s32 $0xFFFFE000  }
0x5c: {  	[spmem:s2] =	stream.indirect.scatter.add.f32 [tilespmem:s21], [sflag:$0xA], $0x40, s14, s15, $0xb8;
	[tilespmem:$0x1FD00] =	vst v63  }
0x5d: {  	_ =	swait.ge [sflag:s28], $0x2000  }
0x5e: {  	[sflag:s28] =	ssyncset.done $0x0  }
0x5f: {  	s5 =	simm.s32 $0x380;
	[sflag:s28] =	ssyncadd.s32 $0xFFFFE000  }
0x60: {  	[tilespmem:s17], [sflag:$0x2] =	stream.indirect.gather [hbm4b:s9+s15], $0x40, s5, s15, $0xb8;
	[tilespmem:$0x1FD00] =	vst v63  }
0x61: {  	_ =	swait.ge [sflag:s1], $0x2000  }
0x62: {  	[sflag:s1] =	ssyncset.done $0x0  }
0x63: {  	s8 =	simm.s32 $0x5080;
	[sflag:s1] =	ssyncadd.s32 $0xFFFFE000  }
0x64: {  	[spmem:s2] =	stream.indirect.scatter.add.f32 [tilespmem:s25], [sflag:$0xB], $0x40, s8, s15, $0xb8;
	[tilespmem:$0x1FD00] =	vst v63  }
0x65: {  	_ =	swait.ge [sflag:s24], $0x2000  }
0x66: {  	[sflag:s24] =	ssyncset.done $0x0  }
0x67: {  	s10 =	simm.s32 $0x400;
	[sflag:s24] =	ssyncadd.s32 $0xFFFFE000  }
0x68: {  	[tilespmem:s19], [sflag:$0x3] =	stream.indirect.gather [hbm4b:s9+s15], $0x40, s10, s15, $0xb8;
	[tilespmem:$0x1FD00] =	vst v63  }
0x69: {  	_ =	swait.ge [sflag:s18], $0x2000  }
0x6a: {  	[sflag:s18] =	ssyncset.done $0x0  }
0x6b: {  	s11 =	simm.s32 $0x5100;
	[sflag:s18] =	ssyncadd.s32 $0xFFFFE000  }
0x6c: {  	[spmem:s2] =	stream.indirect.scatter.add.f32 [tilespmem:s30], [sflag:$0xC], $0x40, s11, s15, $0xb8;
	[tilespmem:$0x1FD00] =	vst v63  }
0x6d: {  	_ =	swait.ge [sflag:s29], $0x2000  }
0x6e: {  	[sflag:s29] =	ssyncset.done $0x0  }
0x6f: {  	s14 =	simm.s32 $0x480;
	s8 =	simm.s32 $0x0;
	[sflag:s29] =	ssyncadd.s32 $0xFFFFE000  }
0x70: {  	[tilespmem:s21], [sflag:$0x4] =	stream.indirect.gather [hbm4b:s9+s15], $0x40, s14, s15, $0xb8;
	[tilespmem:$0x1FD00] =	vst v63  }
.LBB2_2:
0x71: {  	_ =	swait.ge [sflag:s23], $0x2000  }
0x72: {  	s10 =	sshra.s32 s8, $0x2;
	[sflag:s23] =	ssyncset.done $0x0  }
0x73: {  	s5 =	sadd.s32 $0x5180, s10;
	[sflag:s23] =	ssyncadd.s32 $0xFFFFE000  }
0x74: {  	[spmem:s2] =	stream.indirect.scatter.add.f32 [tilespmem:s16], [sflag:$0x7], $0x40, s5, s15, $0xb8;
	[tilespmem:$0x1FD00] =	vst v63  }
0x75: {  	_ =	swait.ge [sflag:s4], $0x2000  }
0x76: {  	[sflag:s4] =	ssyncset.done $0x0  }
0x77: {  	s14 =	sadd.s32 $0x500, s10;
	[sflag:s4] =	ssyncadd.s32 $0xFFFFE000  }
0x78: {  	[tilespmem:s25], [sflag:$0x5] =	stream.indirect.gather [hbm4b:s9+s15], $0x40, s14, s15, $0xb8;
	[tilespmem:$0x1FD00] =	vst v63  }
0x79: {  	_ =	swait.ge [sflag:s26], $0x2000  }
0x7a: {  	[sflag:s26] =	ssyncset.done $0x0  }
0x7b: {  	s3 =	sadd.s32 $0x5200, s10;
	[sflag:s26] =	ssyncadd.s32 $0xFFFFE000  }
0x7c: {  	[spmem:s2] =	stream.indirect.scatter.add.f32 [tilespmem:s17], [sflag:$0x8], $0x40, s3, s15, $0xb8;
	[tilespmem:$0x1FD00] =	vst v63  }
0x7d: {  	_ =	swait.ge [sflag:s6], $0x2000  }
0x7e: {  	[sflag:s6] =	ssyncset.done $0x0  }
0x7f: {  	s11 =	sadd.s32 $0x580, s10;
	[sflag:s6] =	ssyncadd.s32 $0xFFFFE000  }
0x80: {  	[tilespmem:s30], [sflag:$0x6] =	stream.indirect.gather [hbm4b:s9+s15], $0x40, s11, s15, $0xb8;
	[tilespmem:$0x1FD00] =	vst v63  }
0x81: {  	_ =	swait.ge [sflag:s31], $0x2000  }
0x82: {  	[sflag:s31] =	ssyncset.done $0x0  }
0x83: {  	s14 =	sadd.s32 $0x5280, s10;
	[sflag:s31] =	ssyncadd.s32 $0xFFFFE000  }
0x84: {  	[spmem:s2] =	stream.indirect.scatter.add.f32 [tilespmem:s19], [sflag:$0x9], $0x40, s14, s15, $0xb8;
	[tilespmem:$0x1FD00] =	vst v63  }
0x85: {  	_ =	swait.ge [sflag:s0], $0x2000  }
0x86: {  	[sflag:s0] =	ssyncset.done $0x0  }
0x87: {  	s3 =	sadd.s32 $0x600, s10;
	[sflag:s0] =	ssyncadd.s32 $0xFFFFE000  }
0x88: {  	[tilespmem:s16], [sflag:$0x1] =	stream.indirect.gather [hbm4b:s9+s15], $0x40, s3, s15, $0xb8;
	[tilespmem:$0x1FD00] =	vst v63  }
0x89: {  	_ =	swait.ge [sflag:s20], $0x2000  }
0x8a: {  	[sflag:s20] =	ssyncset.done $0x0  }
0x8b: {  	s11 =	sadd.s32 $0x5300, s10;
	[sflag:s20] =	ssyncadd.s32 $0xFFFFE000  }
0x8c: {  	[spmem:s2] =	stream.indirect.scatter.add.f32 [tilespmem:s21], [sflag:$0xA], $0x40, s11, s15, $0xb8;
	[tilespmem:$0x1FD00] =	vst v63  }
0x8d: {  	_ =	swait.ge [sflag:s28], $0x2000  }
0x8e: {  	p0 =	seq.s32 s8, $0x12000;
	[sflag:s28] =	ssyncset.done $0x0  }
0x8f: {  	s5 =	simm.s32 @p0 $0x5;
	[sflag:s28] =	ssyncadd.s32 $0xFFFFE000  }
0x90: {  	_ =	swait.ge @p0 [sflag:s5], $0x2000  }
0x91: {  	[sflag:s5] =	ssyncset.done @p0 $0x0  }
0x92: {  	[sflag:s5] =	ssyncadd.s32 @p0 $0xFFFFE000;
	s5 =	sshra.s32 @p0 s8, $0x2  }
0x93: {  	s14 =	simm.s32 @p0 $0x80;
	s11 =	simm.s32 @p0 $0x11D00;
	s5 =	sadd.s32 @p0 $0x5380, s5  }
0x94: {  	[spmem:s2] =	stream.indirect.scatter.add.f32 @p0 [tilespmem:s11], [sflag:$0xB], $0x40, s5, s14, $0xb8;
	[tilespmem:$0x1FD00] =	vst v63  }
0x95: {  	s5 =	simm.s32 @p0 $0x9  }
0x96: {  	_ =	swait.ge @p0 [sflag:s5], $0x2000  }
0x97: {  	[sflag:s5] =	ssyncset.done @p0 $0x0  }
0x98: {  	[sflag:s5] =	ssyncadd.s32 @p0 $0xFFFFE000;
	s5 =	sshra.s32 @!p0 s8, $0x2  }
0x99: {  	s3 =	simm.s32 @!p0 $0xBD00;
	s14 =	simm.s32 @!p0 $0x80;
	s11 =	sadd.s32 @!p0 $0x680, s5  }
0x9a: {  	[tilespmem:s3], [sflag:$0x2] =	stream.indirect.gather @!p0 [hbm4b:s9+s14], $0x40, s11, s14, $0xb8;
	[tilespmem:$0x1FD00] =	vst v63  }
0x9b: {  	s3 =	simm.s32 @!p0 $0x5  }
0x9c: {  	_ =	swait.ge @!p0 [sflag:s3], $0x2000  }
0x9d: {  	[sflag:s3] =	ssyncset.done @!p0 $0x0  }
0x9e: {  	s11 =	simm.s32 @!p0 $0x11D00;
	[sflag:s3] =	ssyncadd.s32 @!p0 $0xFFFFE000;
	s3 =	sadd.s32 @!p0 $0x5380, s5  }
0x9f: {  	[spmem:s2] =	stream.indirect.scatter.add.f32 @!p0 [tilespmem:s11], [sflag:$0xB], $0x40, s3, s14, $0xb8;
	[tilespmem:$0x1FD00] =	vst v63  }
0xa0: {  	s3 =	simm.s32 @!p0 $0x9  }
0xa1: {  	_ =	swait.ge @!p0 [sflag:s3], $0x2000  }
0xa2: {  	[sflag:s3] =	ssyncset.done @!p0 $0x0  }
0xa3: {  	[sflag:s3] =	ssyncadd.s32 @!p0 $0xFFFFE000;
	s3 =	sadd.s32 @!p0 $0x700, s5;
	s5 =	simm.s32 @!p0 $0xDD00  }
0xa4: {  	[tilespmem:s5], [sflag:$0x3] =	stream.indirect.gather @!p0 [hbm4b:s9+s14], $0x40, s3, s14, $0xb8;
	[tilespmem:$0x1FD00] =	vst v63  }
0xa5: {  	_ =	swait.ge [sflag:s18], $0x2000  }
0xa6: {  	[sflag:s18] =	ssyncset.done $0x0  }
.Ltmp2:
0xa7: {  	s14 =	sadd.s32 $0x5400, s10;
	[sflag:s18] =	ssyncadd.s32 $0xFFFFE000;
	(pc) =	sbr.rel @p0 .LBB2_4-.Ltmp2, $4  }
0xa8: {  	[spmem:s2] =	stream.indirect.scatter.add.f32 [tilespmem:s30], [sflag:$0xC], $0x40, s14, s15, $0xb8;
	[tilespmem:$0x1FD00] =	vst v63  }
0xa9: {  	_ =	swait.ge [sflag:s29], $0x2000  }
0xaa: {  	[sflag:s29] =	ssyncset.done $0x0  }
0xab: {  	[sflag:s29] =	ssyncadd.s32 $0xFFFFE000  }
.Ltmp3:
0xac: {  	(pc) =	sbr.rel .LBB2_2-.Ltmp3, $3  }
0xad: {  	_ =	sdelay $0x1  }
0xae: {  	s3 =	sadd.s32 $0x780, s10;
	s8 =	sadd.s32 $0xC00, s8  }
0xaf: {  	[tilespmem:s21], [sflag:$0x4] =	stream.indirect.gather [hbm4b:s9+s15], $0x40, s3, s15, $0xb8;
	[tilespmem:$0x1FD00] =	vst v63  }
.LBB2_5:
0xb0: {  	_ =	sfence.sel $0x180000  }
0xb1: {  	[bflag:$0x0] =	sbarrier.arrive $0xFFFF  }
0xb2: {  	_ =	strace $0x9000004A  }
0xb3: {  	s0 =	stileid.u32;
	[bflag:$0x2] =	sbarrier.arrive $0xFFFF  }
0xb4: {  	p0 =	sne.s32 s0, $0x0;
	s0 =	rddreg [dreg:$0x3]  }
0xb5: {  	s0 =	sadd.s32 @!p0 $0x100000, s0  }
0xb6: {  	[sflag:s0] =	ssyncadd.tile.s32 @!p0 $0x1;
	_ =	shalt  }
.Lfunc_end2:
_tile_overlayer_lowered:
.L_overlay_start_2:
0xb7: {  	(tag) =	ssettag $0x2  }
0xb8: {  	s0 =	rddreg [dreg:$0x0];
	s2 =	stileid.u32  }
0xb9: {  	s1 =	rddreg [dreg:$0x1];
	p0 =	sne.s32 s2, $0x0  }
0xba: {  	s3 =	rddreg [dreg:$0x2];
	[bflag:$0x3] =	sbarrier.arrive $0xFFFF;
	s2 =	simm.s32 @!p0 $0x1C0E  }
0xbb: {  	[timem:s3], [sflag:s2] =	dma.local @!p0 [hbm:s0], s1  }
0xbc: {  	s0 =	simm.s32 @!p0 $0xE  }
0xbd: {  	_ =	swait.ge @!p0 [sflag:s0], s1  }
0xbe: {  	s1 =	ssub.s32 @!p0 $0x0, s1;
	[sflag:s0] =	ssyncset.done @!p0 $0x0  }
0xbf: {  	[sflag:s0] =	ssyncadd.s32 @!p0 s1  }
0xc0: {  	[bflag:$0x3] =	sbarrier.arrive $0xFFFF  }
0xc1: {  	_ =	shalt  }

// kernel: kernel.14.cloned.1.call-start
scs
__scs_entry_jumppad:
0x0: {  	(pc) =	sbr.rel $0x88, $3  }
0x1: {  	(tag) =	ssettag $0x0;
	lr =	simm.s32 $0x1  }
0x2: {  	[smem:$0x3F93] =	sst lr;
	_ =	strace $0xD0000000  }
0x3: {  	_ = 	snop  }
0x4: {  	_ = 	snop  }
0x5: {  	_ = 	snop  }
0x6: {  	_ = 	snop  }
0x7: {  	_ = 	snop  }
__scs_overlays_trampoline_lowered:
0x8: {  	[smem:$0x3FA2] =	sst s0  }
0x9: {  	[smem:$0x3FA3] =	sst s1  }
0xa: {  	[smem:$0x3FA4] =	sst s2  }
0xb: {  	[smem:$0x3FA5] =	sst s3  }
0xc: {  	[smem:$0x3FA6] =	sst s4  }
0xd: {  	[smem:$0x3FA7] =	sst s5  }
0xe: {  	[smem:$0x3FA8] =	sst s6  }
0xf: {  	[smem:$0x3FA9] =	sst s7  }
0x10: {  	[smem:$0x3FAA] =	sst s8  }
0x11: {  	[smem:$0x3FAB] =	sst s9;
	s0 =	simm.s32 @!p0 $0x0  }
0x12: {  	s1 =	sld [smem:$0x3F91];
	s0 =	simm.s32 @p0 $0x1  }
0x13: {  	[smem:$0x3FAC] =	sst s0;
	s0 =	simm.s32 @!p1 $0x0  }
0x14: {  	s2 =	sld [smem:$0x3F90];
	s0 =	simm.s32 @p1 $0x1  }
0x15: {  	[smem:$0x3FAD] =	sst s0;
	s0 =	simm.s32 @!p2 $0x0  }
0x16: {  	s3 =	sld [smem:$0x3FDB];
	s0 =	simm.s32 @p2 $0x1  }
0x17: {  	s4 =	simm.s32 $0x1BF5;
	[smem:$0x3FAF] =	sst s0  }
0x18: {  	s0 =	sld [smem:$0x3F92];
	_ =	swait.ge [sflag:s4], $0x0  }
0x19: {  	s7 =	sld [smem:$0x3F93]  }
0x1a: {  	s8 =	sadd.s32 $0xFFFFE003, lr  }
0x1b: {  	s9 =	sadd.s32 $0xFFFFFEF7, lr;
	s5 =	simm.s32 $0xFFFFFFFF;
	p2 =	slt.u32 s8, $0xFFFFF086  }
0x1c: {  	p1 =	slt.u32 s9, $0xF7A;
	s5 =	simm.s32 @!p2 $0x0  }
0x1d: {  	s5 =	simm.s32 @p1 $0x1;
	p0 =	seq.s32 s7, s2  }
0x1e: {  	s7 =	smul.u32 @!p0 $0xF7A, s2;
	p2 =	seq.s32 @!p0 s5, $0x0  }
0x1f: {  	s9 =	smul.u32 $0xF7A, s1;
	s8 =	simm.s32 @!p0 $0x1BF5;
	p2 =	por !p2, p0  }
0x20: {  	[sflag:s8] =	ssyncset.s32 @!p0 $0xFFFFF086;
	s6 =	sadd.s32 @!p0 s3, s7;
	s7 =	simm.s32 @!p0 $0x108  }
0x21: {  	s3 =	sadd.s32 s3, s9;
	s6 =	sadd.s32 @!p0 $0x88, s6;
	s7 =	simm.s32 @p2 $0x1082  }
0x22: {  	[simem:s7], [sflag:s8] =	dma.local @!p0 [hbm:s6], $0xF7A  }
0x23: {  	s9 =	sor.u32 $0xD0000000, s2;
	s6 =	simm.s32 $0x108;
	_ =	swait.ge @!p0 [sflag:s8], $0x0  }
0x24: {  	s3 =	sadd.s32 $0x88, s3;
	s6 =	simm.s32 @!p1 $0x1082;
	[sflag:s4] =	ssyncset.s32 $0xFFFFF086  }
0x25: {  	[simem:s6], [sflag:s4] =	dma.local [hbm:s3], $0xF7A  }
0x26: {  	[smem:$0x3F93] =	sst s1;
	(tag) =	ssettag s2;
	_ =	strace s9  }
0x27: {  	s1 =	sld [smem:$0x3FA3]  }
0x28: {  	s2 =	sld [smem:$0x3FA4]  }
0x29: {  	s4 =	sld [smem:$0x3FA6]  }
0x2a: {  	p0 =	seq.s32 s5, $0x0;
	s5 =	sld [smem:$0x3FA7]  }
0x2b: {  	s6 =	sld [smem:$0x3FA8]  }
0x2c: {  	s7 =	sld [smem:$0x3FA9]  }
0x2d: {  	s3 =	simm.s32 $0x108;
	s8 =	sld [smem:$0x3FAA]  }
0x2e: {  	s3 =	simm.s32 @!p0 $0x1082;
	s9 =	sld [smem:$0x3FAB]  }
0x2f: {  	lr =	sadd.s32 s0, s3;
	s0 =	sld [smem:$0x3FA2]  }
0x30: {  	s3 =	sld [smem:$0x3FA5]  }
0x31: {  	[smem:$0x3FAE] =	sst s10  }
0x32: {  	s10 =	sld [smem:$0x3FAC];
	_ =	sdelay $0x3  }
0x33: {  	p0 =	seq.s32 s10, $0x1;
	s10 =	sld [smem:$0x3FAE];
	_ =	sdelay $0x3  }
0x34: {  	[smem:$0x3FAE] =	sst s10  }
0x35: {  	s10 =	sld [smem:$0x3FAD];
	_ =	sdelay $0x3  }
0x36: {  	p1 =	seq.s32 s10, $0x1;
	s10 =	sld [smem:$0x3FAE];
	_ =	sdelay $0x3  }
0x37: {  	[smem:$0x3FAE] =	sst s10  }
0x38: {  	s10 =	sld [smem:$0x3FAF]  }
0x39: {  	_ = 	snop;
	(pc) =	sbr.ind lr, $3  }
0x3a: {  	_ = 	snop  }
0x3b: {  	_ = 	snop  }
0x3c: {  	p2 =	seq.s32 s10, $0x1;
	s10 =	sld [smem:$0x3FAE]  }
0x3d: {  	_ =	shalt  }
0x3e: {  	_ =	shalt  }
0x3f: {  	_ =	shalt  }
0x40: {  	_ =	shalt  }
0x41: {  	_ =	shalt  }
0x42: {  	_ =	shalt  }
0x43: {  	_ =	shalt  }
0x44: {  	_ =	shalt  }
0x45: {  	_ =	shalt  }
0x46: {  	_ =	shalt  }
0x47: {  	_ =	shalt  }
0x48: {  	_ =	shalt  }
0x49: {  	_ =	shalt  }
0x4a: {  	_ =	shalt  }
0x4b: {  	_ =	shalt  }
0x4c: {  	_ =	shalt  }
0x4d: {  	_ =	shalt  }
0x4e: {  	_ =	shalt  }
0x4f: {  	_ =	shalt  }
0x50: {  	_ =	shalt  }
0x51: {  	_ =	shalt  }
0x52: {  	_ =	shalt  }
0x53: {  	_ =	shalt  }
0x54: {  	_ =	shalt  }
0x55: {  	_ =	shalt  }
0x56: {  	_ =	shalt  }
0x57: {  	_ =	shalt  }
0x58: {  	_ =	shalt  }
0x59: {  	_ =	shalt  }
0x5a: {  	_ =	shalt  }
0x5b: {  	_ =	shalt  }
0x5c: {  	_ =	shalt  }
0x5d: {  	_ =	shalt  }
0x5e: {  	_ =	shalt  }
0x5f: {  	_ =	shalt  }
0x60: {  	_ =	shalt  }
0x61: {  	_ =	shalt  }
0x62: {  	_ =	shalt  }
0x63: {  	_ =	shalt  }
0x64: {  	_ =	shalt  }
0x65: {  	_ =	shalt  }
0x66: {  	_ =	shalt  }
0x67: {  	_ =	shalt  }
0x68: {  	_ =	shalt  }
0x69: {  	_ =	shalt  }
0x6a: {  	_ =	shalt  }
0x6b: {  	_ =	shalt  }
0x6c: {  	_ =	shalt  }
0x6d: {  	_ =	shalt  }
0x6e: {  	_ =	shalt  }
0x6f: {  	_ =	shalt  }
0x70: {  	_ =	shalt  }
0x71: {  	_ =	shalt  }
0x72: {  	_ =	shalt  }
0x73: {  	_ =	shalt  }
0x74: {  	_ =	shalt  }
0x75: {  	_ =	shalt  }
0x76: {  	_ =	shalt  }
0x77: {  	_ =	shalt  }
0x78: {  	_ =	shalt  }
0x79: {  	_ =	shalt  }
0x7a: {  	_ =	shalt  }
0x7b: {  	_ =	shalt  }
0x7c: {  	_ =	shalt  }
0x7d: {  	_ =	shalt  }
0x7e: {  	_ =	shalt  }
0x7f: {  	_ =	shalt  }
0x80: {  	_ =	shalt  }
0x81: {  	_ =	shalt  }
0x82: {  	_ =	shalt  }
0x83: {  	_ =	shalt  }
0x84: {  	_ =	shalt  }
0x85: {  	_ =	shalt  }
0x86: {  	_ =	shalt  }
0x87: {  	_ =	shalt  }
.Lfunc_end0:
.L_simem_size_0:
called_computation.2_lowered:
.L_overlay_start_0:
0x88: {  	s2 =	sld [smem:$0x3FD9]  }
0x89: {  	s3 =	sld [smem:$0x3FFE];
	_ =	sdelay $0x1  }
0x8a: {  	s1 =	srdreg.scid  }
0x8b: {  	s0 =	sand.u32 $0x1, s1  }
0x8c: {  	s17 =	sshll.u32 s0, $0xA;
	s2 =	sadd.s32 s3, s2  }
0x8d: {  	s2 =	sadd.s32 s2, s17  }
0x8e: {  	[smem:$0x3FBA] =	sst s2  }
0x8f: {  	_ = 	snop  }
0x90: {  	s2 =	sld [smem:$0x3FD0];
	(tm) =	ssettm $0x1  }
0x91: {  	s18 =	sld [smem:$0x3FFB];
	_ =	sdelay $0x3  }
0x92: {  	_ =	strace s18  }
0x93: {  	s3 =	sld [smem:$0x3FFC];
	_ =	sdelay $0x3  }
0x94: {  	_ =	strace s3  }
0x95: {  	s3 =	sld [smem:$0x3FFD];
	_ =	sdelay $0x3  }
0x96: {  	_ =	strace s3  }
0x97: {  	_ =	strace $0x8FFFFFFF  }
0x98: {  	s19 =	sld [smem:$0x3FDB];
	_ =	sdelay $0x1  }
0x99: {  	s4 =	simm.s32 $_scs_section_size  }
0x9a: {  	s5 =	simm.s32 $_size__tile_overlayer_lowered;
	s6 =	simm.s32 $_tile_overlayer_lowered  }
0x9b: {  	s22 =	simm.s32 $0x1BFF;
	s21 =	sshll.u32 s6, $0x1;
	s3 =	sadd.s32 s4, s19  }
0x9c: {  	s7 =	simm.s32 $0x0;
	s20 =	sshll.u32 s5, $0x1;
	s5 =	sadd.s32 s21, s3  }
0x9d: {  	[timem:s7], [sflag:s22] =	dma.local [hbm:s5], s20  }
0x9e: {  	_ =	swait.ge [sflag:s22], s20  }
0x9f: {  	s4 =	ssub.s32 $0x0, s20;
	[sflag:s22] =	ssyncset.done $0x0  }
0xa0: {  	[sflag:s22] =	ssyncadd.s32 s4;
	_ =	sdelay $0x1  }
0xa1: {  	s23 =	simm.s32 $0x1B8B  }
0xa2: {  	_ =	swait.ge [sflag:s23], $0x1  }
0xa3: {  	[sflag:s23] =	ssyncset.done $0x0  }
0xa4: {  	s25 =	simm.s32 $0x1B8E;
	s24 =	sld [smem:$0x3FFE];
	[sflag:s23] =	ssyncadd.s32 $0xFFFFFFFF  }
0xa5: {  	s26 =	simm.s32 $execute0_lowered;
	[smem:$0x3FD2] =	sst s25  }
0xa6: {  	s5 =	sshll.u32 s26, $0x1;
	_ =	strace $0x8000004C;
	[dreg:$0x1] =	wrdreg $0xFFFFFFFF  }
0xa7: {  	s28 =	simm.s32 $_size_execute0_lowered;
	s3 =	sadd.s32 s3, s5;
	[dreg:$0x0] =	wrdreg $0x0  }
0xa8: {  	s5 =	sshll.u32 s28, $0x1;
	[dreg:$0x2] =	wrdreg s3  }
0xa9: {  	[dreg:$0x3] =	wrdreg s5  }
0xaa: {  	[dreg:$0x4] =	wrdreg $0xC0  }
0xab: {  	_ =	task [dreg:s7], $0x5FFFF  }
0xac: {  	[dreg:$0x1] =	wrdreg $0xFFFFFFFF  }
0xad: {  	[dreg:$0x0] =	wrdreg $0x60  }
0xae: {  	[dreg:$0x2] =	wrdreg s2  }
0xaf: {  	[dreg:$0x3] =	wrdreg s24  }
0xb0: {  	[dreg:$0x4] =	wrdreg $0x15D000  }
0xb1: {  	[dreg:$0x5] =	wrdreg $0x9  }
0xb2: {  	_ =	task.clear_ibuf [dreg:s7], $0x6FFFF;
	_ =	strace $0x9000004C  }
0xb3: {  	s29 =	simm.s32 $0x9;
	_ =	strace $0x8000004E  }
0xb4: {  	_ =	swait.ge [sflag:s29], $0x1  }
0xb5: {  	[sflag:s29] =	ssyncadd.s32 $0xFFFFFFFF  }
0xb6: {  	_ =	strace $0x9000004E  }
0xb7: {  	_ =	sfence  }
0xb8: {  	s30 =	sld [smem:$0x0];
	_ =	sdelay $0x2  }
0xb9: {  	s31 =	sshll.u32 s1, $0xD;
	s1 =	sshrl.u32 s1, $0x2  }
0xba: {  	s3 =	sand.u32 $0x4000, s31;
	s1 =	sadd.s32 s1, s30  }
0xbb: {  	s0 =	sor.u32 s3, s0;
	s1 =	sshll.u32 s1, $0x11  }
0xbc: {  	s0 =	sor.u32 s1, s0  }
0xbd: {  	s0 =	sadd.s32 $0x8F2B, s0  }
0xbe: {  	[sflag:s0] =	ssyncadd.remote.s32 $0x1  }
0xbf: {  	_ =	sfence.sel $0xFFFF  }
0xc0: {  	[dreg:$0x0] =	wrdreg $0xFFFFFFFF;
	(pc) =	sbr.abs _section_cstart, $3  }
0xc1: {  	[dreg:$0x1] =	wrdreg $0xFFFFFFFF  }
0xc2: {  	_ =	task.clear_ibuf [dreg:s7], $0x2FFFF;
	_ =	strace $0x9FFFFFFF  }
0xc3: {  	(tm) =	ssettm $0x7FFFFFFF  }
tec
execute0_lowered:
.L_overlay_start_1:
0x0: {  	(tag) =	ssettag $0x1  }
0x1: {  	s0 =	rddreg [dreg:$0x0]  }
0x2: {  	s1 =	rddreg [dreg:$0x1];
	s9 =	stileid.u32  }
0x3: {  	s3 =	srdreg.scid;
	s2 =	rddreg [dreg:$0x2];
	s19 =	simm.s32 $0x0  }
0x4: {  	s13 =	simm.s32 $0xE;
	s15 =	simm.s32 $0x80;
	s16 =	simm.s32 $0x9D00  }
0x5: {  	s17 =	simm.s32 $0xBD00;
	s30 =	simm.s32 $0x13D00;
	s31 =	simm.s32 $0x3  }
0x6: {  	s28 =	simm.s32 $0x8;
	s18 =	simm.s32 $0x6;
	s29 =	simm.s32 $0xA  }
0x7: {  	s4 =	sand.u32 $0x1, s3;
	s6 =	smul.u32 $0xA000, s9;
	[smem:$0x7FF] =	sst s19  }
0x8: {  	s7 =	smul.u32 $0x9D0, s9;
	s20 =	sadd.s32 $0x15C00, s1;
	s22 =	sshll.u32 s9, $0x6  }
0x9: {  	s19 =	simm.s32 $0xDD00;
	s5 =	smul.u32 $0xA0000, s4;
	_ =	strace $0x8000004D  }
0xa: {  	s8 =	ssub.s32 $0x2, s4;
	[dreg:$0x4] =	wrdreg s20;
	s4 =	smul.u32 $0x13880, s4  }
0xb: {  	[dreg:$0x5] =	wrdreg s22;
	s3 =	sor.u32 $0x1C0D, s22;
	s22 =	simm.s32 $0xD  }
0xc: {  	s20 =	simm.s32 $0x4;
	s7 =	sadd.s32 s7, s1;
	s21 =	sshrl.u32 s8, $0x1  }
0xd: {  	[dreg:$0x6] =	wrdreg s3;
	s5 =	sadd.s32 s6, s5;
	s8 =	ssub.s32 s8, s21  }
0xe: {  	s6 =	sadd.s32 s6, s2;
	s23 =	sadd.s32 $0xBE00, s7;
	s24 =	sadd.s32 $0x2000, s7  }
0xf: {  	s9 =	sadd.s32 s0, s4;
	s21 =	simm.s32 $0xFD00;
	s0 =	simm.s32 $0x7  }
0x10: {  	s4 =	simm.s32 $0xB;
	s7 =	simm.s32 $0x0;
	[dreg:$0x7] =	wrdreg s23  }
.Ltmp0:
0x11: {  	s5 =	sshrl.u32 s5, $0x3;
	[dreg:$0x8] =	wrdreg s24;
	(pc) =	sbr.rel .LBB2_1-.Ltmp0, $4  }
0x12: {  	s26 =	smax.u32 s8, $0x1;
	s12 =	sshrl.u32 s6, $0x3;
	s23 =	simm.s32 $0x1  }
0x13: {  	s24 =	simm.s32 $0x9;
	s6 =	simm.s32 $0xC;
	s1 =	sadd.s32 s5, s1  }
0x14: {  	[dreg:$0xa] =	wrdreg s26;
	s26 =	simm.s32 $0x2;
	s25 =	sadd.s32 $0x17000, s1  }
0x15: {  	s1 =	simm.s32 $0x5;
	[dreg:$0x9] =	wrdreg s25;
	s25 =	simm.s32 $0x11D00  }
.LBB2_4:
0x16: {  	_ =	swait.ge [sflag:s23], $0x2000  }
0x17: {  	[sflag:s23] =	ssyncset.done $0x0  }
0x18: {  	s3 =	simm.s32 $0x9C80;
	[sflag:s23] =	ssyncadd.s32 $0xFFFFE000  }
0x19: {  	[spmem:s2] =	stream.indirect.scatter.add.f32 [tilespmem:s16], [sflag:$0x7], $0x40, s3, s15, $0xb8;
	[tilespmem:$0x1FD00] =	vst v63  }
0x1a: {  	_ =	swait.ge [sflag:s4], $0x2000  }
0x1b: {  	[sflag:s4] =	ssyncset.done $0x0  }
0x1c: {  	[sflag:s4] =	ssyncadd.s32 $0xFFFFE000  }
0x1d: {  	_ =	swait.ge [sflag:s6], $0x2000  }
0x1e: {  	[sflag:s6] =	ssyncset.done $0x0  }
0x1f: {  	[sflag:s6] =	ssyncadd.s32 $0xFFFFE000  }
0x20: {  	_ =	swait.ge [sflag:s0], $0x2000  }
0x21: {  	[sflag:s0] =	ssyncset.done $0x0  }
0x22: {  	[sflag:s0] =	ssyncadd.s32 $0xFFFFE000  }
0x23: {  	[bflag:$0x0] =	sbarrier.arrive $0xFFFF  }
0x24: {  	s11 =	rddreg [dreg:$0x5]  }
0x25: {  	s5 =	rddreg [dreg:$0x9];
	s3 =	sor.u32 $0x1C0E, s11  }
0x26: {  	[hbm:s5], [sflag:s3] =	dma.local [spmem:s12], $0x1400  }
0x27: {  	_ =	swait.ge [sflag:s13], $0x1400  }
0x28: {  	s7 =	sadd.s32 $0x1, s7;
	s14 =	rddreg [dreg:$0xa]  }
0x29: {  	p0 =	sne.s32 s7, s14  }
.Ltmp1:
0x2a: {  	_ = 	snop;
	(pc) =	sbr.rel @!p0 .LBB2_5-.Ltmp1, $3  }
0x2b: {  	_ =	sdelay $0x1  }
0x2c: {  	[sflag:s13] =	ssyncset.done $0x0  }
0x2d: {  	[sflag:s13] =	ssyncadd.s32 $0xFFFFEC00  }
.LBB2_1:
0x2e: {  	s3 =	rddreg [dreg:$0x4]  }
0x2f: {  	s5 =	rddreg [dreg:$0x6]  }
0x30: {  	[spmem:s12], [sflag:s5] =	dma.local [hbm:s3], $0x1400  }
0x31: {  	s11 =	simm.s32 $0x0;
	s5 =	rddreg [dreg:$0x7]  }
0x32: {  	[tilespmem:s11], [sflag:$0xE] =	stream.linear.gather [hbm4b:s5+s11], $0x4E80, $0x38;
	[tilespmem:$0x1FD00] =	vst v63  }
0x33: {  	_ =	swait.ge [sflag:s13], $0x4E80  }
0x34: {  	[sflag:s13] =	ssyncset.done $0x0  }
0x35: {  	s8 =	simm.s32 $0x4E80;
	s14 =	rddreg [dreg:$0x8];
	[sflag:s13] =	ssyncadd.s32 $0xFFFFB180  }
0x36: {  	[tilespmem:s8], [sflag:$0xE] =	stream.linear.gather [hbm4b:s14+s11], $0x4E80, $0x38;
	[tilespmem:$0x1FD00] =	vst v63  }
0x37: {  	_ =	swait.ge [sflag:s13], $0x4E80  }
0x38: {  	[sflag:s13] =	ssyncset.done $0x0  }
0x39: {  	[sflag:s13] =	ssyncadd.s32 $0xFFFFB180  }
0x3a: {  	[tilespmem:s16], [sflag:$0x1] =	stream.indirect.gather [hbm4b:s9+s15], $0x40, s11, s15, $0xb8;
	[tilespmem:$0x1FD00] =	vst v63  }
0x3b: {  	_ = 	snop  }
0x3c: {  	[tilespmem:s17], [sflag:$0x2] =	stream.indirect.gather [hbm4b:s9+s15], $0x40, s15, s15, $0xb8;
	[tilespmem:$0x1FD00] =	vst v63  }
0x3d: {  	s10 =	simm.s32 $0x100  }
0x3e: {  	[tilespmem:s19], [sflag:$0x3] =	stream.indirect.gather [hbm4b:s9+s15], $0x40, s10, s15, $0xb8;
	[tilespmem:$0x1FD00] =	vst v63  }
0x3f: {  	s11 =	simm.s32 $0x180  }
0x40: {  	[tilespmem:s21], [sflag:$0x4] =	stream.indirect.gather [hbm4b:s9+s15], $0x40, s11, s15, $0xb8;
	[tilespmem:$0x1FD00] =	vst v63  }
0x41: {  	_ =	swait.ge [sflag:s22], $0x1400  }
0x42: {  	[sflag:s22] =	ssyncset.done $0x0  }
0x43: {  	[sflag:s22] =	ssyncadd.s32 $0xFFFFEC00  }
0x44: {  	[bflag:$0x0] =	sbarrier.arrive $0xFFFF  }
0x45: {  	_ =	swait.ge [sflag:s23], $0x2000  }
0x46: {  	[sflag:s23] =	ssyncset.done $0x0  }
0x47: {  	[sflag:s23] =	ssyncadd.s32 $0xFFFFE000  }
0x48: {  	[spmem:s2] =	stream.indirect.scatter.add.f32 [tilespmem:s16], [sflag:$0x7], $0x40, s8, s15, $0xb8;
	[tilespmem:$0x1FD00] =	vst v63  }
0x49: {  	s14 =	simm.s32 $0x200  }
0x4a: {  	[tilespmem:s25], [sflag:$0x5] =	stream.indirect.gather [hbm4b:s9+s15], $0x40, s14, s15, $0xb8;
	[tilespmem:$0x1FD00] =	vst v63  }
0x4b: {  	_ =	swait.ge [sflag:s26], $0x2000  }
0x4c: {  	[sflag:s26] =	ssyncset.done $0x0  }
0x4d: {  	s5 =	simm.s32 $0x4F00;
	[sflag:s26] =	ssyncadd.s32 $0xFFFFE000  }
0x4e: {  	[spmem:s2] =	stream.indirect.scatter.add.f32 [tilespmem:s17], [sflag:$0x8], $0x40, s5, s15, $0xb8;
	[tilespmem:$0x1FD00] =	vst v63  }
0x4f: {  	s8 =	simm.s32 $0x280  }
0x50: {  	[tilespmem:s30], [sflag:$0x6] =	stream.indirect.gather [hbm4b:s9+s15], $0x40, s8, s15, $0xb8;
	[tilespmem:$0x1FD00] =	vst v63  }
0x51: {  	_ =	swait.ge [sflag:s31], $0x2000  }
0x52: {  	[sflag:s31] =	ssyncset.done $0x0  }
0x53: {  	s10 =	simm.s32 $0x4F80;
	[sflag:s31] =	ssyncadd.s32 $0xFFFFE000  }
0x54: {  	[spmem:s2] =	stream.indirect.scatter.add.f32 [tilespmem:s19], [sflag:$0x9], $0x40, s10, s15, $0xb8;
	[tilespmem:$0x1FD00] =	vst v63  }
0x55: {  	_ =	swait.ge [sflag:s0], $0x2000  }
0x56: {  	[sflag:s0] =	ssyncset.done $0x0  }
0x57: {  	s11 =	simm.s32 $0x300;
	[sflag:s0] =	ssyncadd.s32 $0xFFFFE000  }
0x58: {  	[tilespmem:s16], [sflag:$0x1] =	stream.indirect.gather [hbm4b:s9+s15], $0x40, s11, s15, $0xb8;
	[tilespmem:$0x1FD00] =	vst v63  }
0x59: {  	_ =	swait.ge [sflag:s20], $0x2000  }
0x5a: {  	[sflag:s20] =	ssyncset.done $0x0  }
0x5b: {  	s14 =	simm.s32 $0x5000;
	[sflag:s20] =	ssyncadd.s32 $0xFFFFE000  }
0x5c: {  	[spmem:s2] =	stream.indirect.scatter.add.f32 [tilespmem:s21], [sflag:$0xA], $0x40, s14, s15, $0xb8;
	[tilespmem:$0x1FD00] =	vst v63  }
0x5d: {  	_ =	swait.ge [sflag:s28], $0x2000  }
0x5e: {  	[sflag:s28] =	ssyncset.done $0x0  }
0x5f: {  	s5 =	simm.s32 $0x380;
	[sflag:s28] =	ssyncadd.s32 $0xFFFFE000  }
0x60: {  	[tilespmem:s17], [sflag:$0x2] =	stream.indirect.gather [hbm4b:s9+s15], $0x40, s5, s15, $0xb8;
	[tilespmem:$0x1FD00] =	vst v63  }
0x61: {  	_ =	swait.ge [sflag:s1], $0x2000  }
0x62: {  	[sflag:s1] =	ssyncset.done $0x0  }
0x63: {  	s8 =	simm.s32 $0x5080;
	[sflag:s1] =	ssyncadd.s32 $0xFFFFE000  }
0x64: {  	[spmem:s2] =	stream.indirect.scatter.add.f32 [tilespmem:s25], [sflag:$0xB], $0x40, s8, s15, $0xb8;
	[tilespmem:$0x1FD00] =	vst v63  }
0x65: {  	_ =	swait.ge [sflag:s24], $0x2000  }
0x66: {  	[sflag:s24] =	ssyncset.done $0x0  }
0x67: {  	s10 =	simm.s32 $0x400;
	[sflag:s24] =	ssyncadd.s32 $0xFFFFE000  }
0x68: {  	[tilespmem:s19], [sflag:$0x3] =	stream.indirect.gather [hbm4b:s9+s15], $0x40, s10, s15, $0xb8;
	[tilespmem:$0x1FD00] =	vst v63  }
0x69: {  	_ =	swait.ge [sflag:s18], $0x2000  }
0x6a: {  	[sflag:s18] =	ssyncset.done $0x0  }
0x6b: {  	s11 =	simm.s32 $0x5100;
	[sflag:s18] =	ssyncadd.s32 $0xFFFFE000  }
0x6c: {  	[spmem:s2] =	stream.indirect.scatter.add.f32 [tilespmem:s30], [sflag:$0xC], $0x40, s11, s15, $0xb8;
	[tilespmem:$0x1FD00] =	vst v63  }
0x6d: {  	_ =	swait.ge [sflag:s29], $0x2000  }
0x6e: {  	[sflag:s29] =	ssyncset.done $0x0  }
0x6f: {  	s14 =	simm.s32 $0x480;
	s8 =	simm.s32 $0x0;
	[sflag:s29] =	ssyncadd.s32 $0xFFFFE000  }
0x70: {  	[tilespmem:s21], [sflag:$0x4] =	stream.indirect.gather [hbm4b:s9+s15], $0x40, s14, s15, $0xb8;
	[tilespmem:$0x1FD00] =	vst v63  }
.LBB2_2:
0x71: {  	_ =	swait.ge [sflag:s23], $0x2000  }
0x72: {  	s10 =	sshra.s32 s8, $0x2;
	[sflag:s23] =	ssyncset.done $0x0  }
0x73: {  	s5 =	sadd.s32 $0x5180, s10;
	[sflag:s23] =	ssyncadd.s32 $0xFFFFE000  }
0x74: {  	[spmem:s2] =	stream.indirect.scatter.add.f32 [tilespmem:s16], [sflag:$0x7], $0x40, s5, s15, $0xb8;
	[tilespmem:$0x1FD00] =	vst v63  }
0x75: {  	_ =	swait.ge [sflag:s4], $0x2000  }
0x76: {  	[sflag:s4] =	ssyncset.done $0x0  }
0x77: {  	s14 =	sadd.s32 $0x500, s10;
	[sflag:s4] =	ssyncadd.s32 $0xFFFFE000  }
0x78: {  	[tilespmem:s25], [sflag:$0x5] =	stream.indirect.gather [hbm4b:s9+s15], $0x40, s14, s15, $0xb8;
	[tilespmem:$0x1FD00] =	vst v63  }
0x79: {  	_ =	swait.ge [sflag:s26], $0x2000  }
0x7a: {  	[sflag:s26] =	ssyncset.done $0x0  }
0x7b: {  	s3 =	sadd.s32 $0x5200, s10;
	[sflag:s26] =	ssyncadd.s32 $0xFFFFE000  }
0x7c: {  	[spmem:s2] =	stream.indirect.scatter.add.f32 [tilespmem:s17], [sflag:$0x8], $0x40, s3, s15, $0xb8;
	[tilespmem:$0x1FD00] =	vst v63  }
0x7d: {  	_ =	swait.ge [sflag:s6], $0x2000  }
0x7e: {  	[sflag:s6] =	ssyncset.done $0x0  }
0x7f: {  	s11 =	sadd.s32 $0x580, s10;
	[sflag:s6] =	ssyncadd.s32 $0xFFFFE000  }
0x80: {  	[tilespmem:s30], [sflag:$0x6] =	stream.indirect.gather [hbm4b:s9+s15], $0x40, s11, s15, $0xb8;
	[tilespmem:$0x1FD00] =	vst v63  }
0x81: {  	_ =	swait.ge [sflag:s31], $0x2000  }
0x82: {  	[sflag:s31] =	ssyncset.done $0x0  }
0x83: {  	s14 =	sadd.s32 $0x5280, s10;
	[sflag:s31] =	ssyncadd.s32 $0xFFFFE000  }
0x84: {  	[spmem:s2] =	stream.indirect.scatter.add.f32 [tilespmem:s19], [sflag:$0x9], $0x40, s14, s15, $0xb8;
	[tilespmem:$0x1FD00] =	vst v63  }
0x85: {  	_ =	swait.ge [sflag:s0], $0x2000  }
0x86: {  	[sflag:s0] =	ssyncset.done $0x0  }
0x87: {  	s3 =	sadd.s32 $0x600, s10;
	[sflag:s0] =	ssyncadd.s32 $0xFFFFE000  }
0x88: {  	[tilespmem:s16], [sflag:$0x1] =	stream.indirect.gather [hbm4b:s9+s15], $0x40, s3, s15, $0xb8;
	[tilespmem:$0x1FD00] =	vst v63  }
0x89: {  	_ =	swait.ge [sflag:s20], $0x2000  }
0x8a: {  	[sflag:s20] =	ssyncset.done $0x0  }
0x8b: {  	s11 =	sadd.s32 $0x5300, s10;
	[sflag:s20] =	ssyncadd.s32 $0xFFFFE000  }
0x8c: {  	[spmem:s2] =	stream.indirect.scatter.add.f32 [tilespmem:s21], [sflag:$0xA], $0x40, s11, s15, $0xb8;
	[tilespmem:$0x1FD00] =	vst v63  }
0x8d: {  	_ =	swait.ge [sflag:s28], $0x2000  }
0x8e: {  	p0 =	seq.s32 s8, $0x12000;
	[sflag:s28] =	ssyncset.done $0x0  }
0x8f: {  	s5 =	simm.s32 @p0 $0x5;
	[sflag:s28] =	ssyncadd.s32 $0xFFFFE000  }
0x90: {  	_ =	swait.ge @p0 [sflag:s5], $0x2000  }
0x91: {  	[sflag:s5] =	ssyncset.done @p0 $0x0  }
0x92: {  	[sflag:s5] =	ssyncadd.s32 @p0 $0xFFFFE000;
	s5 =	sshra.s32 @p0 s8, $0x2  }
0x93: {  	s14 =	simm.s32 @p0 $0x80;
	s11 =	simm.s32 @p0 $0x11D00;
	s5 =	sadd.s32 @p0 $0x5380, s5  }
0x94: {  	[spmem:s2] =	stream.indirect.scatter.add.f32 @p0 [tilespmem:s11], [sflag:$0xB], $0x40, s5, s14, $0xb8;
	[tilespmem:$0x1FD00] =	vst v63  }
0x95: {  	s5 =	simm.s32 @p0 $0x9  }
0x96: {  	_ =	swait.ge @p0 [sflag:s5], $0x2000  }
0x97: {  	[sflag:s5] =	ssyncset.done @p0 $0x0  }
0x98: {  	[sflag:s5] =	ssyncadd.s32 @p0 $0xFFFFE000;
	s5 =	sshra.s32 @!p0 s8, $0x2  }
0x99: {  	s3 =	simm.s32 @!p0 $0xBD00;
	s14 =	simm.s32 @!p0 $0x80;
	s11 =	sadd.s32 @!p0 $0x680, s5  }
0x9a: {  	[tilespmem:s3], [sflag:$0x2] =	stream.indirect.gather @!p0 [hbm4b:s9+s14], $0x40, s11, s14, $0xb8;
	[tilespmem:$0x1FD00] =	vst v63  }
0x9b: {  	s3 =	simm.s32 @!p0 $0x5  }
0x9c: {  	_ =	swait.ge @!p0 [sflag:s3], $0x2000  }
0x9d: {  	[sflag:s3] =	ssyncset.done @!p0 $0x0  }
0x9e: {  	s11 =	simm.s32 @!p0 $0x11D00;
	[sflag:s3] =	ssyncadd.s32 @!p0 $0xFFFFE000;
	s3 =	sadd.s32 @!p0 $0x5380, s5  }
0x9f: {  	[spmem:s2] =	stream.indirect.scatter.add.f32 @!p0 [tilespmem:s11], [sflag:$0xB], $0x40, s3, s14, $0xb8;
	[tilespmem:$0x1FD00] =	vst v63  }
0xa0: {  	s3 =	simm.s32 @!p0 $0x9  }
0xa1: {  	_ =	swait.ge @!p0 [sflag:s3], $0x2000  }
0xa2: {  	[sflag:s3] =	ssyncset.done @!p0 $0x0  }
0xa3: {  	[sflag:s3] =	ssyncadd.s32 @!p0 $0xFFFFE000;
	s3 =	sadd.s32 @!p0 $0x700, s5;
	s5 =	simm.s32 @!p0 $0xDD00  }
0xa4: {  	[tilespmem:s5], [sflag:$0x3] =	stream.indirect.gather @!p0 [hbm4b:s9+s14], $0x40, s3, s14, $0xb8;
	[tilespmem:$0x1FD00] =	vst v63  }
0xa5: {  	_ =	swait.ge [sflag:s18], $0x2000  }
0xa6: {  	[sflag:s18] =	ssyncset.done $0x0  }
.Ltmp2:
0xa7: {  	s14 =	sadd.s32 $0x5400, s10;
	[sflag:s18] =	ssyncadd.s32 $0xFFFFE000;
	(pc) =	sbr.rel @p0 .LBB2_4-.Ltmp2, $4  }
0xa8: {  	[spmem:s2] =	stream.indirect.scatter.add.f32 [tilespmem:s30], [sflag:$0xC], $0x40, s14, s15, $0xb8;
	[tilespmem:$0x1FD00] =	vst v63  }
0xa9: {  	_ =	swait.ge [sflag:s29], $0x2000  }
0xaa: {  	[sflag:s29] =	ssyncset.done $0x0  }
0xab: {  	[sflag:s29] =	ssyncadd.s32 $0xFFFFE000  }
.Ltmp3:
0xac: {  	(pc) =	sbr.rel .LBB2_2-.Ltmp3, $3  }
0xad: {  	_ =	sdelay $0x1  }
0xae: {  	s3 =	sadd.s32 $0x780, s10;
	s8 =	sadd.s32 $0xC00, s8  }
0xaf: {  	[tilespmem:s21], [sflag:$0x4] =	stream.indirect.gather [hbm4b:s9+s15], $0x40, s3, s15, $0xb8;
	[tilespmem:$0x1FD00] =	vst v63  }
.LBB2_5:
0xb0: {  	_ =	sfence.sel $0x180000  }
0xb1: {  	[bflag:$0x0] =	sbarrier.arrive $0xFFFF  }
0xb2: {  	_ =	strace $0x9000004D  }
0xb3: {  	s0 =	stileid.u32;
	[bflag:$0x2] =	sbarrier.arrive $0xFFFF  }
0xb4: {  	p0 =	sne.s32 s0, $0x0;
	s0 =	rddreg [dreg:$0x3]  }
0xb5: {  	s0 =	sadd.s32 @!p0 $0x100000, s0  }
0xb6: {  	[sflag:s0] =	ssyncadd.tile.s32 @!p0 $0x1;
	_ =	shalt  }
.Lfunc_end2:
_tile_overlayer_lowered:
.L_overlay_start_2:
0xb7: {  	(tag) =	ssettag $0x2  }
0xb8: {  	s0 =	rddreg [dreg:$0x0];
	s2 =	stileid.u32  }
0xb9: {  	s1 =	rddreg [dreg:$0x1];
	p0 =	sne.s32 s2, $0x0  }
0xba: {  	s3 =	rddreg [dreg:$0x2];
	[bflag:$0x3] =	sbarrier.arrive $0xFFFF;
	s2 =	simm.s32 @!p0 $0x1C0E  }
0xbb: {  	[timem:s3], [sflag:s2] =	dma.local @!p0 [hbm:s0], s1  }
0xbc: {  	s0 =	simm.s32 @!p0 $0xE  }
0xbd: {  	_ =	swait.ge @!p0 [sflag:s0], s1  }
0xbe: {  	s1 =	ssub.s32 @!p0 $0x0, s1;
	[sflag:s0] =	ssyncset.done @!p0 $0x0  }
0xbf: {  	[sflag:s0] =	ssyncadd.s32 @!p0 s1  }
0xc0: {  	[bflag:$0x3] =	sbarrier.arrive $0xFFFF  }
0xc1: {  	_ =	shalt  }

// kernel: kernel.8.cloned.1.call-start
scs
__scs_entry_jumppad:
0x0: {  	(pc) =	sbr.rel $0x88, $3  }
0x1: {  	(tag) =	ssettag $0x0;
	lr =	simm.s32 $0x1  }
0x2: {  	[smem:$0x3F93] =	sst lr;
	_ =	strace $0xD0000000  }
0x3: {  	_ = 	snop  }
0x4: {  	_ = 	snop  }
0x5: {  	_ = 	snop  }
0x6: {  	_ = 	snop  }
0x7: {  	_ = 	snop  }
__scs_overlays_trampoline_lowered:
0x8: {  	[smem:$0x3FA2] =	sst s0  }
0x9: {  	[smem:$0x3FA3] =	sst s1  }
0xa: {  	[smem:$0x3FA4] =	sst s2  }
0xb: {  	[smem:$0x3FA5] =	sst s3  }
0xc: {  	[smem:$0x3FA6] =	sst s4  }
0xd: {  	[smem:$0x3FA7] =	sst s5  }
0xe: {  	[smem:$0x3FA8] =	sst s6  }
0xf: {  	[smem:$0x3FA9] =	sst s7  }
0x10: {  	[smem:$0x3FAA] =	sst s8  }
0x11: {  	[smem:$0x3FAB] =	sst s9;
	s0 =	simm.s32 @!p0 $0x0  }
0x12: {  	s1 =	sld [smem:$0x3F91];
	s0 =	simm.s32 @p0 $0x1  }
0x13: {  	[smem:$0x3FAC] =	sst s0;
	s0 =	simm.s32 @!p1 $0x0  }
0x14: {  	s2 =	sld [smem:$0x3F90];
	s0 =	simm.s32 @p1 $0x1  }
0x15: {  	[smem:$0x3FAD] =	sst s0;
	s0 =	simm.s32 @!p2 $0x0  }
0x16: {  	s3 =	sld [smem:$0x3FDB];
	s0 =	simm.s32 @p2 $0x1  }
0x17: {  	s4 =	simm.s32 $0x1BF5;
	[smem:$0x3FAF] =	sst s0  }
0x18: {  	s0 =	sld [smem:$0x3F92];
	_ =	swait.ge [sflag:s4], $0x0  }
0x19: {  	s7 =	sld [smem:$0x3F93]  }
0x1a: {  	s8 =	sadd.s32 $0xFFFFE003, lr  }
0x1b: {  	s9 =	sadd.s32 $0xFFFFFEF7, lr;
	s5 =	simm.s32 $0xFFFFFFFF;
	p2 =	slt.u32 s8, $0xFFFFF086  }
0x1c: {  	p1 =	slt.u32 s9, $0xF7A;
	s5 =	simm.s32 @!p2 $0x0  }
0x1d: {  	s5 =	simm.s32 @p1 $0x1;
	p0 =	seq.s32 s7, s2  }
0x1e: {  	s7 =	smul.u32 @!p0 $0xF7A, s2;
	p2 =	seq.s32 @!p0 s5, $0x0  }
0x1f: {  	s9 =	smul.u32 $0xF7A, s1;
	s8 =	simm.s32 @!p0 $0x1BF5;
	p2 =	por !p2, p0  }
0x20: {  	[sflag:s8] =	ssyncset.s32 @!p0 $0xFFFFF086;
	s6 =	sadd.s32 @!p0 s3, s7;
	s7 =	simm.s32 @!p0 $0x108  }
0x21: {  	s3 =	sadd.s32 s3, s9;
	s6 =	sadd.s32 @!p0 $0x88, s6;
	s7 =	simm.s32 @p2 $0x1082  }
0x22: {  	[simem:s7], [sflag:s8] =	dma.local @!p0 [hbm:s6], $0xF7A  }
0x23: {  	s9 =	sor.u32 $0xD0000000, s2;
	s6 =	simm.s32 $0x108;
	_ =	swait.ge @!p0 [sflag:s8], $0x0  }
0x24: {  	s3 =	sadd.s32 $0x88, s3;
	s6 =	simm.s32 @!p1 $0x1082;
	[sflag:s4] =	ssyncset.s32 $0xFFFFF086  }
0x25: {  	[simem:s6], [sflag:s4] =	dma.local [hbm:s3], $0xF7A  }
0x26: {  	[smem:$0x3F93] =	sst s1;
	(tag) =	ssettag s2;
	_ =	strace s9  }
0x27: {  	s1 =	sld [smem:$0x3FA3]  }
0x28: {  	s2 =	sld [smem:$0x3FA4]  }
0x29: {  	s4 =	sld [smem:$0x3FA6]  }
0x2a: {  	p0 =	seq.s32 s5, $0x0;
	s5 =	sld [smem:$0x3FA7]  }
0x2b: {  	s6 =	sld [smem:$0x3FA8]  }
0x2c: {  	s7 =	sld [smem:$0x3FA9]  }
0x2d: {  	s3 =	simm.s32 $0x108;
	s8 =	sld [smem:$0x3FAA]  }
0x2e: {  	s3 =	simm.s32 @!p0 $0x1082;
	s9 =	sld [smem:$0x3FAB]  }
0x2f: {  	lr =	sadd.s32 s0, s3;
	s0 =	sld [smem:$0x3FA2]  }
0x30: {  	s3 =	sld [smem:$0x3FA5]  }
0x31: {  	[smem:$0x3FAE] =	sst s10  }
0x32: {  	s10 =	sld [smem:$0x3FAC];
	_ =	sdelay $0x3  }
0x33: {  	p0 =	seq.s32 s10, $0x1;
	s10 =	sld [smem:$0x3FAE];
	_ =	sdelay $0x3  }
0x34: {  	[smem:$0x3FAE] =	sst s10  }
0x35: {  	s10 =	sld [smem:$0x3FAD];
	_ =	sdelay $0x3  }
0x36: {  	p1 =	seq.s32 s10, $0x1;
	s10 =	sld [smem:$0x3FAE];
	_ =	sdelay $0x3  }
0x37: {  	[smem:$0x3FAE] =	sst s10  }
0x38: {  	s10 =	sld [smem:$0x3FAF]  }
0x39: {  	_ = 	snop;
	(pc) =	sbr.ind lr, $3  }
0x3a: {  	_ = 	snop  }
0x3b: {  	_ = 	snop  }
0x3c: {  	p2 =	seq.s32 s10, $0x1;
	s10 =	sld [smem:$0x3FAE]  }
0x3d: {  	_ =	shalt  }
0x3e: {  	_ =	shalt  }
0x3f: {  	_ =	shalt  }
0x40: {  	_ =	shalt  }
0x41: {  	_ =	shalt  }
0x42: {  	_ =	shalt  }
0x43: {  	_ =	shalt  }
0x44: {  	_ =	shalt  }
0x45: {  	_ =	shalt  }
0x46: {  	_ =	shalt  }
0x47: {  	_ =	shalt  }
0x48: {  	_ =	shalt  }
0x49: {  	_ =	shalt  }
0x4a: {  	_ =	shalt  }
0x4b: {  	_ =	shalt  }
0x4c: {  	_ =	shalt  }
0x4d: {  	_ =	shalt  }
0x4e: {  	_ =	shalt  }
0x4f: {  	_ =	shalt  }
0x50: {  	_ =	shalt  }
0x51: {  	_ =	shalt  }
0x52: {  	_ =	shalt  }
0x53: {  	_ =	shalt  }
0x54: {  	_ =	shalt  }
0x55: {  	_ =	shalt  }
0x56: {  	_ =	shalt  }
0x57: {  	_ =	shalt  }
0x58: {  	_ =	shalt  }
0x59: {  	_ =	shalt  }
0x5a: {  	_ =	shalt  }
0x5b: {  	_ =	shalt  }
0x5c: {  	_ =	shalt  }
0x5d: {  	_ =	shalt  }
0x5e: {  	_ =	shalt  }
0x5f: {  	_ =	shalt  }
0x60: {  	_ =	shalt  }
0x61: {  	_ =	shalt  }
0x62: {  	_ =	shalt  }
0x63: {  	_ =	shalt  }
0x64: {  	_ =	shalt  }
0x65: {  	_ =	shalt  }
0x66: {  	_ =	shalt  }
0x67: {  	_ =	shalt  }
0x68: {  	_ =	shalt  }
0x69: {  	_ =	shalt  }
0x6a: {  	_ =	shalt  }
0x6b: {  	_ =	shalt  }
0x6c: {  	_ =	shalt  }
0x6d: {  	_ =	shalt  }
0x6e: {  	_ =	shalt  }
0x6f: {  	_ =	shalt  }
0x70: {  	_ =	shalt  }
0x71: {  	_ =	shalt  }
0x72: {  	_ =	shalt  }
0x73: {  	_ =	shalt  }
0x74: {  	_ =	shalt  }
0x75: {  	_ =	shalt  }
0x76: {  	_ =	shalt  }
0x77: {  	_ =	shalt  }
0x78: {  	_ =	shalt  }
0x79: {  	_ =	shalt  }
0x7a: {  	_ =	shalt  }
0x7b: {  	_ =	shalt  }
0x7c: {  	_ =	shalt  }
0x7d: {  	_ =	shalt  }
0x7e: {  	_ =	shalt  }
0x7f: {  	_ =	shalt  }
0x80: {  	_ =	shalt  }
0x81: {  	_ =	shalt  }
0x82: {  	_ =	shalt  }
0x83: {  	_ =	shalt  }
0x84: {  	_ =	shalt  }
0x85: {  	_ =	shalt  }
0x86: {  	_ =	shalt  }
0x87: {  	_ =	shalt  }
.Lfunc_end0:
.L_simem_size_0:
called_computation_lowered:
.L_overlay_start_0:
0x88: {  	s2 =	sld [smem:$0x3FD9]  }
0x89: {  	s3 =	sld [smem:$0x3FFE];
	_ =	sdelay $0x1  }
0x8a: {  	s1 =	srdreg.scid  }
0x8b: {  	s0 =	sand.u32 $0x1, s1  }
0x8c: {  	s17 =	sshll.u32 s0, $0xA;
	s2 =	sadd.s32 s3, s2  }
0x8d: {  	s2 =	sadd.s32 s2, s17  }
0x8e: {  	[smem:$0x3FBA] =	sst s2  }
0x8f: {  	_ = 	snop  }
0x90: {  	s2 =	sld [smem:$0x3FD0];
	(tm) =	ssettm $0x1  }
0x91: {  	s18 =	sld [smem:$0x3FFB];
	_ =	sdelay $0x3  }
0x92: {  	_ =	strace s18  }
0x93: {  	s3 =	sld [smem:$0x3FFC];
	_ =	sdelay $0x3  }
0x94: {  	_ =	strace s3  }
0x95: {  	s3 =	sld [smem:$0x3FFD];
	_ =	sdelay $0x3  }
0x96: {  	_ =	strace s3  }
0x97: {  	_ =	strace $0x8FFFFFFF  }
0x98: {  	s19 =	sld [smem:$0x3FDB];
	_ =	sdelay $0x1  }
0x99: {  	s4 =	simm.s32 $_scs_section_size  }
0x9a: {  	s5 =	simm.s32 $_size__tile_overlayer_lowered;
	s6 =	simm.s32 $_tile_overlayer_lowered  }
0x9b: {  	s22 =	simm.s32 $0x1BFF;
	s21 =	sshll.u32 s6, $0x1;
	s3 =	sadd.s32 s4, s19  }
0x9c: {  	s7 =	simm.s32 $0x0;
	s20 =	sshll.u32 s5, $0x1;
	s5 =	sadd.s32 s21, s3  }
0x9d: {  	[timem:s7], [sflag:s22] =	dma.local [hbm:s5], s20  }
0x9e: {  	_ =	swait.ge [sflag:s22], s20  }
0x9f: {  	s4 =	ssub.s32 $0x0, s20;
	[sflag:s22] =	ssyncset.done $0x0  }
0xa0: {  	[sflag:s22] =	ssyncadd.s32 s4;
	_ =	sdelay $0x1  }
0xa1: {  	s23 =	simm.s32 $0x1B8B  }
0xa2: {  	_ =	swait.ge [sflag:s23], $0x1  }
0xa3: {  	[sflag:s23] =	ssyncset.done $0x0  }
0xa4: {  	s25 =	simm.s32 $0x1B8E;
	s24 =	sld [smem:$0x3FFE];
	[sflag:s23] =	ssyncadd.s32 $0xFFFFFFFF  }
0xa5: {  	s26 =	simm.s32 $execute0_lowered;
	[smem:$0x3FD2] =	sst s25  }
0xa6: {  	s5 =	sshll.u32 s26, $0x1;
	_ =	strace $0x80000046;
	[dreg:$0x1] =	wrdreg $0xFFFFFFFF  }
0xa7: {  	s28 =	simm.s32 $_size_execute0_lowered;
	s3 =	sadd.s32 s3, s5;
	[dreg:$0x0] =	wrdreg $0x0  }
0xa8: {  	s5 =	sshll.u32 s28, $0x1;
	[dreg:$0x2] =	wrdreg s3  }
0xa9: {  	[dreg:$0x3] =	wrdreg s5  }
0xaa: {  	[dreg:$0x4] =	wrdreg $0xC0  }
0xab: {  	_ =	task [dreg:s7], $0x5FFFF  }
0xac: {  	[dreg:$0x1] =	wrdreg $0xFFFFFFFF  }
0xad: {  	[dreg:$0x0] =	wrdreg $0x60  }
0xae: {  	[dreg:$0x2] =	wrdreg s2  }
0xaf: {  	[dreg:$0x3] =	wrdreg s24  }
0xb0: {  	[dreg:$0x4] =	wrdreg $0x15D000  }
0xb1: {  	[dreg:$0x5] =	wrdreg $0x9  }
0xb2: {  	_ =	task.clear_ibuf [dreg:s7], $0x6FFFF;
	_ =	strace $0x90000046  }
0xb3: {  	s29 =	simm.s32 $0x9;
	_ =	strace $0x80000048  }
0xb4: {  	_ =	swait.ge [sflag:s29], $0x1  }
0xb5: {  	[sflag:s29] =	ssyncadd.s32 $0xFFFFFFFF  }
0xb6: {  	_ =	strace $0x90000048  }
0xb7: {  	_ =	sfence  }
0xb8: {  	s30 =	sld [smem:$0x0];
	_ =	sdelay $0x2  }
0xb9: {  	s31 =	sshll.u32 s1, $0xD;
	s1 =	sshrl.u32 s1, $0x2  }
0xba: {  	s3 =	sand.u32 $0x4000, s31;
	s1 =	sadd.s32 s1, s30  }
0xbb: {  	s0 =	sor.u32 s3, s0;
	s1 =	sshll.u32 s1, $0x11  }
0xbc: {  	s0 =	sor.u32 s1, s0  }
0xbd: {  	s0 =	sadd.s32 $0x8F2B, s0  }
0xbe: {  	[sflag:s0] =	ssyncadd.remote.s32 $0x1  }
0xbf: {  	_ =	sfence.sel $0xFFFF  }
0xc0: {  	[dreg:$0x0] =	wrdreg $0xFFFFFFFF;
	(pc) =	sbr.abs _section_cstart, $3  }
0xc1: {  	[dreg:$0x1] =	wrdreg $0xFFFFFFFF  }
0xc2: {  	_ =	task.clear_ibuf [dreg:s7], $0x2FFFF;
	_ =	strace $0x9FFFFFFF  }
0xc3: {  	(tm) =	ssettm $0x7FFFFFFF  }
tec
execute0_lowered:
.L_overlay_start_1:
0x0: {  	(tag) =	ssettag $0x1  }
0x1: {  	s0 =	rddreg [dreg:$0x0]  }
0x2: {  	s1 =	rddreg [dreg:$0x1];
	s9 =	stileid.u32  }
0x3: {  	s3 =	srdreg.scid;
	s2 =	rddreg [dreg:$0x2];
	s19 =	simm.s32 $0x0  }
0x4: {  	s13 =	simm.s32 $0xE;
	s15 =	simm.s32 $0x80;
	s16 =	simm.s32 $0x9D00  }
0x5: {  	s17 =	simm.s32 $0xBD00;
	s30 =	simm.s32 $0x13D00;
	s31 =	simm.s32 $0x3  }
0x6: {  	s28 =	simm.s32 $0x8;
	s18 =	simm.s32 $0x6;
	s29 =	simm.s32 $0xA  }
0x7: {  	s4 =	sand.u32 $0x1, s3;
	s6 =	smul.u32 $0xA000, s9;
	[smem:$0x7FF] =	sst s19  }
0x8: {  	s7 =	smul.u32 $0x9D0, s9;
	s20 =	sadd.s32 $0x15C00, s1;
	s22 =	sshll.u32 s9, $0x6  }
0x9: {  	s19 =	simm.s32 $0xDD00;
	s5 =	smul.u32 $0xA0000, s4;
	_ =	strace $0x80000047  }
0xa: {  	s8 =	ssub.s32 $0x2, s4;
	[dreg:$0x4] =	wrdreg s20;
	s4 =	smul.u32 $0x13880, s4  }
0xb: {  	[dreg:$0x5] =	wrdreg s22;
	s3 =	sor.u32 $0x1C0D, s22;
	s22 =	simm.s32 $0xD  }
0xc: {  	s20 =	simm.s32 $0x4;
	s7 =	sadd.s32 s7, s1;
	s21 =	sshrl.u32 s8, $0x1  }
0xd: {  	[dreg:$0x6] =	wrdreg s3;
	s5 =	sadd.s32 s6, s5;
	s8 =	ssub.s32 s8, s21  }
0xe: {  	s6 =	sadd.s32 s6, s2;
	s23 =	sadd.s32 $0xBE00, s7;
	s24 =	sadd.s32 $0x2000, s7  }
0xf: {  	s9 =	sadd.s32 s0, s4;
	s21 =	simm.s32 $0xFD00;
	s0 =	simm.s32 $0x7  }
0x10: {  	s4 =	simm.s32 $0xB;
	s7 =	simm.s32 $0x0;
	[dreg:$0x7] =	wrdreg s23  }
.Ltmp0:
0x11: {  	s5 =	sshrl.u32 s5, $0x3;
	[dreg:$0x8] =	wrdreg s24;
	(pc) =	sbr.rel .LBB2_1-.Ltmp0, $4  }
0x12: {  	s26 =	smax.u32 s8, $0x1;
	s12 =	sshrl.u32 s6, $0x3;
	s23 =	simm.s32 $0x1  }
0x13: {  	s24 =	simm.s32 $0x9;
	s6 =	simm.s32 $0xC;
	s1 =	sadd.s32 s5, s1  }
0x14: {  	[dreg:$0xa] =	wrdreg s26;
	s26 =	simm.s32 $0x2;
	s25 =	sadd.s32 $0x17000, s1  }
0x15: {  	s1 =	simm.s32 $0x5;
	[dreg:$0x9] =	wrdreg s25;
	s25 =	simm.s32 $0x11D00  }
.LBB2_4:
0x16: {  	_ =	swait.ge [sflag:s23], $0x2000  }
0x17: {  	[sflag:s23] =	ssyncset.done $0x0  }
0x18: {  	s3 =	simm.s32 $0x9C80;
	[sflag:s23] =	ssyncadd.s32 $0xFFFFE000  }
0x19: {  	[spmem:s2] =	stream.indirect.scatter.add.f32 [tilespmem:s16], [sflag:$0x7], $0x40, s3, s15, $0xb8;
	[tilespmem:$0x1FD00] =	vst v63  }
0x1a: {  	_ =	swait.ge [sflag:s4], $0x2000  }
0x1b: {  	[sflag:s4] =	ssyncset.done $0x0  }
0x1c: {  	[sflag:s4] =	ssyncadd.s32 $0xFFFFE000  }
0x1d: {  	_ =	swait.ge [sflag:s6], $0x2000  }
0x1e: {  	[sflag:s6] =	ssyncset.done $0x0  }
0x1f: {  	[sflag:s6] =	ssyncadd.s32 $0xFFFFE000  }
0x20: {  	_ =	swait.ge [sflag:s0], $0x2000  }
0x21: {  	[sflag:s0] =	ssyncset.done $0x0  }
0x22: {  	[sflag:s0] =	ssyncadd.s32 $0xFFFFE000  }
0x23: {  	[bflag:$0x0] =	sbarrier.arrive $0xFFFF  }
0x24: {  	s11 =	rddreg [dreg:$0x5]  }
0x25: {  	s5 =	rddreg [dreg:$0x9];
	s3 =	sor.u32 $0x1C0E, s11  }
0x26: {  	[hbm:s5], [sflag:s3] =	dma.local [spmem:s12], $0x1400  }
0x27: {  	_ =	swait.ge [sflag:s13], $0x1400  }
0x28: {  	s7 =	sadd.s32 $0x1, s7;
	s14 =	rddreg [dreg:$0xa]  }
0x29: {  	p0 =	sne.s32 s7, s14  }
.Ltmp1:
0x2a: {  	_ = 	snop;
	(pc) =	sbr.rel @!p0 .LBB2_5-.Ltmp1, $3  }
0x2b: {  	_ =	sdelay $0x1  }
0x2c: {  	[sflag:s13] =	ssyncset.done $0x0  }
0x2d: {  	[sflag:s13] =	ssyncadd.s32 $0xFFFFEC00  }
.LBB2_1:
0x2e: {  	s3 =	rddreg [dreg:$0x4]  }
0x2f: {  	s5 =	rddreg [dreg:$0x6]  }
0x30: {  	[spmem:s12], [sflag:s5] =	dma.local [hbm:s3], $0x1400  }
0x31: {  	s11 =	simm.s32 $0x0;
	s5 =	rddreg [dreg:$0x7]  }
0x32: {  	[tilespmem:s11], [sflag:$0xE] =	stream.linear.gather [hbm4b:s5+s11], $0x4E80, $0x38;
	[tilespmem:$0x1FD00] =	vst v63  }
0x33: {  	_ =	swait.ge [sflag:s13], $0x4E80  }
0x34: {  	[sflag:s13] =	ssyncset.done $0x0  }
0x35: {  	s8 =	simm.s32 $0x4E80;
	s14 =	rddreg [dreg:$0x8];
	[sflag:s13] =	ssyncadd.s32 $0xFFFFB180  }
0x36: {  	[tilespmem:s8], [sflag:$0xE] =	stream.linear.gather [hbm4b:s14+s11], $0x4E80, $0x38;
	[tilespmem:$0x1FD00] =	vst v63  }
0x37: {  	_ =	swait.ge [sflag:s13], $0x4E80  }
0x38: {  	[sflag:s13] =	ssyncset.done $0x0  }
0x39: {  	[sflag:s13] =	ssyncadd.s32 $0xFFFFB180  }
0x3a: {  	[tilespmem:s16], [sflag:$0x1] =	stream.indirect.gather [hbm4b:s9+s15], $0x40, s11, s15, $0xb8;
	[tilespmem:$0x1FD00] =	vst v63  }
0x3b: {  	_ = 	snop  }
0x3c: {  	[tilespmem:s17], [sflag:$0x2] =	stream.indirect.gather [hbm4b:s9+s15], $0x40, s15, s15, $0xb8;
	[tilespmem:$0x1FD00] =	vst v63  }
0x3d: {  	s10 =	simm.s32 $0x100  }
0x3e: {  	[tilespmem:s19], [sflag:$0x3] =	stream.indirect.gather [hbm4b:s9+s15], $0x40, s10, s15, $0xb8;
	[tilespmem:$0x1FD00] =	vst v63  }
0x3f: {  	s11 =	simm.s32 $0x180  }
0x40: {  	[tilespmem:s21], [sflag:$0x4] =	stream.indirect.gather [hbm4b:s9+s15], $0x40, s11, s15, $0xb8;
	[tilespmem:$0x1FD00] =	vst v63  }
0x41: {  	_ =	swait.ge [sflag:s22], $0x1400  }
0x42: {  	[sflag:s22] =	ssyncset.done $0x0  }
0x43: {  	[sflag:s22] =	ssyncadd.s32 $0xFFFFEC00  }
0x44: {  	[bflag:$0x0] =	sbarrier.arrive $0xFFFF  }
0x45: {  	_ =	swait.ge [sflag:s23], $0x2000  }
0x46: {  	[sflag:s23] =	ssyncset.done $0x0  }
0x47: {  	[sflag:s23] =	ssyncadd.s32 $0xFFFFE000  }
0x48: {  	[spmem:s2] =	stream.indirect.scatter.add.f32 [tilespmem:s16], [sflag:$0x7], $0x40, s8, s15, $0xb8;
	[tilespmem:$0x1FD00] =	vst v63  }
0x49: {  	s14 =	simm.s32 $0x200  }
0x4a: {  	[tilespmem:s25], [sflag:$0x5] =	stream.indirect.gather [hbm4b:s9+s15], $0x40, s14, s15, $0xb8;
	[tilespmem:$0x1FD00] =	vst v63  }
0x4b: {  	_ =	swait.ge [sflag:s26], $0x2000  }
0x4c: {  	[sflag:s26] =	ssyncset.done $0x0  }
0x4d: {  	s5 =	simm.s32 $0x4F00;
	[sflag:s26] =	ssyncadd.s32 $0xFFFFE000  }
0x4e: {  	[spmem:s2] =	stream.indirect.scatter.add.f32 [tilespmem:s17], [sflag:$0x8], $0x40, s5, s15, $0xb8;
	[tilespmem:$0x1FD00] =	vst v63  }
0x4f: {  	s8 =	simm.s32 $0x280  }
0x50: {  	[tilespmem:s30], [sflag:$0x6] =	stream.indirect.gather [hbm4b:s9+s15], $0x40, s8, s15, $0xb8;
	[tilespmem:$0x1FD00] =	vst v63  }
0x51: {  	_ =	swait.ge [sflag:s31], $0x2000  }
0x52: {  	[sflag:s31] =	ssyncset.done $0x0  }
0x53: {  	s10 =	simm.s32 $0x4F80;
	[sflag:s31] =	ssyncadd.s32 $0xFFFFE000  }
0x54: {  	[spmem:s2] =	stream.indirect.scatter.add.f32 [tilespmem:s19], [sflag:$0x9], $0x40, s10, s15, $0xb8;
	[tilespmem:$0x1FD00] =	vst v63  }
0x55: {  	_ =	swait.ge [sflag:s0], $0x2000  }
0x56: {  	[sflag:s0] =	ssyncset.done $0x0  }
0x57: {  	s11 =	simm.s32 $0x300;
	[sflag:s0] =	ssyncadd.s32 $0xFFFFE000  }
0x58: {  	[tilespmem:s16], [sflag:$0x1] =	stream.indirect.gather [hbm4b:s9+s15], $0x40, s11, s15, $0xb8;
	[tilespmem:$0x1FD00] =	vst v63  }
0x59: {  	_ =	swait.ge [sflag:s20], $0x2000  }
0x5a: {  	[sflag:s20] =	ssyncset.done $0x0  }
0x5b: {  	s14 =	simm.s32 $0x5000;
	[sflag:s20] =	ssyncadd.s32 $0xFFFFE000  }
0x5c: {  	[spmem:s2] =	stream.indirect.scatter.add.f32 [tilespmem:s21], [sflag:$0xA], $0x40, s14, s15, $0xb8;
	[tilespmem:$0x1FD00] =	vst v63  }
0x5d: {  	_ =	swait.ge [sflag:s28], $0x2000  }
0x5e: {  	[sflag:s28] =	ssyncset.done $0x0  }
0x5f: {  	s5 =	simm.s32 $0x380;
	[sflag:s28] =	ssyncadd.s32 $0xFFFFE000  }
0x60: {  	[tilespmem:s17], [sflag:$0x2] =	stream.indirect.gather [hbm4b:s9+s15], $0x40, s5, s15, $0xb8;
	[tilespmem:$0x1FD00] =	vst v63  }
0x61: {  	_ =	swait.ge [sflag:s1], $0x2000  }
0x62: {  	[sflag:s1] =	ssyncset.done $0x0  }
0x63: {  	s8 =	simm.s32 $0x5080;
	[sflag:s1] =	ssyncadd.s32 $0xFFFFE000  }
0x64: {  	[spmem:s2] =	stream.indirect.scatter.add.f32 [tilespmem:s25], [sflag:$0xB], $0x40, s8, s15, $0xb8;
	[tilespmem:$0x1FD00] =	vst v63  }
0x65: {  	_ =	swait.ge [sflag:s24], $0x2000  }
0x66: {  	[sflag:s24] =	ssyncset.done $0x0  }
0x67: {  	s10 =	simm.s32 $0x400;
	[sflag:s24] =	ssyncadd.s32 $0xFFFFE000  }
0x68: {  	[tilespmem:s19], [sflag:$0x3] =	stream.indirect.gather [hbm4b:s9+s15], $0x40, s10, s15, $0xb8;
	[tilespmem:$0x1FD00] =	vst v63  }
0x69: {  	_ =	swait.ge [sflag:s18], $0x2000  }
0x6a: {  	[sflag:s18] =	ssyncset.done $0x0  }
0x6b: {  	s11 =	simm.s32 $0x5100;
	[sflag:s18] =	ssyncadd.s32 $0xFFFFE000  }
0x6c: {  	[spmem:s2] =	stream.indirect.scatter.add.f32 [tilespmem:s30], [sflag:$0xC], $0x40, s11, s15, $0xb8;
	[tilespmem:$0x1FD00] =	vst v63  }
0x6d: {  	_ =	swait.ge [sflag:s29], $0x2000  }
0x6e: {  	[sflag:s29] =	ssyncset.done $0x0  }
0x6f: {  	s14 =	simm.s32 $0x480;
	s8 =	simm.s32 $0x0;
	[sflag:s29] =	ssyncadd.s32 $0xFFFFE000  }
0x70: {  	[tilespmem:s21], [sflag:$0x4] =	stream.indirect.gather [hbm4b:s9+s15], $0x40, s14, s15, $0xb8;
	[tilespmem:$0x1FD00] =	vst v63  }
.LBB2_2:
0x71: {  	_ =	swait.ge [sflag:s23], $0x2000  }
0x72: {  	s10 =	sshra.s32 s8, $0x2;
	[sflag:s23] =	ssyncset.done $0x0  }
0x73: {  	s5 =	sadd.s32 $0x5180, s10;
	[sflag:s23] =	ssyncadd.s32 $0xFFFFE000  }
0x74: {  	[spmem:s2] =	stream.indirect.scatter.add.f32 [tilespmem:s16], [sflag:$0x7], $0x40, s5, s15, $0xb8;
	[tilespmem:$0x1FD00] =	vst v63  }
0x75: {  	_ =	swait.ge [sflag:s4], $0x2000  }
0x76: {  	[sflag:s4] =	ssyncset.done $0x0  }
0x77: {  	s14 =	sadd.s32 $0x500, s10;
	[sflag:s4] =	ssyncadd.s32 $0xFFFFE000  }
0x78: {  	[tilespmem:s25], [sflag:$0x5] =	stream.indirect.gather [hbm4b:s9+s15], $0x40, s14, s15, $0xb8;
	[tilespmem:$0x1FD00] =	vst v63  }
0x79: {  	_ =	swait.ge [sflag:s26], $0x2000  }
0x7a: {  	[sflag:s26] =	ssyncset.done $0x0  }
0x7b: {  	s3 =	sadd.s32 $0x5200, s10;
	[sflag:s26] =	ssyncadd.s32 $0xFFFFE000  }
0x7c: {  	[spmem:s2] =	stream.indirect.scatter.add.f32 [tilespmem:s17], [sflag:$0x8], $0x40, s3, s15, $0xb8;
	[tilespmem:$0x1FD00] =	vst v63  }
0x7d: {  	_ =	swait.ge [sflag:s6], $0x2000  }
0x7e: {  	[sflag:s6] =	ssyncset.done $0x0  }
0x7f: {  	s11 =	sadd.s32 $0x580, s10;
	[sflag:s6] =	ssyncadd.s32 $0xFFFFE000  }
0x80: {  	[tilespmem:s30], [sflag:$0x6] =	stream.indirect.gather [hbm4b:s9+s15], $0x40, s11, s15, $0xb8;
	[tilespmem:$0x1FD00] =	vst v63  }
0x81: {  	_ =	swait.ge [sflag:s31], $0x2000  }
0x82: {  	[sflag:s31] =	ssyncset.done $0x0  }
0x83: {  	s14 =	sadd.s32 $0x5280, s10;
	[sflag:s31] =	ssyncadd.s32 $0xFFFFE000  }
0x84: {  	[spmem:s2] =	stream.indirect.scatter.add.f32 [tilespmem:s19], [sflag:$0x9], $0x40, s14, s15, $0xb8;
	[tilespmem:$0x1FD00] =	vst v63  }
0x85: {  	_ =	swait.ge [sflag:s0], $0x2000  }
0x86: {  	[sflag:s0] =	ssyncset.done $0x0  }
0x87: {  	s3 =	sadd.s32 $0x600, s10;
	[sflag:s0] =	ssyncadd.s32 $0xFFFFE000  }
0x88: {  	[tilespmem:s16], [sflag:$0x1] =	stream.indirect.gather [hbm4b:s9+s15], $0x40, s3, s15, $0xb8;
	[tilespmem:$0x1FD00] =	vst v63  }
0x89: {  	_ =	swait.ge [sflag:s20], $0x2000  }
0x8a: {  	[sflag:s20] =	ssyncset.done $0x0  }
0x8b: {  	s11 =	sadd.s32 $0x5300, s10;
	[sflag:s20] =	ssyncadd.s32 $0xFFFFE000  }
0x8c: {  	[spmem:s2] =	stream.indirect.scatter.add.f32 [tilespmem:s21], [sflag:$0xA], $0x40, s11, s15, $0xb8;
	[tilespmem:$0x1FD00] =	vst v63  }
0x8d: {  	_ =	swait.ge [sflag:s28], $0x2000  }
0x8e: {  	p0 =	seq.s32 s8, $0x12000;
	[sflag:s28] =	ssyncset.done $0x0  }
0x8f: {  	s5 =	simm.s32 @p0 $0x5;
	[sflag:s28] =	ssyncadd.s32 $0xFFFFE000  }
0x90: {  	_ =	swait.ge @p0 [sflag:s5], $0x2000  }
0x91: {  	[sflag:s5] =	ssyncset.done @p0 $0x0  }
0x92: {  	[sflag:s5] =	ssyncadd.s32 @p0 $0xFFFFE000;
	s5 =	sshra.s32 @p0 s8, $0x2  }
0x93: {  	s14 =	simm.s32 @p0 $0x80;
	s11 =	simm.s32 @p0 $0x11D00;
	s5 =	sadd.s32 @p0 $0x5380, s5  }
0x94: {  	[spmem:s2] =	stream.indirect.scatter.add.f32 @p0 [tilespmem:s11], [sflag:$0xB], $0x40, s5, s14, $0xb8;
	[tilespmem:$0x1FD00] =	vst v63  }
0x95: {  	s5 =	simm.s32 @p0 $0x9  }
0x96: {  	_ =	swait.ge @p0 [sflag:s5], $0x2000  }
0x97: {  	[sflag:s5] =	ssyncset.done @p0 $0x0  }
0x98: {  	[sflag:s5] =	ssyncadd.s32 @p0 $0xFFFFE000;
	s5 =	sshra.s32 @!p0 s8, $0x2  }
0x99: {  	s3 =	simm.s32 @!p0 $0xBD00;
	s14 =	simm.s32 @!p0 $0x80;
	s11 =	sadd.s32 @!p0 $0x680, s5  }
0x9a: {  	[tilespmem:s3], [sflag:$0x2] =	stream.indirect.gather @!p0 [hbm4b:s9+s14], $0x40, s11, s14, $0xb8;
	[tilespmem:$0x1FD00] =	vst v63  }
0x9b: {  	s3 =	simm.s32 @!p0 $0x5  }
0x9c: {  	_ =	swait.ge @!p0 [sflag:s3], $0x2000  }
0x9d: {  	[sflag:s3] =	ssyncset.done @!p0 $0x0  }
0x9e: {  	s11 =	simm.s32 @!p0 $0x11D00;
	[sflag:s3] =	ssyncadd.s32 @!p0 $0xFFFFE000;
	s3 =	sadd.s32 @!p0 $0x5380, s5  }
0x9f: {  	[spmem:s2] =	stream.indirect.scatter.add.f32 @!p0 [tilespmem:s11], [sflag:$0xB], $0x40, s3, s14, $0xb8;
	[tilespmem:$0x1FD00] =	vst v63  }
0xa0: {  	s3 =	simm.s32 @!p0 $0x9  }
0xa1: {  	_ =	swait.ge @!p0 [sflag:s3], $0x2000  }
0xa2: {  	[sflag:s3] =	ssyncset.done @!p0 $0x0  }
0xa3: {  	[sflag:s3] =	ssyncadd.s32 @!p0 $0xFFFFE000;
	s3 =	sadd.s32 @!p0 $0x700, s5;
	s5 =	simm.s32 @!p0 $0xDD00  }
0xa4: {  	[tilespmem:s5], [sflag:$0x3] =	stream.indirect.gather @!p0 [hbm4b:s9+s14], $0x40, s3, s14, $0xb8;
	[tilespmem:$0x1FD00] =	vst v63  }
0xa5: {  	_ =	swait.ge [sflag:s18], $0x2000  }
0xa6: {  	[sflag:s18] =	ssyncset.done $0x0  }
.Ltmp2:
0xa7: {  	s14 =	sadd.s32 $0x5400, s10;
	[sflag:s18] =	ssyncadd.s32 $0xFFFFE000;
	(pc) =	sbr.rel @p0 .LBB2_4-.Ltmp2, $4  }
0xa8: {  	[spmem:s2] =	stream.indirect.scatter.add.f32 [tilespmem:s30], [sflag:$0xC], $0x40, s14, s15, $0xb8;
	[tilespmem:$0x1FD00] =	vst v63  }
0xa9: {  	_ =	swait.ge [sflag:s29], $0x2000  }
0xaa: {  	[sflag:s29] =	ssyncset.done $0x0  }
0xab: {  	[sflag:s29] =	ssyncadd.s32 $0xFFFFE000  }
.Ltmp3:
0xac: {  	(pc) =	sbr.rel .LBB2_2-.Ltmp3, $3  }
0xad: {  	_ =	sdelay $0x1  }
0xae: {  	s3 =	sadd.s32 $0x780, s10;
	s8 =	sadd.s32 $0xC00, s8  }
0xaf: {  	[tilespmem:s21], [sflag:$0x4] =	stream.indirect.gather [hbm4b:s9+s15], $0x40, s3, s15, $0xb8;
	[tilespmem:$0x1FD00] =	vst v63  }
.LBB2_5:
0xb0: {  	_ =	sfence.sel $0x180000  }
0xb1: {  	[bflag:$0x0] =	sbarrier.arrive $0xFFFF  }
0xb2: {  	_ =	strace $0x90000047  }
0xb3: {  	s0 =	stileid.u32;
	[bflag:$0x2] =	sbarrier.arrive $0xFFFF  }
0xb4: {  	p0 =	sne.s32 s0, $0x0;
	s0 =	rddreg [dreg:$0x3]  }
0xb5: {  	s0 =	sadd.s32 @!p0 $0x100000, s0  }
0xb6: {  	[sflag:s0] =	ssyncadd.tile.s32 @!p0 $0x1;
	_ =	shalt  }
.Lfunc_end2:
_tile_overlayer_lowered:
.L_overlay_start_2:
0xb7: {  	(tag) =	ssettag $0x2  }
0xb8: {  	s0 =	rddreg [dreg:$0x0];
	s2 =	stileid.u32  }
0xb9: {  	s1 =	rddreg [dreg:$0x1];
	p0 =	sne.s32 s2, $0x0  }
0xba: {  	s3 =	rddreg [dreg:$0x2];
	[bflag:$0x3] =	sbarrier.arrive $0xFFFF;
	s2 =	simm.s32 @!p0 $0x1C0E  }
0xbb: {  	[timem:s3], [sflag:s2] =	dma.local @!p0 [hbm:s0], s1  }
0xbc: {  	s0 =	simm.s32 @!p0 $0xE  }
0xbd: {  	_ =	swait.ge @!p0 [sflag:s0], s1  }
0xbe: {  	s1 =	ssub.s32 @!p0 $0x0, s1;
	[sflag:s0] =	ssyncset.done @!p0 $0x0  }
0xbf: {  	[sflag:s0] =	ssyncadd.s32 @!p0 s1  }
0xc0: {  	[bflag:$0x3] =	sbarrier.arrive $0xFFFF  }
0xc1: {  	_ =	shalt  }

</sc_bundles>
